<compile_context>
chip_gen: v7x
topology: tpu7x:2x2x1
jax: 0.10.2.dev20260603
libtpu: 0.0.44.dev20260713+nightly
codegen_flags: <defaults>
</compile_context>

<pallas_src>
import dataclasses
import functools

import jax
import jax.numpy as jnp
import numpy as np
from jax import lax
from jax.experimental import pallas as pl
from jax.experimental.pallas import tpu as pltpu
from jax.experimental.pallas import tpu_sc as plsc

N = 10000
E = 320000
D = 128
DH = D // 2
DE = 16
NC, NS, L = 2, 16, 16
NW = NC * NS
EPW = E // NW
CH = 80
NCHUNK = EPW // CH
NST = 10
RPT = N // NST
G = D // (2 * L)

_PERM = np.concatenate(
    [np.concatenate([16 * k + np.arange(16), 64 + 16 * k + np.arange(16)])
     for k in range(G)]
)

_mesh = plsc.VectorSubcoreMesh(
    core_axis_name="c", subcore_axis_name="s", num_cores=NC, num_subcores=NS
)

_sc_params = pltpu.CompilerParams()
if "needs_layout_passes" in pltpu.CompilerParams.__dataclass_fields__:
    _sc_params = dataclasses.replace(_sc_params, needs_layout_passes=False)
if "use_tc_tiling_on_sc" in pltpu.CompilerParams.__dataclass_fields__:
    _sc_params = dataclasses.replace(_sc_params, use_tc_tiling_on_sc=False)


def _pack_pairs(v):
    lo = v[:, :DH].astype(jnp.bfloat16).astype(jnp.float32)
    hi = v[:, DH:].astype(jnp.bfloat16).astype(jnp.float32)
    ulo = lax.shift_right_logical(lax.bitcast_convert_type(lo, jnp.uint32),
                                  jnp.uint32(16))
    uhi = lax.bitwise_and(lax.bitcast_convert_type(hi, jnp.uint32),
                          jnp.uint32(0xFFFF0000))
    return lax.bitcast_convert_type(lax.bitwise_or(ulo, uhi), jnp.float32)



def _node_proj_body(x_ref, w_ref, xa_ref, xb_ref):
    xab = jnp.dot(x_ref[...], w_ref[...], preferred_element_type=jnp.float32)
    xa_ref[...] = _pack_pairs(xab[:, :D])
    xb_ref[...] = _pack_pairs(xab[:, D:])


def _node_proj(x, w1abt):
    return pl.pallas_call(
        _node_proj_body,
        out_shape=(
            jax.ShapeDtypeStruct((N, DH), jnp.float32),
            jax.ShapeDtypeStruct((N, DH), jnp.float32),
        ),
    )(x, w1abt)


def _edge_proj_body(ea_ref, w_ref, b_ref, out_ref):
    v = (jnp.dot(ea_ref[...], w_ref[...], preferred_element_type=jnp.float32)
         + b_ref[...])
    out_ref[...] = _pack_pairs(v)


def _edge_proj(edge_attr, w1ct, b1):
    BE = 10000
    return pl.pallas_call(
        _edge_proj_body,
        out_shape=jax.ShapeDtypeStruct((E, DH), jnp.float32),
        grid=(E // BE,),
        in_specs=[
            pl.BlockSpec((BE, DE), lambda i: (i, 0)),
            pl.BlockSpec((DE, D), lambda i: (0, 0)),
            pl.BlockSpec((1, D), lambda i: (0, 0)),
        ],
        out_specs=pl.BlockSpec((BE, DH), lambda i: (i, 0)),
    )(edge_attr, w1ct, b1.reshape(1, D))



@functools.partial(
    pl.kernel,
    out_type=(
        jax.ShapeDtypeStruct((E, DH), jnp.float32),
        jax.ShapeDtypeStruct((NW, 2, D), jnp.float32),
        jax.ShapeDtypeStruct((NW, N), jnp.float32),
    ),
    mesh=_mesh,
    scratch_types=[
        pltpu.VMEM((NCHUNK, CH), jnp.int32),
        pltpu.VMEM((NCHUNK, CH), jnp.int32),
        pltpu.VMEM((2, CH, DH), jnp.float32),
        pltpu.VMEM((2, CH, DH), jnp.float32),
        pltpu.VMEM((2, CH, DH), jnp.float32),
        pltpu.VMEM((2, D), jnp.float32),
        pltpu.VMEM((N,), jnp.float32),
        pltpu.SemaphoreType.DMA,
        pltpu.SemaphoreType.DMA,
        pltpu.SemaphoreType.DMA,
        pltpu.SemaphoreType.DMA,
        pltpu.SemaphoreType.DMA,
        pltpu.SemaphoreType.DMA,
    ],
    compiler_params=_sc_params,
)
def _sc_pass1(xa_hbm, xb_hbm, ea_hbm, row_hbm, col_hbm,
              h_hbm, stats_hbm, cnt_hbm,
              rowsb, colsb, bufa, bufb, bufe, stats, counts,
              sa0, sa1, sb0, sb1, se0, se1):
    cid = lax.axis_index("c")
    sid = lax.axis_index("s")
    wid = sid * NC + cid
    base = wid * EPW
    sems_a = (sa0, sa1)
    sems_b = (sb0, sb1)
    sems_e = (se0, se1)

    zero16 = jnp.zeros((L,), jnp.float32)
    ones16 = jnp.full((L,), 1.0, jnp.float32)

    @pl.loop(0, N // L)
    def _(i):
        counts[pl.ds(i * L, L)] = zero16

    pltpu.sync_copy(row_hbm.at[wid], rowsb)
    pltpu.sync_copy(col_hbm.at[wid], colsb)

    def _issue(c, b):
        pltpu.async_copy(xa_hbm.at[rowsb.at[c]], bufa.at[b], sems_a[b])
        pltpu.async_copy(xb_hbm.at[colsb.at[c]], bufb.at[b], sems_b[b])
        pltpu.async_copy(ea_hbm.at[pl.ds(base + c * CH, CH)], bufe.at[b],
                         sems_e[b])

    def _wait(c, b):
        pltpu.make_async_copy(xa_hbm.at[rowsb.at[c]], bufa.at[b],
                              sems_a[b]).wait()
        pltpu.make_async_copy(xb_hbm.at[colsb.at[c]], bufb.at[b],
                              sems_b[b]).wait()
        pltpu.make_async_copy(ea_hbm.at[pl.ds(base + c * CH, CH)], bufe.at[b],
                              sems_e[b]).wait()

    def _compute(c, b):
        @pl.loop(0, CH // L)
        def _(j):
            idxv = rowsb[c, pl.ds(j * L, L)]
            plsc.addupdate_scatter(counts, [idxv], ones16)

        def _body(e, carry):
            out_s, out_q = [], []
            for k in range(G):
                sl = pl.ds(k * L, L)
                a = plsc.bitcast(bufa[b, e, sl], jnp.bfloat16)
                a2 = plsc.bitcast(bufb[b, e, sl], jnp.bfloat16)
                a3 = plsc.bitcast(bufe[b, e, sl], jnp.bfloat16)
                h = a + a2 + a3
                bufe[b, e, sl] = plsc.bitcast(h, jnp.float32)
                ha, hb = plsc.unpack(h, format=plsc.PackFormat.INTERLEAVED)
                out_s.append(carry[2 * k] + ha)
                out_s.append(carry[2 * k + 1] + hb)
                out_q.append(carry[2 * G + 2 * k] + ha * ha)
                out_q.append(carry[2 * G + 2 * k + 1] + hb * hb)
            return tuple(out_s + out_q)

        acc = lax.fori_loop(0, CH, _body, (zero16,) * (4 * G))
        for k in range(2 * G):
            plsc.addupdate(stats.at[0, pl.ds(k * L, L)], acc[k])
            plsc.addupdate(stats.at[1, pl.ds(k * L, L)], acc[2 * G + k])
        pltpu.sync_copy(bufe.at[b], h_hbm.at[pl.ds(base + c * CH, CH)])

    @pl.loop(0, 2 * G)
    def _(k):
        stats[0, pl.ds(k * L, L)] = zero16
        stats[1, pl.ds(k * L, L)] = zero16

    _issue(0, 0)

    @pl.loop(0, NCHUNK // 2)
    def _(t):
        for b in range(2):
            c = 2 * t + b
            _wait(c, b)
            _issue(c + 1, 1 - b)
            _compute(c, b)

    _wait(NCHUNK - 1, 0)
    _compute(NCHUNK - 1, 0)

    pltpu.sync_copy(stats, stats_hbm.at[wid])
    pltpu.sync_copy(counts, cnt_hbm.at[wid])



def _stats_body(stats_ref, g_ref, b_ref, ss_ref):
    s = jnp.sum(stats_ref[...], axis=0)
    mean = s[0:1, :] * (1.0 / E)
    ex2 = s[1:2, :] * (1.0 / E)
    var = ex2 - mean * mean
    inv = lax.rsqrt(var + 1e-5)
    scale = g_ref[...] * inv
    shift = b_ref[...] - mean * scale
    ss_ref[...] = jnp.concatenate([scale, shift], axis=0)


def _stats_reduce(stats, gamma_p, beta_p):
    return pl.pallas_call(
        _stats_body,
        out_shape=jax.ShapeDtypeStruct((2, D), jnp.float32),
    )(stats, gamma_p.reshape(1, D), beta_p.reshape(1, D))



@functools.partial(
    pl.kernel,
    out_type=jax.ShapeDtypeStruct((NC, N, D), jnp.float32),
    mesh=_mesh,
    scratch_types=[
        pltpu.VMEM((NCHUNK, CH), jnp.int32),
        pltpu.VMEM((2, CH, DH), jnp.float32),
        pltpu.VMEM((CH, D), jnp.float32),
        pltpu.VMEM((2, D), jnp.float32),
        pltpu.VMEM_SHARED((N, D), jnp.float32),
        pltpu.SemaphoreType.DMA,
        pltpu.SemaphoreType.DMA,
    ],
    compiler_params=_sc_params,
)
def _sc_pass2(h_hbm, row_hbm, ss_hbm, zeros_hbm,
              s_hbm,
              rowsb, buf, ybuf, ss, s_sh, sh0, sh1):
    cid = lax.axis_index("c")
    sid = lax.axis_index("s")
    wid = sid * NC + cid
    base = wid * EPW
    sems = (sh0, sh1)

    pltpu.sync_copy(ss_hbm, ss)
    pltpu.sync_copy(row_hbm.at[wid], rowsb)

    @pl.when(sid < NST)
    def _():
        pltpu.sync_copy(zeros_hbm, s_sh.at[pl.ds(sid * RPT, RPT)])

    sv = [plsc.pack(ss[0, pl.ds(2 * k * L, L)], ss[0, pl.ds((2 * k + 1) * L, L)],
                    format=plsc.PackFormat.INTERLEAVED) for k in range(G)]
    tv = [plsc.pack(ss[1, pl.ds(2 * k * L, L)], ss[1, pl.ds((2 * k + 1) * L, L)],
                    format=plsc.PackFormat.INTERLEAVED) for k in range(G)]

    def _issue(c, b):
        pltpu.async_copy(h_hbm.at[pl.ds(base + c * CH, CH)], buf.at[b],
                         sems[b])

    def _wait(c, b):
        pltpu.make_async_copy(h_hbm.at[pl.ds(base + c * CH, CH)], buf.at[b],
                              sems[b]).wait()

    def _compute(c, b):
        @pl.loop(0, CH)
        def _(e):
            for k in range(G):
                sl = pl.ds(k * L, L)
                h = plsc.bitcast(buf[b, e, sl], jnp.bfloat16)
                y = jnp.maximum(h * sv[k] + tv[k], jnp.bfloat16(0.0))
                ya, yb = plsc.unpack(y, format=plsc.PackFormat.INTERLEAVED)
                ybuf[e, pl.ds(2 * k * L, L)] = ya
                ybuf[e, pl.ds((2 * k + 1) * L, L)] = yb

        pltpu.sync_copy(ybuf, s_sh.at[rowsb.at[c]], add=True)

    _issue(0, 0)
    plsc.subcore_barrier()

    @pl.loop(0, NCHUNK // 2)
    def _(t):
        for b in range(2):
            c = 2 * t + b
            _wait(c, b)
            _issue(c + 1, 1 - b)
            _compute(c, b)

    _wait(NCHUNK - 1, 0)
    _compute(NCHUNK - 1, 0)

    plsc.subcore_barrier()

    @pl.when(sid < NST)
    def _():
        pltpu.sync_copy(
            s_sh.at[pl.ds(sid * RPT, RPT)],
            s_hbm.at[cid].at[pl.ds(sid * RPT, RPT)],
        )



def _final_body(s_ref, cnt_ref, x_ref, w_ref, b_ref, out_ref):
    s = s_ref[0] + s_ref[1]
    cnt = jnp.sum(cnt_ref[...], axis=0)[:, None]
    m = jnp.dot(s, w_ref[...], preferred_element_type=jnp.float32)
    out_ref[...] = (m + cnt * b_ref[...]) / (cnt + 1.0) + x_ref[...]


def _final(s_parts, cnts, x, w2tp, b2):
    return pl.pallas_call(
        _final_body,
        out_shape=jax.ShapeDtypeStruct((N, D), jnp.float32),
    )(s_parts, cnts, x, w2tp, b2.reshape(1, D))



def kernel(x, edge_index, edge_attr, W1, b1, gamma, beta, W2, b2):
    row = edge_index[0].astype(jnp.int32)
    col = edge_index[1].astype(jnp.int32)
    rows3 = row.reshape(NW, NCHUNK, CH)
    cols3 = col.reshape(NW, NCHUNK, CH)
    perm = jnp.asarray(_PERM, dtype=jnp.int32)
    w1abt = jnp.concatenate([W1[:, :D].T, W1[:, D : 2 * D].T], axis=1)
    w1ct = W1[:, 2 * D :].T
    w2tp = W2.T[perm, :]

    xa, xb = _node_proj(x, w1abt)
    ea = _edge_proj(edge_attr, w1ct, b1)
    h, stats, cnts = _sc_pass1(xa, xb, ea, rows3, cols3)
    ss = _stats_reduce(stats, gamma[perm], beta[perm])
    zeros = jnp.zeros((RPT, D), jnp.float32)
    s_parts = _sc_pass2(h, rows3, ss, zeros)
    return _final(s_parts, cnts, x, w2tp, b2)

# --- scband reference (transcript-rebuilt; emitter-appended) ---
"""Pipeline reference for scband-edge-conv-layer-67705864454302 (READ-ONLY COPY).

The authoritative reference and input builder live on the scoring server;
editing this copy changes nothing except your own understanding.
"""

import jax, jax.numpy as jnp
import numpy as np

N_NODES = 10000
N_EDGES = 320000
D_IN = 128
D_OUT = 128
D_EDGE = 16


def setup_inputs(seed: int = 0) -> dict:
    key = jax.random.key(seed)
    ks = jax.random.split(key, 9)
    x = jax.random.normal(ks[0], (N_NODES, D_IN), dtype=jnp.float32)
    edge_index = jax.random.randint(ks[1], (2, N_EDGES), 0, N_NODES, dtype=jnp.int64) if jax.config.jax_enable_x64 else jax.random.randint(ks[1], (2, N_EDGES), 0, N_NODES).astype(jnp.int32)
    edge_attr = jax.random.normal(ks[2], (N_EDGES, D_EDGE), dtype=jnp.float32)
    fan1 = 2 * D_IN + D_EDGE
    W1 = jax.random.normal(ks[3], (D_OUT, fan1), dtype=jnp.float32) * (1.0 / np.sqrt(fan1))
    b1 = jax.random.normal(ks[4], (D_OUT,), dtype=jnp.float32) * 0.01
    gamma = jnp.ones((D_OUT,), dtype=jnp.float32)
    beta = jnp.zeros((D_OUT,), dtype=jnp.float32)
    W2 = jax.random.normal(ks[5], (D_OUT, D_OUT), dtype=jnp.float32) * (1.0 / np.sqrt(D_OUT))
    b2 = jax.random.normal(ks[6], (D_OUT,), dtype=jnp.float32) * 0.01
    return {"x": x, "edge_index": edge_index, "edge_attr": edge_attr,
            "W1": W1, "b1": b1, "gamma": gamma, "beta": beta, "W2": W2, "b2": b2}


def reference(x, edge_index, edge_attr, W1, b1, gamma, beta, W2, b2):
    row = edge_index[0]
    col = edge_index[1]
    x_i = jnp.take(x, row, axis=0)
    x_j = jnp.take(x, col, axis=0)
    edge_features = jnp.concatenate([x_i, x_j, edge_attr], axis=-1)
    # Linear -> BatchNorm1d (training-mode batch stats, biased var, eps=1e-5) -> ReLU -> Linear
    h = edge_features @ W1.T + b1
    mean = jnp.mean(h, axis=0)
    var = jnp.var(h, axis=0)
    h = (h - mean) / jnp.sqrt(var + 1e-5) * gamma + beta
    h = jax.nn.relu(h)
    messages = h @ W2.T + b2
    # scatter_reduce(reduce='mean', include_self=True) on zero-init out:
    # result[i] = sum(messages to i) / (count_i + 1); nodes with no edges stay 0.
    sums = jnp.zeros((x.shape[0], messages.shape[-1]), dtype=messages.dtype).at[row].add(messages)
    counts = jnp.zeros((x.shape[0],), dtype=messages.dtype).at[row].add(1.0)
    out = sums / (counts + 1.0)[:, None]
    # residual is Identity since in_channels == out_channels
    return out + x

if __name__ == "__main__":
    import jax
    _d = setup_inputs()
    print(jax.jit(kernel)(*tuple(_d.values())))

</pallas_src>

<mosaic_0001>
#map = affine_map<(d0, d1) -> (0, 0)>
#map1 = affine_map<(d0, d1) -> (0, 0, 0)>
module attributes {stable_mosaic.version = 14 : i64} {
  func.func @_sc_pass1(%arg0: i32, %arg1: i32, %arg2: memref<10000x64xf32, #tpu.memory_space<hbm>>, %arg3: memref<10000x64xf32, #tpu.memory_space<hbm>>, %arg4: memref<320000x64xf32, #tpu.memory_space<hbm>>, %arg5: memref<32x125x80xi32, #tpu.memory_space<hbm>>, %arg6: memref<32x125x80xi32, #tpu.memory_space<hbm>>, %arg7: memref<320000x64xf32, #tpu.memory_space<hbm>>, %arg8: memref<32x2x128xf32, #tpu.memory_space<hbm>>, %arg9: memref<32x10000xf32, #tpu.memory_space<hbm>>, %arg10: memref<125x80xi32, #tpu.memory_space<vmem>>, %arg11: memref<125x80xi32, #tpu.memory_space<vmem>>, %arg12: memref<2x80x64xf32, #tpu.memory_space<vmem>>, %arg13: memref<2x80x64xf32, #tpu.memory_space<vmem>>, %arg14: memref<2x80x64xf32, #tpu.memory_space<vmem>>, %arg15: memref<2x128xf32, #tpu.memory_space<vmem>>, %arg16: memref<10000xf32, #tpu.memory_space<vmem>>, %arg17: memref<!tpu.dma_semaphore, #tpu.memory_space<semaphore_mem>>, %arg18: memref<!tpu.dma_semaphore, #tpu.memory_space<semaphore_mem>>, %arg19: memref<!tpu.dma_semaphore, #tpu.memory_space<semaphore_mem>>, %arg20: memref<!tpu.dma_semaphore, #tpu.memory_space<semaphore_mem>>, %arg21: memref<!tpu.dma_semaphore, #tpu.memory_space<semaphore_mem>>, %arg22: memref<!tpu.dma_semaphore, #tpu.memory_space<semaphore_mem>>) attributes {dimension_semantics = [#tpu.dimension_semantics<core_parallel>, #tpu.dimension_semantics<subcore_parallel>], iteration_bounds = array<i64: 2, 16>, scalar_prefetch = 0 : i64, scratch_operands = 13 : i64, tpu.core_type = #tpu.core_type<sc_vector_subcore>, window_params = [{transform_indices = #map}, {transform_indices = #map}, {transform_indices = #map}, {transform_indices = #map1}, {transform_indices = #map1}, {transform_indices = #map}, {transform_indices = #map1}, {transform_indices = #map}]} {
    %mul3A = arith.constant 2 : i32
    %mul3A_0 = arith.muli %arg1, %mul3A : i32
    %add3A = arith.addi %mul3A_0, %arg0 : i32
    %mul3A_1 = arith.constant 10000 : i32
    %mul3A_2 = arith.muli %add3A, %mul3A_1 : i32
    %broadcast_in_dim3A = arith.constant 0.000000e+00 : f32
    %broadcast_in_dim3A_3 = vector.broadcast %broadcast_in_dim3A : f32 to vector<16xf32>
    %broadcast_in_dim3A_4 = arith.constant 1.000000e+00 : f32
    %broadcast_in_dim3A_5 = vector.broadcast %broadcast_in_dim3A_4 : f32 to vector<16xf32>
    %scan3A = arith.constant 0 : i32
    %scan3A_6 = arith.constant 625 : i32
    %scan3A_7 = arith.addi %scan3A, %scan3A_6 : i32
    %scan3A_8 = arith.constant 1 : i32
    scf.for %scan3A_172 = %scan3A to %scan3A_7 step %scan3A_8  : i32 {
      %mul3A_173 = arith.constant 1 : i32
      %mul3A_174 = arith.muli %scan3A_172, %mul3A_173 : i32
      %add3A_175 = arith.constant 0 : i32
      %add3A_176 = arith.addi %add3A_175, %mul3A_174 : i32
      %mul3A_177 = arith.constant 16 : i32
      %mul3A_178 = arith.muli %add3A_176, %mul3A_177 : i32
      %swap3A_179 = arith.index_cast %mul3A_178 : i32 to index
      %swap3A_180 = tpu.vector_load %arg16[%swap3A_179] {strides = array<i32>} : memref<10000xf32, #tpu.memory_space<vmem>>, vector<16xf32>,
      tpu.vector_store %arg16[%swap3A_179], %broadcast_in_dim3A_3 {strides = array<i32>} : memref<10000xf32, #tpu.memory_space<vmem>>, vector<16xf32>,
    }
    %scan3A_9 = arith.constant 625 : i32
    "tpu.region"() ({
      %run_scoped3A_172 = tpu.sem_alloc : memref<!tpu.dma_semaphore, #tpu.memory_space<semaphore_mem>>
      %dma_start3A_173 = arith.constant 0 : i32
      %dma_start3A_174 = arith.constant 0 : i32
      %dma_start3A_175 = tpu.memref_slice %arg5[%add3A, %dma_start3A_173, %dma_start3A_174] : memref<32x125x80xi32, #tpu.memory_space<hbm>> -> memref<1x125x80xi32, #tpu.memory_space<hbm>>
      %dma_start3A_176 = tpu.memref_squeeze %dma_start3A_175 : memref<1x125x80xi32, #tpu.memory_space<hbm>> -> memref<125x80xi32, #tpu.memory_space<hbm>>
      %dma_start3A_177 = arith.constant 0 : i32
      %dma_start3A_178 = arith.constant 0 : i32
      %dma_start3A_179 = tpu.memref_slice %arg5[%add3A, %dma_start3A_177, %dma_start3A_178] : memref<32x125x80xi32, #tpu.memory_space<hbm>> -> memref<1x125x80xi32, #tpu.memory_space<hbm>>
      %dma_start3A_180 = tpu.memref_squeeze %dma_start3A_179 : memref<1x125x80xi32, #tpu.memory_space<hbm>> -> memref<125x80xi32, #tpu.memory_space<hbm>>
      tpu.enqueue_dma source(%dma_start3A_180 : memref<125x80xi32, #tpu.memory_space<hbm>>) target(%arg10 : memref<125x80xi32, #tpu.memory_space<vmem>>) target_semaphore(%run_scoped3A_172 : memref<!tpu.dma_semaphore, #tpu.memory_space<semaphore_mem>>)
      %dma_wait3A_181 = arith.constant 0 : i32
      %dma_wait3A_182 = arith.constant 0 : i32
      %dma_wait3A_183 = tpu.memref_slice %arg5[%add3A, %dma_wait3A_181, %dma_wait3A_182] : memref<32x125x80xi32, #tpu.memory_space<hbm>> -> memref<1x125x80xi32, #tpu.memory_space<hbm>>
      %dma_wait3A_184 = tpu.memref_squeeze %dma_wait3A_183 : memref<1x125x80xi32, #tpu.memory_space<hbm>> -> memref<125x80xi32, #tpu.memory_space<hbm>>
      %dma_wait3A_185 = arith.constant 0 : i32
      %dma_wait3A_186 = arith.constant 0 : i32
      %dma_wait3A_187 = tpu.memref_slice %arg5[%add3A, %dma_wait3A_185, %dma_wait3A_186] : memref<32x125x80xi32, #tpu.memory_space<hbm>> -> memref<1x125x80xi32, #tpu.memory_space<hbm>>
      %dma_wait3A_188 = tpu.memref_squeeze %dma_wait3A_187 : memref<1x125x80xi32, #tpu.memory_space<hbm>> -> memref<125x80xi32, #tpu.memory_space<hbm>>
      tpu.wait_dma2 semaphore(%run_scoped3A_172 : memref<!tpu.dma_semaphore, #tpu.memory_space<semaphore_mem>>) src(%dma_wait3A_188 : memref<125x80xi32, #tpu.memory_space<hbm>>) dst(%arg10 : memref<125x80xi32, #tpu.memory_space<vmem>>)
      tpu.yield
    }) : () -> ()
    "tpu.region"() ({
      %run_scoped3A_172 = tpu.sem_alloc : memref<!tpu.dma_semaphore, #tpu.memory_space<semaphore_mem>>
      %dma_start3A_173 = arith.constant 0 : i32
      %dma_start3A_174 = arith.constant 0 : i32
      %dma_start3A_175 = tpu.memref_slice %arg6[%add3A, %dma_start3A_173, %dma_start3A_174] : memref<32x125x80xi32, #tpu.memory_space<hbm>> -> memref<1x125x80xi32, #tpu.memory_space<hbm>>
      %dma_start3A_176 = tpu.memref_squeeze %dma_start3A_175 : memref<1x125x80xi32, #tpu.memory_space<hbm>> -> memref<125x80xi32, #tpu.memory_space<hbm>>
      %dma_start3A_177 = arith.constant 0 : i32
      %dma_start3A_178 = arith.constant 0 : i32
      %dma_start3A_179 = tpu.memref_slice %arg6[%add3A, %dma_start3A_177, %dma_start3A_178] : memref<32x125x80xi32, #tpu.memory_space<hbm>> -> memref<1x125x80xi32, #tpu.memory_space<hbm>>
      %dma_start3A_180 = tpu.memref_squeeze %dma_start3A_179 : memref<1x125x80xi32, #tpu.memory_space<hbm>> -> memref<125x80xi32, #tpu.memory_space<hbm>>
      tpu.enqueue_dma source(%dma_start3A_180 : memref<125x80xi32, #tpu.memory_space<hbm>>) target(%arg11 : memref<125x80xi32, #tpu.memory_space<vmem>>) target_semaphore(%run_scoped3A_172 : memref<!tpu.dma_semaphore, #tpu.memory_space<semaphore_mem>>)
      %dma_wait3A_181 = arith.constant 0 : i32
      %dma_wait3A_182 = arith.constant 0 : i32
      %dma_wait3A_183 = tpu.memref_slice %arg6[%add3A, %dma_wait3A_181, %dma_wait3A_182] : memref<32x125x80xi32, #tpu.memory_space<hbm>> -> memref<1x125x80xi32, #tpu.memory_space<hbm>>
      %dma_wait3A_184 = tpu.memref_squeeze %dma_wait3A_183 : memref<1x125x80xi32, #tpu.memory_space<hbm>> -> memref<125x80xi32, #tpu.memory_space<hbm>>
      %dma_wait3A_185 = arith.constant 0 : i32
      %dma_wait3A_186 = arith.constant 0 : i32
      %dma_wait3A_187 = tpu.memref_slice %arg6[%add3A, %dma_wait3A_185, %dma_wait3A_186] : memref<32x125x80xi32, #tpu.memory_space<hbm>> -> memref<1x125x80xi32, #tpu.memory_space<hbm>>
      %dma_wait3A_188 = tpu.memref_squeeze %dma_wait3A_187 : memref<1x125x80xi32, #tpu.memory_space<hbm>> -> memref<125x80xi32, #tpu.memory_space<hbm>>
      tpu.wait_dma2 semaphore(%run_scoped3A_172 : memref<!tpu.dma_semaphore, #tpu.memory_space<semaphore_mem>>) src(%dma_wait3A_188 : memref<125x80xi32, #tpu.memory_space<hbm>>) dst(%arg11 : memref<125x80xi32, #tpu.memory_space<vmem>>)
      tpu.yield
    }) : () -> ()
    %scan3A_10 = arith.constant 0 : i32
    %scan3A_11 = arith.constant 8 : i32
    %scan3A_12 = arith.addi %scan3A_10, %scan3A_11 : i32
    %scan3A_13 = arith.constant 1 : i32
    scf.for %scan3A_172 = %scan3A_10 to %scan3A_12 step %scan3A_13  : i32 {
      %mul3A_173 = arith.constant 1 : i32
      %mul3A_174 = arith.muli %scan3A_172, %mul3A_173 : i32
      %add3A_175 = arith.constant 0 : i32
      %add3A_176 = arith.addi %add3A_175, %mul3A_174 : i32
      %mul3A_177 = arith.constant 16 : i32
      %mul3A_178 = arith.muli %add3A_176, %mul3A_177 : i32
      %swap3A_179 = arith.constant 0 : i32
      %swap3A_180 = arith.index_cast %swap3A_179 : i32 to index
      %swap3A_181 = arith.index_cast %mul3A_178 : i32 to index
      %swap3A_182 = tpu.vector_load %arg15[%swap3A_180, %swap3A_181] {strides = array<i32>} : memref<2x128xf32, #tpu.memory_space<vmem>>, vector<16xf32>,
      tpu.vector_store %arg15[%swap3A_180, %swap3A_181], %broadcast_in_dim3A_3 {strides = array<i32>} : memref<2x128xf32, #tpu.memory_space<vmem>>, vector<16xf32>,
      %mul3A_183 = arith.constant 16 : i32
      %mul3A_184 = arith.muli %add3A_176, %mul3A_183 : i32
      %swap3A_185 = arith.constant 1 : i32
      %swap3A_186 = arith.index_cast %swap3A_185 : i32 to index
      %swap3A_187 = arith.index_cast %mul3A_184 : i32 to index
      %swap3A_188 = tpu.vector_load %arg15[%swap3A_186, %swap3A_187] {strides = array<i32>} : memref<2x128xf32, #tpu.memory_space<vmem>>, vector<16xf32>,
      tpu.vector_store %arg15[%swap3A_186, %swap3A_187], %broadcast_in_dim3A_3 {strides = array<i32>} : memref<2x128xf32, #tpu.memory_space<vmem>>, vector<16xf32>,
    }
    %scan3A_14 = arith.constant 8 : i32
    %dma_start3A = arith.constant 0 : i32
    %dma_start3A_15 = arith.constant 0 : i32
    %dma_start3A_16 = arith.constant 0 : i32
    %dma_start3A_17 = arith.constant 0 : i32
    %dma_start3A_18 = tpu.memref_slice %arg12[%dma_start3A_15, %dma_start3A_16, %dma_start3A_17] : memref<2x80x64xf32, #tpu.memory_space<vmem>> -> memref<1x80x64xf32, #tpu.memory_space<vmem>>
    %dma_start3A_19 = tpu.memref_squeeze %dma_start3A_18 : memref<1x80x64xf32, #tpu.memory_space<vmem>> -> memref<80x64xf32, #tpu.memory_space<vmem>>
    %dma_start3A_20 = arith.constant 0 : i32
    %dma_start3A_21 = tpu.memref_slice %arg10[%dma_start3A, %dma_start3A_20] : memref<125x80xi32, #tpu.memory_space<vmem>> -> memref<1x80xi32, #tpu.memory_space<vmem>>
    %dma_start3A_22 = tpu.memref_squeeze %dma_start3A_21 : memref<1x80xi32, #tpu.memory_space<vmem>> -> memref<80xi32, #tpu.memory_space<vmem>>
    %dma_start3A_23 = arith.constant 0 : i32
    %dma_start3A_24 = arith.constant 0 : i32
    %dma_start3A_25 = tpu.memref_slice %arg2[%dma_start3A_23, %dma_start3A_24] : memref<10000x64xf32, #tpu.memory_space<hbm>> -> memref<10000x64xf32, #tpu.memory_space<hbm>>
    tpu.enqueue_indirect_dma source(%dma_start3A_25 : memref<10000x64xf32, #tpu.memory_space<hbm>>) target(%dma_start3A_19 : memref<80x64xf32, #tpu.memory_space<vmem>>) offsets(%dma_start3A_22 : memref<80xi32, #tpu.memory_space<vmem>>) semaphore(%arg17 : memref<!tpu.dma_semaphore, #tpu.memory_space<semaphore_mem>>)
    %dma_start3A_26 = arith.constant 0 : i32
    %dma_start3A_27 = arith.constant 0 : i32
    %dma_start3A_28 = arith.constant 0 : i32
    %dma_start3A_29 = arith.constant 0 : i32
    %dma_start3A_30 = tpu.memref_slice %arg13[%dma_start3A_27, %dma_start3A_28, %dma_start3A_29] : memref<2x80x64xf32, #tpu.memory_space<vmem>> -> memref<1x80x64xf32, #tpu.memory_space<vmem>>
    %dma_start3A_31 = tpu.memref_squeeze %dma_start3A_30 : memref<1x80x64xf32, #tpu.memory_space<vmem>> -> memref<80x64xf32, #tpu.memory_space<vmem>>
    %dma_start3A_32 = arith.constant 0 : i32
    %dma_start3A_33 = tpu.memref_slice %arg11[%dma_start3A_26, %dma_start3A_32] : memref<125x80xi32, #tpu.memory_space<vmem>> -> memref<1x80xi32, #tpu.memory_space<vmem>>
    %dma_start3A_34 = tpu.memref_squeeze %dma_start3A_33 : memref<1x80xi32, #tpu.memory_space<vmem>> -> memref<80xi32, #tpu.memory_space<vmem>>
    %dma_start3A_35 = arith.constant 0 : i32
    %dma_start3A_36 = arith.constant 0 : i32
    %dma_start3A_37 = tpu.memref_slice %arg3[%dma_start3A_35, %dma_start3A_36] : memref<10000x64xf32, #tpu.memory_space<hbm>> -> memref<10000x64xf32, #tpu.memory_space<hbm>>
    tpu.enqueue_indirect_dma source(%dma_start3A_37 : memref<10000x64xf32, #tpu.memory_space<hbm>>) target(%dma_start3A_31 : memref<80x64xf32, #tpu.memory_space<vmem>>) offsets(%dma_start3A_34 : memref<80xi32, #tpu.memory_space<vmem>>) semaphore(%arg19 : memref<!tpu.dma_semaphore, #tpu.memory_space<semaphore_mem>>)
    %add3A_38 = arith.constant 0 : i32
    %add3A_39 = arith.addi %mul3A_2, %add3A_38 : i32
    %dma_start3A_40 = arith.constant 0 : i32
    %dma_start3A_41 = arith.constant 0 : i32
    %dma_start3A_42 = arith.constant 0 : i32
    %dma_start3A_43 = tpu.memref_slice %arg14[%dma_start3A_40, %dma_start3A_41, %dma_start3A_42] : memref<2x80x64xf32, #tpu.memory_space<vmem>> -> memref<1x80x64xf32, #tpu.memory_space<vmem>>
    %dma_start3A_44 = tpu.memref_squeeze %dma_start3A_43 : memref<1x80x64xf32, #tpu.memory_space<vmem>> -> memref<80x64xf32, #tpu.memory_space<vmem>>
    %dma_start3A_45 = arith.constant 0 : i32
    %dma_start3A_46 = tpu.memref_slice %arg4[%add3A_39, %dma_start3A_45] : memref<320000x64xf32, #tpu.memory_space<hbm>> -> memref<80x64xf32, #tpu.memory_space<hbm>>
    %dma_start3A_47 = arith.constant 0 : i32
    %dma_start3A_48 = arith.constant 0 : i32
    %dma_start3A_49 = tpu.memref_slice %arg14[%dma_start3A_40, %dma_start3A_47, %dma_start3A_48] : memref<2x80x64xf32, #tpu.memory_space<vmem>> -> memref<1x80x64xf32, #tpu.memory_space<vmem>>
    %dma_start3A_50 = tpu.memref_squeeze %dma_start3A_49 : memref<1x80x64xf32, #tpu.memory_space<vmem>> -> memref<80x64xf32, #tpu.memory_space<vmem>>
    %dma_start3A_51 = arith.constant 0 : i32
    %dma_start3A_52 = tpu.memref_slice %arg4[%add3A_39, %dma_start3A_51] : memref<320000x64xf32, #tpu.memory_space<hbm>> -> memref<80x64xf32, #tpu.memory_space<hbm>>
    tpu.enqueue_dma source(%dma_start3A_52 : memref<80x64xf32, #tpu.memory_space<hbm>>) target(%dma_start3A_50 : memref<80x64xf32, #tpu.memory_space<vmem>>) target_semaphore(%arg21 : memref<!tpu.dma_semaphore, #tpu.memory_space<semaphore_mem>>)
    %scan3A_53 = arith.constant 0 : i32
    %scan3A_54 = arith.constant 62 : i32
    %scan3A_55 = arith.addi %scan3A_53, %scan3A_54 : i32
    %scan3A_56 = arith.constant 1 : i32
    scf.for %scan3A_172 = %scan3A_53 to %scan3A_55 step %scan3A_56  : i32 {
      %mul3A_173 = arith.constant 1 : i32
      %mul3A_174 = arith.muli %scan3A_172, %mul3A_173 : i32
      %add3A_175 = arith.constant 0 : i32
      %add3A_176 = arith.addi %add3A_175, %mul3A_174 : i32
      %mul3A_177 = arith.constant 2 : i32
      %mul3A_178 = arith.muli %mul3A_177, %add3A_176 : i32
      %add3A_179 = arith.constant 0 : i32
      %add3A_180 = arith.addi %mul3A_178, %add3A_179 : i32
      %dma_wait3A_181 = arith.constant 0 : i32
      %dma_wait3A_182 = arith.constant 0 : i32
      %dma_wait3A_183 = arith.constant 0 : i32
      %dma_wait3A_184 = tpu.memref_slice %arg12[%dma_wait3A_181, %dma_wait3A_182, %dma_wait3A_183] : memref<2x80x64xf32, #tpu.memory_space<vmem>> -> memref<1x80x64xf32, #tpu.memory_space<vmem>>
      %dma_wait3A_185 = tpu.memref_squeeze %dma_wait3A_184 : memref<1x80x64xf32, #tpu.memory_space<vmem>> -> memref<80x64xf32, #tpu.memory_space<vmem>>
      %dma_wait3A_186 = arith.constant 0 : i32
      %dma_wait3A_187 = tpu.memref_slice %arg10[%add3A_180, %dma_wait3A_186] : memref<125x80xi32, #tpu.memory_space<vmem>> -> memref<1x80xi32, #tpu.memory_space<vmem>>
      %dma_wait3A_188 = tpu.memref_squeeze %dma_wait3A_187 : memref<1x80xi32, #tpu.memory_space<vmem>> -> memref<80xi32, #tpu.memory_space<vmem>>
      %dma_wait3A_189 = arith.constant 0 : i32
      %dma_wait3A_190 = arith.constant 0 : i32
      %dma_wait3A_191 = tpu.memref_slice %arg2[%dma_wait3A_189, %dma_wait3A_190] : memref<10000x64xf32, #tpu.memory_space<hbm>> -> memref<10000x64xf32, #tpu.memory_space<hbm>>
      tpu.wait_indirect_dma semaphore(%arg17 : memref<!tpu.dma_semaphore, #tpu.memory_space<semaphore_mem>>) src(%dma_wait3A_191 : memref<10000x64xf32, #tpu.memory_space<hbm>>) dst(%dma_wait3A_185 : memref<80x64xf32, #tpu.memory_space<vmem>>)
      %dma_wait3A_192 = arith.constant 0 : i32
      %dma_wait3A_193 = arith.constant 0 : i32
      %dma_wait3A_194 = arith.constant 0 : i32
      %dma_wait3A_195 = tpu.memref_slice %arg13[%dma_wait3A_192, %dma_wait3A_193, %dma_wait3A_194] : memref<2x80x64xf32, #tpu.memory_space<vmem>> -> memref<1x80x64xf32, #tpu.memory_space<vmem>>
      %dma_wait3A_196 = tpu.memref_squeeze %dma_wait3A_195 : memref<1x80x64xf32, #tpu.memory_space<vmem>> -> memref<80x64xf32, #tpu.memory_space<vmem>>
      %dma_wait3A_197 = arith.constant 0 : i32
      %dma_wait3A_198 = tpu.memref_slice %arg11[%add3A_180, %dma_wait3A_197] : memref<125x80xi32, #tpu.memory_space<vmem>> -> memref<1x80xi32, #tpu.memory_space<vmem>>
      %dma_wait3A_199 = tpu.memref_squeeze %dma_wait3A_198 : memref<1x80xi32, #tpu.memory_space<vmem>> -> memref<80xi32, #tpu.memory_space<vmem>>
      %dma_wait3A_200 = arith.constant 0 : i32
      %dma_wait3A_201 = arith.constant 0 : i32
      %dma_wait3A_202 = tpu.memref_slice %arg3[%dma_wait3A_200, %dma_wait3A_201] : memref<10000x64xf32, #tpu.memory_space<hbm>> -> memref<10000x64xf32, #tpu.memory_space<hbm>>
      tpu.wait_indirect_dma semaphore(%arg19 : memref<!tpu.dma_semaphore, #tpu.memory_space<semaphore_mem>>) src(%dma_wait3A_202 : memref<10000x64xf32, #tpu.memory_space<hbm>>) dst(%dma_wait3A_196 : memref<80x64xf32, #tpu.memory_space<vmem>>)
      %mul3A_203 = arith.constant 80 : i32
      %mul3A_204 = arith.muli %add3A_180, %mul3A_203 : i32
      %add3A_205 = arith.addi %mul3A_2, %mul3A_204 : i32
      %dma_wait3A_206 = arith.constant 0 : i32
      %dma_wait3A_207 = arith.constant 0 : i32
      %dma_wait3A_208 = arith.constant 0 : i32
      %dma_wait3A_209 = tpu.memref_slice %arg14[%dma_wait3A_206, %dma_wait3A_207, %dma_wait3A_208] : memref<2x80x64xf32, #tpu.memory_space<vmem>> -> memref<1x80x64xf32, #tpu.memory_space<vmem>>
      %dma_wait3A_210 = tpu.memref_squeeze %dma_wait3A_209 : memref<1x80x64xf32, #tpu.memory_space<vmem>> -> memref<80x64xf32, #tpu.memory_space<vmem>>
      %dma_wait3A_211 = arith.constant 0 : i32
      %dma_wait3A_212 = tpu.memref_slice %arg4[%add3A_205, %dma_wait3A_211] : memref<320000x64xf32, #tpu.memory_space<hbm>> -> memref<80x64xf32, #tpu.memory_space<hbm>>
      %dma_wait3A_213 = arith.constant 0 : i32
      %dma_wait3A_214 = arith.constant 0 : i32
      %dma_wait3A_215 = tpu.memref_slice %arg14[%dma_wait3A_206, %dma_wait3A_213, %dma_wait3A_214] : memref<2x80x64xf32, #tpu.memory_space<vmem>> -> memref<1x80x64xf32, #tpu.memory_space<vmem>>
      %dma_wait3A_216 = tpu.memref_squeeze %dma_wait3A_215 : memref<1x80x64xf32, #tpu.memory_space<vmem>> -> memref<80x64xf32, #tpu.memory_space<vmem>>
      %dma_wait3A_217 = arith.constant 0 : i32
      %dma_wait3A_218 = tpu.memref_slice %arg4[%add3A_205, %dma_wait3A_217] : memref<320000x64xf32, #tpu.memory_space<hbm>> -> memref<80x64xf32, #tpu.memory_space<hbm>>
      tpu.wait_dma2 semaphore(%arg21 : memref<!tpu.dma_semaphore, #tpu.memory_space<semaphore_mem>>) src(%dma_wait3A_218 : memref<80x64xf32, #tpu.memory_space<hbm>>) dst(%dma_wait3A_216 : memref<80x64xf32, #tpu.memory_space<vmem>>)
      %add3A_219 = arith.constant 1 : i32
      %add3A_220 = arith.addi %add3A_180, %add3A_219 : i32
      %dma_start3A_221 = arith.constant 1 : i32
      %dma_start3A_222 = arith.constant 0 : i32
      %dma_start3A_223 = arith.constant 0 : i32
      %dma_start3A_224 = tpu.memref_slice %arg12[%dma_start3A_221, %dma_start3A_222, %dma_start3A_223] : memref<2x80x64xf32, #tpu.memory_space<vmem>> -> memref<1x80x64xf32, #tpu.memory_space<vmem>>
      %dma_start3A_225 = tpu.memref_squeeze %dma_start3A_224 : memref<1x80x64xf32, #tpu.memory_space<vmem>> -> memref<80x64xf32, #tpu.memory_space<vmem>>
      %dma_start3A_226 = arith.constant 0 : i32
      %dma_start3A_227 = tpu.memref_slice %arg10[%add3A_220, %dma_start3A_226] : memref<125x80xi32, #tpu.memory_space<vmem>> -> memref<1x80xi32, #tpu.memory_space<vmem>>
      %dma_start3A_228 = tpu.memref_squeeze %dma_start3A_227 : memref<1x80xi32, #tpu.memory_space<vmem>> -> memref<80xi32, #tpu.memory_space<vmem>>
      %dma_start3A_229 = arith.constant 0 : i32
      %dma_start3A_230 = arith.constant 0 : i32
      %dma_start3A_231 = tpu.memref_slice %arg2[%dma_start3A_229, %dma_start3A_230] : memref<10000x64xf32, #tpu.memory_space<hbm>> -> memref<10000x64xf32, #tpu.memory_space<hbm>>
      tpu.enqueue_indirect_dma source(%dma_start3A_231 : memref<10000x64xf32, #tpu.memory_space<hbm>>) target(%dma_start3A_225 : memref<80x64xf32, #tpu.memory_space<vmem>>) offsets(%dma_start3A_228 : memref<80xi32, #tpu.memory_space<vmem>>) semaphore(%arg18 : memref<!tpu.dma_semaphore, #tpu.memory_space<semaphore_mem>>)
      %dma_start3A_232 = arith.constant 1 : i32
      %dma_start3A_233 = arith.constant 0 : i32
      %dma_start3A_234 = arith.constant 0 : i32
      %dma_start3A_235 = tpu.memref_slice %arg13[%dma_start3A_232, %dma_start3A_233, %dma_start3A_234] : memref<2x80x64xf32, #tpu.memory_space<vmem>> -> memref<1x80x64xf32, #tpu.memory_space<vmem>>
      %dma_start3A_236 = tpu.memref_squeeze %dma_start3A_235 : memref<1x80x64xf32, #tpu.memory_space<vmem>> -> memref<80x64xf32, #tpu.memory_space<vmem>>
      %dma_start3A_237 = arith.constant 0 : i32
      %dma_start3A_238 = tpu.memref_slice %arg11[%add3A_220, %dma_start3A_237] : memref<125x80xi32, #tpu.memory_space<vmem>> -> memref<1x80xi32, #tpu.memory_space<vmem>>
      %dma_start3A_239 = tpu.memref_squeeze %dma_start3A_238 : memref<1x80xi32, #tpu.memory_space<vmem>> -> memref<80xi32, #tpu.memory_space<vmem>>
      %dma_start3A_240 = arith.constant 0 : i32
      %dma_start3A_241 = arith.constant 0 : i32
      %dma_start3A_242 = tpu.memref_slice %arg3[%dma_start3A_240, %dma_start3A_241] : memref<10000x64xf32, #tpu.memory_space<hbm>> -> memref<10000x64xf32, #tpu.memory_space<hbm>>
      tpu.enqueue_indirect_dma source(%dma_start3A_242 : memref<10000x64xf32, #tpu.memory_space<hbm>>) target(%dma_start3A_236 : memref<80x64xf32, #tpu.memory_space<vmem>>) offsets(%dma_start3A_239 : memref<80xi32, #tpu.memory_space<vmem>>) semaphore(%arg20 : memref<!tpu.dma_semaphore, #tpu.memory_space<semaphore_mem>>)
      %mul3A_243 = arith.constant 80 : i32
      %mul3A_244 = arith.muli %add3A_220, %mul3A_243 : i32
      %add3A_245 = arith.addi %mul3A_2, %mul3A_244 : i32
      %dma_start3A_246 = arith.constant 1 : i32
      %dma_start3A_247 = arith.constant 0 : i32
      %dma_start3A_248 = arith.constant 0 : i32
      %dma_start3A_249 = tpu.memref_slice %arg14[%dma_start3A_246, %dma_start3A_247, %dma_start3A_248] : memref<2x80x64xf32, #tpu.memory_space<vmem>> -> memref<1x80x64xf32, #tpu.memory_space<vmem>>
      %dma_start3A_250 = tpu.memref_squeeze %dma_start3A_249 : memref<1x80x64xf32, #tpu.memory_space<vmem>> -> memref<80x64xf32, #tpu.memory_space<vmem>>
      %dma_start3A_251 = arith.constant 0 : i32
      %dma_start3A_252 = tpu.memref_slice %arg4[%add3A_245, %dma_start3A_251] : memref<320000x64xf32, #tpu.memory_space<hbm>> -> memref<80x64xf32, #tpu.memory_space<hbm>>
      %dma_start3A_253 = arith.constant 0 : i32
      %dma_start3A_254 = arith.constant 0 : i32
      %dma_start3A_255 = tpu.memref_slice %arg14[%dma_start3A_246, %dma_start3A_253, %dma_start3A_254] : memref<2x80x64xf32, #tpu.memory_space<vmem>> -> memref<1x80x64xf32, #tpu.memory_space<vmem>>
      %dma_start3A_256 = tpu.memref_squeeze %dma_start3A_255 : memref<1x80x64xf32, #tpu.memory_space<vmem>> -> memref<80x64xf32, #tpu.memory_space<vmem>>
      %dma_start3A_257 = arith.constant 0 : i32
      %dma_start3A_258 = tpu.memref_slice %arg4[%add3A_245, %dma_start3A_257] : memref<320000x64xf32, #tpu.memory_space<hbm>> -> memref<80x64xf32, #tpu.memory_space<hbm>>
      tpu.enqueue_dma source(%dma_start3A_258 : memref<80x64xf32, #tpu.memory_space<hbm>>) target(%dma_start3A_256 : memref<80x64xf32, #tpu.memory_space<vmem>>) target_semaphore(%arg22 : memref<!tpu.dma_semaphore, #tpu.memory_space<semaphore_mem>>)
      %scan3A_259 = arith.constant 0 : i32
      %scan3A_260 = arith.constant 5 : i32
      %scan3A_261 = arith.addi %scan3A_259, %scan3A_260 : i32
      %scan3A_262 = arith.constant 1 : i32
      scf.for %scan3A_499 = %scan3A_259 to %scan3A_261 step %scan3A_262  : i32 {
        %mul3A_500 = arith.constant 1 : i32
        %mul3A_501 = arith.muli %scan3A_499, %mul3A_500 : i32
        %add3A_502 = arith.constant 0 : i32
        %add3A_503 = arith.addi %add3A_502, %mul3A_501 : i32
        %mul3A_504 = arith.constant 16 : i32
        %mul3A_505 = arith.muli %add3A_503, %mul3A_504 : i32
        %get3A = arith.index_cast %add3A_180 : i32 to index
        %get3A_506 = arith.index_cast %mul3A_505 : i32 to index
        %get3A_507 = tpu.vector_load %arg10[%get3A, %get3A_506] {strides = array<i32>} : memref<125x80xi32, #tpu.memory_space<vmem>>, vector<16xi32>,
        tpu.vector_store_idx %arg16[%get3A_507], %broadcast_in_dim3A_5 {add = true} : memref<10000xf32, #tpu.memory_space<vmem>>[vector<16xi32>], vector<16xf32>,
      }
      %scan3A_263 = arith.constant 5 : i32
      %scan3A_264 = arith.constant 0 : i32
      %scan3A_265 = arith.constant 80 : i32
      %scan3A_266 = arith.addi %scan3A_264, %scan3A_265 : i32
      %scan3A_267 = arith.constant 1 : i32
      %scan3A_268:16 = scf.for %scan3A_499 = %scan3A_264 to %scan3A_266 step %scan3A_267 iter_args(%scan3A_500 = %broadcast_in_dim3A_3, %scan3A_501 = %broadcast_in_dim3A_3, %scan3A_502 = %broadcast_in_dim3A_3, %scan3A_503 = %broadcast_in_dim3A_3, %scan3A_504 = %broadcast_in_dim3A_3, %scan3A_505 = %broadcast_in_dim3A_3, %scan3A_506 = %broadcast_in_dim3A_3, %scan3A_507 = %broadcast_in_dim3A_3, %scan3A_508 = %broadcast_in_dim3A_3, %scan3A_509 = %broadcast_in_dim3A_3, %scan3A_510 = %broadcast_in_dim3A_3, %scan3A_511 = %broadcast_in_dim3A_3, %scan3A_512 = %broadcast_in_dim3A_3, %scan3A_513 = %broadcast_in_dim3A_3, %scan3A_514 = %broadcast_in_dim3A_3, %scan3A_515 = %broadcast_in_dim3A_3) -> (vector<16xf32>, vector<16xf32>, vector<16xf32>, vector<16xf32>, vector<16xf32>, vector<16xf32>, vector<16xf32>, vector<16xf32>, vector<16xf32>, vector<16xf32>, vector<16xf32>, vector<16xf32>, vector<16xf32>, vector<16xf32>, vector<16xf32>, vector<16xf32>)  : i32 {
        %get3A = arith.constant 0 : i32
        %get3A_516 = arith.index_cast %get3A : i32 to index
        %get3A_517 = arith.index_cast %scan3A_499 : i32 to index
        %get3A_518 = arith.constant 0 : index
        %get3A_519 = tpu.vector_load %arg12[%get3A_516, %get3A_517, %get3A_518] {strides = array<i32>} : memref<2x80x64xf32, #tpu.memory_space<vmem>>, vector<16xf32>,
        %bitcast3A = vector.bitcast %get3A_519 : vector<16xf32> to vector<32xbf16>
        %get3A_520 = arith.constant 0 : i32
        %get3A_521 = arith.index_cast %get3A_520 : i32 to index
        %get3A_522 = arith.index_cast %scan3A_499 : i32 to index
        %get3A_523 = arith.constant 0 : index
        %get3A_524 = tpu.vector_load %arg13[%get3A_521, %get3A_522, %get3A_523] {strides = array<i32>} : memref<2x80x64xf32, #tpu.memory_space<vmem>>, vector<16xf32>,
        %bitcast3A_525 = vector.bitcast %get3A_524 : vector<16xf32> to vector<32xbf16>
        %get3A_526 = arith.constant 0 : i32
        %get3A_527 = arith.index_cast %get3A_526 : i32 to index
        %get3A_528 = arith.index_cast %scan3A_499 : i32 to index
        %get3A_529 = arith.constant 0 : index
        %get3A_530 = tpu.vector_load %arg14[%get3A_527, %get3A_528, %get3A_529] {strides = array<i32>} : memref<2x80x64xf32, #tpu.memory_space<vmem>>, vector<16xf32>,
        %bitcast3A_531 = vector.bitcast %get3A_530 : vector<16xf32> to vector<32xbf16>
        %add3A_532 = arith.addf %bitcast3A, %bitcast3A_525 : vector<32xbf16>
        %add3A_533 = arith.addf %add3A_532, %bitcast3A_531 : vector<32xbf16>
        %bitcast3A_534 = vector.bitcast %add3A_533 : vector<32xbf16> to vector<16xf32>
        %swap3A_535 = arith.constant 0 : i32
        %swap3A_536 = arith.index_cast %swap3A_535 : i32 to index
        %swap3A_537 = arith.index_cast %scan3A_499 : i32 to index
        %swap3A_538 = arith.constant 0 : index
        %swap3A_539 = tpu.vector_load %arg14[%swap3A_536, %swap3A_537, %swap3A_538] {strides = array<i32>} : memref<2x80x64xf32, #tpu.memory_space<vmem>>, vector<16xf32>,
        tpu.vector_store %arg14[%swap3A_536, %swap3A_537, %swap3A_538], %bitcast3A_534 {strides = array<i32>} : memref<2x80x64xf32, #tpu.memory_space<vmem>>, vector<16xf32>,
        %unpack3A = tpu.unpack_subelements %add3A_533, 0 {pack_format = #tpu.pack_format<interleaved>} : vector<32xbf16> -> vector<16xf32>
        %unpack3A_540 = tpu.unpack_subelements %add3A_533, 1 {pack_format = #tpu.pack_format<interleaved>} : vector<32xbf16> -> vector<16xf32>
        %add3A_541 = arith.addf %scan3A_500, %unpack3A : vector<16xf32>
        %add3A_542 = arith.addf %scan3A_501, %unpack3A_540 : vector<16xf32>
        %mul3A_543 = arith.mulf %unpack3A, %unpack3A : vector<16xf32>
        %add3A_544 = arith.addf %scan3A_508, %mul3A_543 : vector<16xf32>
        %mul3A_545 = arith.mulf %unpack3A_540, %unpack3A_540 : vector<16xf32>
        %add3A_546 = arith.addf %scan3A_509, %mul3A_545 : vector<16xf32>
        %get3A_547 = arith.constant 0 : i32
        %get3A_548 = arith.index_cast %get3A_547 : i32 to index
        %get3A_549 = arith.index_cast %scan3A_499 : i32 to index
        %get3A_550 = arith.constant 16 : index
        %get3A_551 = tpu.vector_load %arg12[%get3A_548, %get3A_549, %get3A_550] {strides = array<i32>} : memref<2x80x64xf32, #tpu.memory_space<vmem>>, vector<16xf32>,
        %bitcast3A_552 = vector.bitcast %get3A_551 : vector<16xf32> to vector<32xbf16>
        %get3A_553 = arith.constant 0 : i32
        %get3A_554 = arith.index_cast %get3A_553 : i32 to index
        %get3A_555 = arith.index_cast %scan3A_499 : i32 to index
        %get3A_556 = arith.constant 16 : index
        %get3A_557 = tpu.vector_load %arg13[%get3A_554, %get3A_555, %get3A_556] {strides = array<i32>} : memref<2x80x64xf32, #tpu.memory_space<vmem>>, vector<16xf32>,
        %bitcast3A_558 = vector.bitcast %get3A_557 : vector<16xf32> to vector<32xbf16>
        %get3A_559 = arith.constant 0 : i32
        %get3A_560 = arith.index_cast %get3A_559 : i32 to index
        %get3A_561 = arith.index_cast %scan3A_499 : i32 to index
        %get3A_562 = arith.constant 16 : index
        %get3A_563 = tpu.vector_load %arg14[%get3A_560, %get3A_561, %get3A_562] {strides = array<i32>} : memref<2x80x64xf32, #tpu.memory_space<vmem>>, vector<16xf32>,
        %bitcast3A_564 = vector.bitcast %get3A_563 : vector<16xf32> to vector<32xbf16>
        %add3A_565 = arith.addf %bitcast3A_552, %bitcast3A_558 : vector<32xbf16>
        %add3A_566 = arith.addf %add3A_565, %bitcast3A_564 : vector<32xbf16>
        %bitcast3A_567 = vector.bitcast %add3A_566 : vector<32xbf16> to vector<16xf32>
        %swap3A_568 = arith.constant 0 : i32
        %swap3A_569 = arith.index_cast %swap3A_568 : i32 to index
        %swap3A_570 = arith.index_cast %scan3A_499 : i32 to index
        %swap3A_571 = arith.constant 16 : index
        %swap3A_572 = tpu.vector_load %arg14[%swap3A_569, %swap3A_570, %swap3A_571] {strides = array<i32>} : memref<2x80x64xf32, #tpu.memory_space<vmem>>, vector<16xf32>,
        tpu.vector_store %arg14[%swap3A_569, %swap3A_570, %swap3A_571], %bitcast3A_567 {strides = array<i32>} : memref<2x80x64xf32, #tpu.memory_space<vmem>>, vector<16xf32>,
        %unpack3A_573 = tpu.unpack_subelements %add3A_566, 0 {pack_format = #tpu.pack_format<interleaved>} : vector<32xbf16> -> vector<16xf32>
        %unpack3A_574 = tpu.unpack_subelements %add3A_566, 1 {pack_format = #tpu.pack_format<interleaved>} : vector<32xbf16> -> vector<16xf32>
        %add3A_575 = arith.addf %scan3A_502, %unpack3A_573 : vector<16xf32>
        %add3A_576 = arith.addf %scan3A_503, %unpack3A_574 : vector<16xf32>
        %mul3A_577 = arith.mulf %unpack3A_573, %unpack3A_573 : vector<16xf32>
        %add3A_578 = arith.addf %scan3A_510, %mul3A_577 : vector<16xf32>
        %mul3A_579 = arith.mulf %unpack3A_574, %unpack3A_574 : vector<16xf32>
        %add3A_580 = arith.addf %scan3A_511, %mul3A_579 : vector<16xf32>
        %get3A_581 = arith.constant 0 : i32
        %get3A_582 = arith.index_cast %get3A_581 : i32 to index
        %get3A_583 = arith.index_cast %scan3A_499 : i32 to index
        %get3A_584 = arith.constant 32 : index
        %get3A_585 = tpu.vector_load %arg12[%get3A_582, %get3A_583, %get3A_584] {strides = array<i32>} : memref<2x80x64xf32, #tpu.memory_space<vmem>>, vector<16xf32>,
        %bitcast3A_586 = vector.bitcast %get3A_585 : vector<16xf32> to vector<32xbf16>
        %get3A_587 = arith.constant 0 : i32
        %get3A_588 = arith.index_cast %get3A_587 : i32 to index
        %get3A_589 = arith.index_cast %scan3A_499 : i32 to index
        %get3A_590 = arith.constant 32 : index
        %get3A_591 = tpu.vector_load %arg13[%get3A_588, %get3A_589, %get3A_590] {strides = array<i32>} : memref<2x80x64xf32, #tpu.memory_space<vmem>>, vector<16xf32>,
        %bitcast3A_592 = vector.bitcast %get3A_591 : vector<16xf32> to vector<32xbf16>
        %get3A_593 = arith.constant 0 : i32
        %get3A_594 = arith.index_cast %get3A_593 : i32 to index
        %get3A_595 = arith.index_cast %scan3A_499 : i32 to index
        %get3A_596 = arith.constant 32 : index
        %get3A_597 = tpu.vector_load %arg14[%get3A_594, %get3A_595, %get3A_596] {strides = array<i32>} : memref<2x80x64xf32, #tpu.memory_space<vmem>>, vector<16xf32>,
        %bitcast3A_598 = vector.bitcast %get3A_597 : vector<16xf32> to vector<32xbf16>
        %add3A_599 = arith.addf %bitcast3A_586, %bitcast3A_592 : vector<32xbf16>
        %add3A_600 = arith.addf %add3A_599, %bitcast3A_598 : vector<32xbf16>
        %bitcast3A_601 = vector.bitcast %add3A_600 : vector<32xbf16> to vector<16xf32>
        %swap3A_602 = arith.constant 0 : i32
        %swap3A_603 = arith.index_cast %swap3A_602 : i32 to index
        %swap3A_604 = arith.index_cast %scan3A_499 : i32 to index
        %swap3A_605 = arith.constant 32 : index
        %swap3A_606 = tpu.vector_load %arg14[%swap3A_603, %swap3A_604, %swap3A_605] {strides = array<i32>} : memref<2x80x64xf32, #tpu.memory_space<vmem>>, vector<16xf32>,
        tpu.vector_store %arg14[%swap3A_603, %swap3A_604, %swap3A_605], %bitcast3A_601 {strides = array<i32>} : memref<2x80x64xf32, #tpu.memory_space<vmem>>, vector<16xf32>,
        %unpack3A_607 = tpu.unpack_subelements %add3A_600, 0 {pack_format = #tpu.pack_format<interleaved>} : vector<32xbf16> -> vector<16xf32>
        %unpack3A_608 = tpu.unpack_subelements %add3A_600, 1 {pack_format = #tpu.pack_format<interleaved>} : vector<32xbf16> -> vector<16xf32>
        %add3A_609 = arith.addf %scan3A_504, %unpack3A_607 : vector<16xf32>
        %add3A_610 = arith.addf %scan3A_505, %unpack3A_608 : vector<16xf32>
        %mul3A_611 = arith.mulf %unpack3A_607, %unpack3A_607 : vector<16xf32>
        %add3A_612 = arith.addf %scan3A_512, %mul3A_611 : vector<16xf32>
        %mul3A_613 = arith.mulf %unpack3A_608, %unpack3A_608 : vector<16xf32>
        %add3A_614 = arith.addf %scan3A_513, %mul3A_613 : vector<16xf32>
        %get3A_615 = arith.constant 0 : i32
        %get3A_616 = arith.index_cast %get3A_615 : i32 to index
        %get3A_617 = arith.index_cast %scan3A_499 : i32 to index
        %get3A_618 = arith.constant 48 : index
        %get3A_619 = tpu.vector_load %arg12[%get3A_616, %get3A_617, %get3A_618] {strides = array<i32>} : memref<2x80x64xf32, #tpu.memory_space<vmem>>, vector<16xf32>,
        %bitcast3A_620 = vector.bitcast %get3A_619 : vector<16xf32> to vector<32xbf16>
        %get3A_621 = arith.constant 0 : i32
        %get3A_622 = arith.index_cast %get3A_621 : i32 to index
        %get3A_623 = arith.index_cast %scan3A_499 : i32 to index
        %get3A_624 = arith.constant 48 : index
        %get3A_625 = tpu.vector_load %arg13[%get3A_622, %get3A_623, %get3A_624] {strides = array<i32>} : memref<2x80x64xf32, #tpu.memory_space<vmem>>, vector<16xf32>,
        %bitcast3A_626 = vector.bitcast %get3A_625 : vector<16xf32> to vector<32xbf16>
        %get3A_627 = arith.constant 0 : i32
        %get3A_628 = arith.index_cast %get3A_627 : i32 to index
        %get3A_629 = arith.index_cast %scan3A_499 : i32 to index
        %get3A_630 = arith.constant 48 : index
        %get3A_631 = tpu.vector_load %arg14[%get3A_628, %get3A_629, %get3A_630] {strides = array<i32>} : memref<2x80x64xf32, #tpu.memory_space<vmem>>, vector<16xf32>,
        %bitcast3A_632 = vector.bitcast %get3A_631 : vector<16xf32> to vector<32xbf16>
        %add3A_633 = arith.addf %bitcast3A_620, %bitcast3A_626 : vector<32xbf16>
        %add3A_634 = arith.addf %add3A_633, %bitcast3A_632 : vector<32xbf16>
        %bitcast3A_635 = vector.bitcast %add3A_634 : vector<32xbf16> to vector<16xf32>
        %swap3A_636 = arith.constant 0 : i32
        %swap3A_637 = arith.index_cast %swap3A_636 : i32 to index
        %swap3A_638 = arith.index_cast %scan3A_499 : i32 to index
        %swap3A_639 = arith.constant 48 : index
        %swap3A_640 = tpu.vector_load %arg14[%swap3A_637, %swap3A_638, %swap3A_639] {strides = array<i32>} : memref<2x80x64xf32, #tpu.memory_space<vmem>>, vector<16xf32>,
        tpu.vector_store %arg14[%swap3A_637, %swap3A_638, %swap3A_639], %bitcast3A_635 {strides = array<i32>} : memref<2x80x64xf32, #tpu.memory_space<vmem>>, vector<16xf32>,
        %unpack3A_641 = tpu.unpack_subelements %add3A_634, 0 {pack_format = #tpu.pack_format<interleaved>} : vector<32xbf16> -> vector<16xf32>
        %unpack3A_642 = tpu.unpack_subelements %add3A_634, 1 {pack_format = #tpu.pack_format<interleaved>} : vector<32xbf16> -> vector<16xf32>
        %add3A_643 = arith.addf %scan3A_506, %unpack3A_641 : vector<16xf32>
        %add3A_644 = arith.addf %scan3A_507, %unpack3A_642 : vector<16xf32>
        %mul3A_645 = arith.mulf %unpack3A_641, %unpack3A_641 : vector<16xf32>
        %add3A_646 = arith.addf %scan3A_514, %mul3A_645 : vector<16xf32>
        %mul3A_647 = arith.mulf %unpack3A_642, %unpack3A_642 : vector<16xf32>
        %add3A_648 = arith.addf %scan3A_515, %mul3A_647 : vector<16xf32>
        scf.yield %add3A_541, %add3A_542, %add3A_575, %add3A_576, %add3A_609, %add3A_610, %add3A_643, %add3A_644, %add3A_544, %add3A_546, %add3A_578, %add3A_580, %add3A_612, %add3A_614, %add3A_646, %add3A_648 : vector<16xf32>, vector<16xf32>, vector<16xf32>, vector<16xf32>, vector<16xf32>, vector<16xf32>, vector<16xf32>, vector<16xf32>, vector<16xf32>, vector<16xf32>, vector<16xf32>, vector<16xf32>, vector<16xf32>, vector<16xf32>, vector<16xf32>, vector<16xf32>
      }
      %scan3A_269 = arith.constant 80 : i32
      %swap3A_270 = arith.constant 0 : i32
      %swap3A_271 = arith.index_cast %swap3A_270 : i32 to index
      %swap3A_272 = arith.constant 0 : index
      %swap3A_273 = tpu.vector_load %arg15[%swap3A_271, %swap3A_272] {strides = array<i32>} : memref<2x128xf32, #tpu.memory_space<vmem>>, vector<16xf32>,
      tpu.vector_store %arg15[%swap3A_271, %swap3A_272], %scan3A_268#0 {add = true, strides = array<i32>} : memref<2x128xf32, #tpu.memory_space<vmem>>, vector<16xf32>,
      %swap3A_274 = arith.constant 1 : i32
      %swap3A_275 = arith.index_cast %swap3A_274 : i32 to index
      %swap3A_276 = arith.constant 0 : index
      %swap3A_277 = tpu.vector_load %arg15[%swap3A_275, %swap3A_276] {strides = array<i32>} : memref<2x128xf32, #tpu.memory_space<vmem>>, vector<16xf32>,
      tpu.vector_store %arg15[%swap3A_275, %swap3A_276], %scan3A_268#8 {add = true, strides = array<i32>} : memref<2x128xf32, #tpu.memory_space<vmem>>, vector<16xf32>,
      %swap3A_278 = arith.constant 0 : i32
      %swap3A_279 = arith.index_cast %swap3A_278 : i32 to index
      %swap3A_280 = arith.constant 16 : index
      %swap3A_281 = tpu.vector_load %arg15[%swap3A_279, %swap3A_280] {strides = array<i32>} : memref<2x128xf32, #tpu.memory_space<vmem>>, vector<16xf32>,
      tpu.vector_store %arg15[%swap3A_279, %swap3A_280], %scan3A_268#1 {add = true, strides = array<i32>} : memref<2x128xf32, #tpu.memory_space<vmem>>, vector<16xf32>,
      %swap3A_282 = arith.constant 1 : i32
      %swap3A_283 = arith.index_cast %swap3A_282 : i32 to index
      %swap3A_284 = arith.constant 16 : index
      %swap3A_285 = tpu.vector_load %arg15[%swap3A_283, %swap3A_284] {strides = array<i32>} : memref<2x128xf32, #tpu.memory_space<vmem>>, vector<16xf32>,
      tpu.vector_store %arg15[%swap3A_283, %swap3A_284], %scan3A_268#9 {add = true, strides = array<i32>} : memref<2x128xf32, #tpu.memory_space<vmem>>, vector<16xf32>,
      %swap3A_286 = arith.constant 0 : i32
      %swap3A_287 = arith.index_cast %swap3A_286 : i32 to index
      %swap3A_288 = arith.constant 32 : index
      %swap3A_289 = tpu.vector_load %arg15[%swap3A_287, %swap3A_288] {strides = array<i32>} : memref<2x128xf32, #tpu.memory_space<vmem>>, vector<16xf32>,
      tpu.vector_store %arg15[%swap3A_287, %swap3A_288], %scan3A_268#2 {add = true, strides = array<i32>} : memref<2x128xf32, #tpu.memory_space<vmem>>, vector<16xf32>,
      %swap3A_290 = arith.constant 1 : i32
      %swap3A_291 = arith.index_cast %swap3A_290 : i32 to index
      %swap3A_292 = arith.constant 32 : index
      %swap3A_293 = tpu.vector_load %arg15[%swap3A_291, %swap3A_292] {strides = array<i32>} : memref<2x128xf32, #tpu.memory_space<vmem>>, vector<16xf32>,
      tpu.vector_store %arg15[%swap3A_291, %swap3A_292], %scan3A_268#10 {add = true, strides = array<i32>} : memref<2x128xf32, #tpu.memory_space<vmem>>, vector<16xf32>,
      %swap3A_294 = arith.constant 0 : i32
      %swap3A_295 = arith.index_cast %swap3A_294 : i32 to index
      %swap3A_296 = arith.constant 48 : index
      %swap3A_297 = tpu.vector_load %arg15[%swap3A_295, %swap3A_296] {strides = array<i32>} : memref<2x128xf32, #tpu.memory_space<vmem>>, vector<16xf32>,
      tpu.vector_store %arg15[%swap3A_295, %swap3A_296], %scan3A_268#3 {add = true, strides = array<i32>} : memref<2x128xf32, #tpu.memory_space<vmem>>, vector<16xf32>,
      %swap3A_298 = arith.constant 1 : i32
      %swap3A_299 = arith.index_cast %swap3A_298 : i32 to index
      %swap3A_300 = arith.constant 48 : index
      %swap3A_301 = tpu.vector_load %arg15[%swap3A_299, %swap3A_300] {strides = array<i32>} : memref<2x128xf32, #tpu.memory_space<vmem>>, vector<16xf32>,
      tpu.vector_store %arg15[%swap3A_299, %swap3A_300], %scan3A_268#11 {add = true, strides = array<i32>} : memref<2x128xf32, #tpu.memory_space<vmem>>, vector<16xf32>,
      %swap3A_302 = arith.constant 0 : i32
      %swap3A_303 = arith.index_cast %swap3A_302 : i32 to index
      %swap3A_304 = arith.constant 64 : index
      %swap3A_305 = tpu.vector_load %arg15[%swap3A_303, %swap3A_304] {strides = array<i32>} : memref<2x128xf32, #tpu.memory_space<vmem>>, vector<16xf32>,
      tpu.vector_store %arg15[%swap3A_303, %swap3A_304], %scan3A_268#4 {add = true, strides = array<i32>} : memref<2x128xf32, #tpu.memory_space<vmem>>, vector<16xf32>,
      %swap3A_306 = arith.constant 1 : i32
      %swap3A_307 = arith.index_cast %swap3A_306 : i32 to index
      %swap3A_308 = arith.constant 64 : index
      %swap3A_309 = tpu.vector_load %arg15[%swap3A_307, %swap3A_308] {strides = array<i32>} : memref<2x128xf32, #tpu.memory_space<vmem>>, vector<16xf32>,
      tpu.vector_store %arg15[%swap3A_307, %swap3A_308], %scan3A_268#12 {add = true, strides = array<i32>} : memref<2x128xf32, #tpu.memory_space<vmem>>, vector<16xf32>,
      %swap3A_310 = arith.constant 0 : i32
      %swap3A_311 = arith.index_cast %swap3A_310 : i32 to index
      %swap3A_312 = arith.constant 80 : index
      %swap3A_313 = tpu.vector_load %arg15[%swap3A_311, %swap3A_312] {strides = array<i32>} : memref<2x128xf32, #tpu.memory_space<vmem>>, vector<16xf32>,
      tpu.vector_store %arg15[%swap3A_311, %swap3A_312], %scan3A_268#5 {add = true, strides = array<i32>} : memref<2x128xf32, #tpu.memory_space<vmem>>, vector<16xf32>,
      %swap3A_314 = arith.constant 1 : i32
      %swap3A_315 = arith.index_cast %swap3A_314 : i32 to index
      %swap3A_316 = arith.constant 80 : index
      %swap3A_317 = tpu.vector_load %arg15[%swap3A_315, %swap3A_316] {strides = array<i32>} : memref<2x128xf32, #tpu.memory_space<vmem>>, vector<16xf32>,
      tpu.vector_store %arg15[%swap3A_315, %swap3A_316], %scan3A_268#13 {add = true, strides = array<i32>} : memref<2x128xf32, #tpu.memory_space<vmem>>, vector<16xf32>,
      %swap3A_318 = arith.constant 0 : i32
      %swap3A_319 = arith.index_cast %swap3A_318 : i32 to index
      %swap3A_320 = arith.constant 96 : index
      %swap3A_321 = tpu.vector_load %arg15[%swap3A_319, %swap3A_320] {strides = array<i32>} : memref<2x128xf32, #tpu.memory_space<vmem>>, vector<16xf32>,
      tpu.vector_store %arg15[%swap3A_319, %swap3A_320], %scan3A_268#6 {add = true, strides = array<i32>} : memref<2x128xf32, #tpu.memory_space<vmem>>, vector<16xf32>,
      %swap3A_322 = arith.constant 1 : i32
      %swap3A_323 = arith.index_cast %swap3A_322 : i32 to index
      %swap3A_324 = arith.constant 96 : index
      %swap3A_325 = tpu.vector_load %arg15[%swap3A_323, %swap3A_324] {strides = array<i32>} : memref<2x128xf32, #tpu.memory_space<vmem>>, vector<16xf32>,
      tpu.vector_store %arg15[%swap3A_323, %swap3A_324], %scan3A_268#14 {add = true, strides = array<i32>} : memref<2x128xf32, #tpu.memory_space<vmem>>, vector<16xf32>,
      %swap3A_326 = arith.constant 0 : i32
      %swap3A_327 = arith.index_cast %swap3A_326 : i32 to index
      %swap3A_328 = arith.constant 112 : index
      %swap3A_329 = tpu.vector_load %arg15[%swap3A_327, %swap3A_328] {strides = array<i32>} : memref<2x128xf32, #tpu.memory_space<vmem>>, vector<16xf32>,
      tpu.vector_store %arg15[%swap3A_327, %swap3A_328], %scan3A_268#7 {add = true, strides = array<i32>} : memref<2x128xf32, #tpu.memory_space<vmem>>, vector<16xf32>,
      %swap3A_330 = arith.constant 1 : i32
      %swap3A_331 = arith.index_cast %swap3A_330 : i32 to index
      %swap3A_332 = arith.constant 112 : index
      %swap3A_333 = tpu.vector_load %arg15[%swap3A_331, %swap3A_332] {strides = array<i32>} : memref<2x128xf32, #tpu.memory_space<vmem>>, vector<16xf32>,
      tpu.vector_store %arg15[%swap3A_331, %swap3A_332], %scan3A_268#15 {add = true, strides = array<i32>} : memref<2x128xf32, #tpu.memory_space<vmem>>, vector<16xf32>,
      %mul3A_334 = arith.constant 80 : i32
      %mul3A_335 = arith.muli %add3A_180, %mul3A_334 : i32
      %add3A_336 = arith.addi %mul3A_2, %mul3A_335 : i32
      %run_scoped3A_337 = arith.constant 0 : i32
      "tpu.region"() ({
        %run_scoped3A_499 = tpu.sem_alloc : memref<!tpu.dma_semaphore, #tpu.memory_space<semaphore_mem>>
        %dma_start3A_500 = arith.constant 0 : i32
        %dma_start3A_501 = arith.constant 0 : i32
        %dma_start3A_502 = tpu.memref_slice %arg14[%run_scoped3A_337, %dma_start3A_500, %dma_start3A_501] : memref<2x80x64xf32, #tpu.memory_space<vmem>> -> memref<1x80x64xf32, #tpu.memory_space<vmem>>
        %dma_start3A_503 = tpu.memref_squeeze %dma_start3A_502 : memref<1x80x64xf32, #tpu.memory_space<vmem>> -> memref<80x64xf32, #tpu.memory_space<vmem>>
        %dma_start3A_504 = arith.constant 0 : i32
        %dma_start3A_505 = tpu.memref_slice %arg7[%add3A_336, %dma_start3A_504] : memref<320000x64xf32, #tpu.memory_space<hbm>> -> memref<80x64xf32, #tpu.memory_space<hbm>>
        %dma_start3A_506 = arith.constant 0 : i32
        %dma_start3A_507 = tpu.memref_slice %arg7[%add3A_336, %dma_start3A_506] : memref<320000x64xf32, #tpu.memory_space<hbm>> -> memref<80x64xf32, #tpu.memory_space<hbm>>
        %dma_start3A_508 = arith.constant 0 : i32
        %dma_start3A_509 = arith.constant 0 : i32
        %dma_start3A_510 = tpu.memref_slice %arg14[%run_scoped3A_337, %dma_start3A_508, %dma_start3A_509] : memref<2x80x64xf32, #tpu.memory_space<vmem>> -> memref<1x80x64xf32, #tpu.memory_space<vmem>>
        %dma_start3A_511 = tpu.memref_squeeze %dma_start3A_510 : memref<1x80x64xf32, #tpu.memory_space<vmem>> -> memref<80x64xf32, #tpu.memory_space<vmem>>
        tpu.enqueue_dma source(%dma_start3A_511 : memref<80x64xf32, #tpu.memory_space<vmem>>) target(%dma_start3A_507 : memref<80x64xf32, #tpu.memory_space<hbm>>) target_semaphore(%run_scoped3A_499 : memref<!tpu.dma_semaphore, #tpu.memory_space<semaphore_mem>>)
        %dma_wait3A_512 = arith.constant 0 : i32
        %dma_wait3A_513 = arith.constant 0 : i32
        %dma_wait3A_514 = tpu.memref_slice %arg14[%run_scoped3A_337, %dma_wait3A_512, %dma_wait3A_513] : memref<2x80x64xf32, #tpu.memory_space<vmem>> -> memref<1x80x64xf32, #tpu.memory_space<vmem>>
        %dma_wait3A_515 = tpu.memref_squeeze %dma_wait3A_514 : memref<1x80x64xf32, #tpu.memory_space<vmem>> -> memref<80x64xf32, #tpu.memory_space<vmem>>
        %dma_wait3A_516 = arith.constant 0 : i32
        %dma_wait3A_517 = tpu.memref_slice %arg7[%add3A_336, %dma_wait3A_516] : memref<320000x64xf32, #tpu.memory_space<hbm>> -> memref<80x64xf32, #tpu.memory_space<hbm>>
        %dma_wait3A_518 = arith.constant 0 : i32
        %dma_wait3A_519 = tpu.memref_slice %arg7[%add3A_336, %dma_wait3A_518] : memref<320000x64xf32, #tpu.memory_space<hbm>> -> memref<80x64xf32, #tpu.memory_space<hbm>>
        %dma_wait3A_520 = arith.constant 0 : i32
        %dma_wait3A_521 = arith.constant 0 : i32
        %dma_wait3A_522 = tpu.memref_slice %arg14[%run_scoped3A_337, %dma_wait3A_520, %dma_wait3A_521] : memref<2x80x64xf32, #tpu.memory_space<vmem>> -> memref<1x80x64xf32, #tpu.memory_space<vmem>>
        %dma_wait3A_523 = tpu.memref_squeeze %dma_wait3A_522 : memref<1x80x64xf32, #tpu.memory_space<vmem>> -> memref<80x64xf32, #tpu.memory_space<vmem>>
        tpu.wait_dma2 semaphore(%run_scoped3A_499 : memref<!tpu.dma_semaphore, #tpu.memory_space<semaphore_mem>>) src(%dma_wait3A_523 : memref<80x64xf32, #tpu.memory_space<vmem>>) dst(%dma_wait3A_519 : memref<80x64xf32, #tpu.memory_space<hbm>>)
        tpu.yield
      }) : () -> ()
      %mul3A_338 = arith.constant 2 : i32
      %mul3A_339 = arith.muli %mul3A_338, %add3A_176 : i32
      %add3A_340 = arith.constant 1 : i32
      %add3A_341 = arith.addi %mul3A_339, %add3A_340 : i32
      %dma_wait3A_342 = arith.constant 1 : i32
      %dma_wait3A_343 = arith.constant 0 : i32
      %dma_wait3A_344 = arith.constant 0 : i32
      %dma_wait3A_345 = tpu.memref_slice %arg12[%dma_wait3A_342, %dma_wait3A_343, %dma_wait3A_344] : memref<2x80x64xf32, #tpu.memory_space<vmem>> -> memref<1x80x64xf32, #tpu.memory_space<vmem>>
      %dma_wait3A_346 = tpu.memref_squeeze %dma_wait3A_345 : memref<1x80x64xf32, #tpu.memory_space<vmem>> -> memref<80x64xf32, #tpu.memory_space<vmem>>
      %dma_wait3A_347 = arith.constant 0 : i32
      %dma_wait3A_348 = tpu.memref_slice %arg10[%add3A_341, %dma_wait3A_347] : memref<125x80xi32, #tpu.memory_space<vmem>> -> memref<1x80xi32, #tpu.memory_space<vmem>>
      %dma_wait3A_349 = tpu.memref_squeeze %dma_wait3A_348 : memref<1x80xi32, #tpu.memory_space<vmem>> -> memref<80xi32, #tpu.memory_space<vmem>>
      %dma_wait3A_350 = arith.constant 0 : i32
      %dma_wait3A_351 = arith.constant 0 : i32
      %dma_wait3A_352 = tpu.memref_slice %arg2[%dma_wait3A_350, %dma_wait3A_351] : memref<10000x64xf32, #tpu.memory_space<hbm>> -> memref<10000x64xf32, #tpu.memory_space<hbm>>
      tpu.wait_indirect_dma semaphore(%arg18 : memref<!tpu.dma_semaphore, #tpu.memory_space<semaphore_mem>>) src(%dma_wait3A_352 : memref<10000x64xf32, #tpu.memory_space<hbm>>) dst(%dma_wait3A_346 : memref<80x64xf32, #tpu.memory_space<vmem>>)
      %dma_wait3A_353 = arith.constant 1 : i32
      %dma_wait3A_354 = arith.constant 0 : i32
      %dma_wait3A_355 = arith.constant 0 : i32
      %dma_wait3A_356 = tpu.memref_slice %arg13[%dma_wait3A_353, %dma_wait3A_354, %dma_wait3A_355] : memref<2x80x64xf32, #tpu.memory_space<vmem>> -> memref<1x80x64xf32, #tpu.memory_space<vmem>>
      %dma_wait3A_357 = tpu.memref_squeeze %dma_wait3A_356 : memref<1x80x64xf32, #tpu.memory_space<vmem>> -> memref<80x64xf32, #tpu.memory_space<vmem>>
      %dma_wait3A_358 = arith.constant 0 : i32
      %dma_wait3A_359 = tpu.memref_slice %arg11[%add3A_341, %dma_wait3A_358] : memref<125x80xi32, #tpu.memory_space<vmem>> -> memref<1x80xi32, #tpu.memory_space<vmem>>
      %dma_wait3A_360 = tpu.memref_squeeze %dma_wait3A_359 : memref<1x80xi32, #tpu.memory_space<vmem>> -> memref<80xi32, #tpu.memory_space<vmem>>
      %dma_wait3A_361 = arith.constant 0 : i32
      %dma_wait3A_362 = arith.constant 0 : i32
      %dma_wait3A_363 = tpu.memref_slice %arg3[%dma_wait3A_361, %dma_wait3A_362] : memref<10000x64xf32, #tpu.memory_space<hbm>> -> memref<10000x64xf32, #tpu.memory_space<hbm>>
      tpu.wait_indirect_dma semaphore(%arg20 : memref<!tpu.dma_semaphore, #tpu.memory_space<semaphore_mem>>) src(%dma_wait3A_363 : memref<10000x64xf32, #tpu.memory_space<hbm>>) dst(%dma_wait3A_357 : memref<80x64xf32, #tpu.memory_space<vmem>>)
      %mul3A_364 = arith.constant 80 : i32
      %mul3A_365 = arith.muli %add3A_341, %mul3A_364 : i32
      %add3A_366 = arith.addi %mul3A_2, %mul3A_365 : i32
      %dma_wait3A_367 = arith.constant 1 : i32
      %dma_wait3A_368 = arith.constant 0 : i32
      %dma_wait3A_369 = arith.constant 0 : i32
      %dma_wait3A_370 = tpu.memref_slice %arg14[%dma_wait3A_367, %dma_wait3A_368, %dma_wait3A_369] : memref<2x80x64xf32, #tpu.memory_space<vmem>> -> memref<1x80x64xf32, #tpu.memory_space<vmem>>
      %dma_wait3A_371 = tpu.memref_squeeze %dma_wait3A_370 : memref<1x80x64xf32, #tpu.memory_space<vmem>> -> memref<80x64xf32, #tpu.memory_space<vmem>>
      %dma_wait3A_372 = arith.constant 0 : i32
      %dma_wait3A_373 = tpu.memref_slice %arg4[%add3A_366, %dma_wait3A_372] : memref<320000x64xf32, #tpu.memory_space<hbm>> -> memref<80x64xf32, #tpu.memory_space<hbm>>
      %dma_wait3A_374 = arith.constant 0 : i32
      %dma_wait3A_375 = arith.constant 0 : i32
      %dma_wait3A_376 = tpu.memref_slice %arg14[%dma_wait3A_367, %dma_wait3A_374, %dma_wait3A_375] : memref<2x80x64xf32, #tpu.memory_space<vmem>> -> memref<1x80x64xf32, #tpu.memory_space<vmem>>
      %dma_wait3A_377 = tpu.memref_squeeze %dma_wait3A_376 : memref<1x80x64xf32, #tpu.memory_space<vmem>> -> memref<80x64xf32, #tpu.memory_space<vmem>>
      %dma_wait3A_378 = arith.constant 0 : i32
      %dma_wait3A_379 = tpu.memref_slice %arg4[%add3A_366, %dma_wait3A_378] : memref<320000x64xf32, #tpu.memory_space<hbm>> -> memref<80x64xf32, #tpu.memory_space<hbm>>
      tpu.wait_dma2 semaphore(%arg22 : memref<!tpu.dma_semaphore, #tpu.memory_space<semaphore_mem>>) src(%dma_wait3A_379 : memref<80x64xf32, #tpu.memory_space<hbm>>) dst(%dma_wait3A_377 : memref<80x64xf32, #tpu.memory_space<vmem>>)
      %add3A_380 = arith.constant 1 : i32
      %add3A_381 = arith.addi %add3A_341, %add3A_380 : i32
      %dma_start3A_382 = arith.constant 0 : i32
      %dma_start3A_383 = arith.constant 0 : i32
      %dma_start3A_384 = arith.constant 0 : i32
      %dma_start3A_385 = tpu.memref_slice %arg12[%dma_start3A_382, %dma_start3A_383, %dma_start3A_384] : memref<2x80x64xf32, #tpu.memory_space<vmem>> -> memref<1x80x64xf32, #tpu.memory_space<vmem>>
      %dma_start3A_386 = tpu.memref_squeeze %dma_start3A_385 : memref<1x80x64xf32, #tpu.memory_space<vmem>> -> memref<80x64xf32, #tpu.memory_space<vmem>>
      %dma_start3A_387 = arith.constant 0 : i32
      %dma_start3A_388 = tpu.memref_slice %arg10[%add3A_381, %dma_start3A_387] : memref<125x80xi32, #tpu.memory_space<vmem>> -> memref<1x80xi32, #tpu.memory_space<vmem>>
      %dma_start3A_389 = tpu.memref_squeeze %dma_start3A_388 : memref<1x80xi32, #tpu.memory_space<vmem>> -> memref<80xi32, #tpu.memory_space<vmem>>
      %dma_start3A_390 = arith.constant 0 : i32
      %dma_start3A_391 = arith.constant 0 : i32
      %dma_start3A_392 = tpu.memref_slice %arg2[%dma_start3A_390, %dma_start3A_391] : memref<10000x64xf32, #tpu.memory_space<hbm>> -> memref<10000x64xf32, #tpu.memory_space<hbm>>
      tpu.enqueue_indirect_dma source(%dma_start3A_392 : memref<10000x64xf32, #tpu.memory_space<hbm>>) target(%dma_start3A_386 : memref<80x64xf32, #tpu.memory_space<vmem>>) offsets(%dma_start3A_389 : memref<80xi32, #tpu.memory_space<vmem>>) semaphore(%arg17 : memref<!tpu.dma_semaphore, #tpu.memory_space<semaphore_mem>>)
      %dma_start3A_393 = arith.constant 0 : i32
      %dma_start3A_394 = arith.constant 0 : i32
      %dma_start3A_395 = arith.constant 0 : i32
      %dma_start3A_396 = tpu.memref_slice %arg13[%dma_start3A_393, %dma_start3A_394, %dma_start3A_395] : memref<2x80x64xf32, #tpu.memory_space<vmem>> -> memref<1x80x64xf32, #tpu.memory_space<vmem>>
      %dma_start3A_397 = tpu.memref_squeeze %dma_start3A_396 : memref<1x80x64xf32, #tpu.memory_space<vmem>> -> memref<80x64xf32, #tpu.memory_space<vmem>>
      %dma_start3A_398 = arith.constant 0 : i32
      %dma_start3A_399 = tpu.memref_slice %arg11[%add3A_381, %dma_start3A_398] : memref<125x80xi32, #tpu.memory_space<vmem>> -> memref<1x80xi32, #tpu.memory_space<vmem>>
      %dma_start3A_400 = tpu.memref_squeeze %dma_start3A_399 : memref<1x80xi32, #tpu.memory_space<vmem>> -> memref<80xi32, #tpu.memory_space<vmem>>
      %dma_start3A_401 = arith.constant 0 : i32
      %dma_start3A_402 = arith.constant 0 : i32
      %dma_start3A_403 = tpu.memref_slice %arg3[%dma_start3A_401, %dma_start3A_402] : memref<10000x64xf32, #tpu.memory_space<hbm>> -> memref<10000x64xf32, #tpu.memory_space<hbm>>
      tpu.enqueue_indirect_dma source(%dma_start3A_403 : memref<10000x64xf32, #tpu.memory_space<hbm>>) target(%dma_start3A_397 : memref<80x64xf32, #tpu.memory_space<vmem>>) offsets(%dma_start3A_400 : memref<80xi32, #tpu.memory_space<vmem>>) semaphore(%arg19 : memref<!tpu.dma_semaphore, #tpu.memory_space<semaphore_mem>>)
      %mul3A_404 = arith.constant 80 : i32
      %mul3A_405 = arith.muli %add3A_381, %mul3A_404 : i32
      %add3A_406 = arith.addi %mul3A_2, %mul3A_405 : i32
      %dma_start3A_407 = arith.constant 0 : i32
      %dma_start3A_408 = arith.constant 0 : i32
      %dma_start3A_409 = arith.constant 0 : i32
      %dma_start3A_410 = tpu.memref_slice %arg14[%dma_start3A_407, %dma_start3A_408, %dma_start3A_409] : memref<2x80x64xf32, #tpu.memory_space<vmem>> -> memref<1x80x64xf32, #tpu.memory_space<vmem>>
      %dma_start3A_411 = tpu.memref_squeeze %dma_start3A_410 : memref<1x80x64xf32, #tpu.memory_space<vmem>> -> memref<80x64xf32, #tpu.memory_space<vmem>>
      %dma_start3A_412 = arith.constant 0 : i32
      %dma_start3A_413 = tpu.memref_slice %arg4[%add3A_406, %dma_start3A_412] : memref<320000x64xf32, #tpu.memory_space<hbm>> -> memref<80x64xf32, #tpu.memory_space<hbm>>
      %dma_start3A_414 = arith.constant 0 : i32
      %dma_start3A_415 = arith.constant 0 : i32
      %dma_start3A_416 = tpu.memref_slice %arg14[%dma_start3A_407, %dma_start3A_414, %dma_start3A_415] : memref<2x80x64xf32, #tpu.memory_space<vmem>> -> memref<1x80x64xf32, #tpu.memory_space<vmem>>
      %dma_start3A_417 = tpu.memref_squeeze %dma_start3A_416 : memref<1x80x64xf32, #tpu.memory_space<vmem>> -> memref<80x64xf32, #tpu.memory_space<vmem>>
      %dma_start3A_418 = arith.constant 0 : i32
      %dma_start3A_419 = tpu.memref_slice %arg4[%add3A_406, %dma_start3A_418] : memref<320000x64xf32, #tpu.memory_space<hbm>> -> memref<80x64xf32, #tpu.memory_space<hbm>>
      tpu.enqueue_dma source(%dma_start3A_419 : memref<80x64xf32, #tpu.memory_space<hbm>>) target(%dma_start3A_417 : memref<80x64xf32, #tpu.memory_space<vmem>>) target_semaphore(%arg21 : memref<!tpu.dma_semaphore, #tpu.memory_space<semaphore_mem>>)
      %scan3A_420 = arith.constant 0 : i32
      %scan3A_421 = arith.constant 5 : i32
      %scan3A_422 = arith.addi %scan3A_420, %scan3A_421 : i32
      %scan3A_423 = arith.constant 1 : i32
      scf.for %scan3A_499 = %scan3A_420 to %scan3A_422 step %scan3A_423  : i32 {
        %mul3A_500 = arith.constant 1 : i32
        %mul3A_501 = arith.muli %scan3A_499, %mul3A_500 : i32
        %add3A_502 = arith.constant 0 : i32
        %add3A_503 = arith.addi %add3A_502, %mul3A_501 : i32
        %mul3A_504 = arith.constant 16 : i32
        %mul3A_505 = arith.muli %add3A_503, %mul3A_504 : i32
        %get3A = arith.index_cast %add3A_341 : i32 to index
        %get3A_506 = arith.index_cast %mul3A_505 : i32 to index
        %get3A_507 = tpu.vector_load %arg10[%get3A, %get3A_506] {strides = array<i32>} : memref<125x80xi32, #tpu.memory_space<vmem>>, vector<16xi32>,
        tpu.vector_store_idx %arg16[%get3A_507], %broadcast_in_dim3A_5 {add = true} : memref<10000xf32, #tpu.memory_space<vmem>>[vector<16xi32>], vector<16xf32>,
      }
      %scan3A_424 = arith.constant 5 : i32
      %scan3A_425 = arith.constant 0 : i32
      %scan3A_426 = arith.constant 80 : i32
      %scan3A_427 = arith.addi %scan3A_425, %scan3A_426 : i32
      %scan3A_428 = arith.constant 1 : i32
      %scan3A_429:16 = scf.for %scan3A_499 = %scan3A_425 to %scan3A_427 step %scan3A_428 iter_args(%scan3A_500 = %broadcast_in_dim3A_3, %scan3A_501 = %broadcast_in_dim3A_3, %scan3A_502 = %broadcast_in_dim3A_3, %scan3A_503 = %broadcast_in_dim3A_3, %scan3A_504 = %broadcast_in_dim3A_3, %scan3A_505 = %broadcast_in_dim3A_3, %scan3A_506 = %broadcast_in_dim3A_3, %scan3A_507 = %broadcast_in_dim3A_3, %scan3A_508 = %broadcast_in_dim3A_3, %scan3A_509 = %broadcast_in_dim3A_3, %scan3A_510 = %broadcast_in_dim3A_3, %scan3A_511 = %broadcast_in_dim3A_3, %scan3A_512 = %broadcast_in_dim3A_3, %scan3A_513 = %broadcast_in_dim3A_3, %scan3A_514 = %broadcast_in_dim3A_3, %scan3A_515 = %broadcast_in_dim3A_3) -> (vector<16xf32>, vector<16xf32>, vector<16xf32>, vector<16xf32>, vector<16xf32>, vector<16xf32>, vector<16xf32>, vector<16xf32>, vector<16xf32>, vector<16xf32>, vector<16xf32>, vector<16xf32>, vector<16xf32>, vector<16xf32>, vector<16xf32>, vector<16xf32>)  : i32 {
        %get3A = arith.constant 1 : i32
        %get3A_516 = arith.index_cast %get3A : i32 to index
        %get3A_517 = arith.index_cast %scan3A_499 : i32 to index
        %get3A_518 = arith.constant 0 : index
        %get3A_519 = tpu.vector_load %arg12[%get3A_516, %get3A_517, %get3A_518] {strides = array<i32>} : memref<2x80x64xf32, #tpu.memory_space<vmem>>, vector<16xf32>,
        %bitcast3A = vector.bitcast %get3A_519 : vector<16xf32> to vector<32xbf16>
        %get3A_520 = arith.constant 1 : i32
        %get3A_521 = arith.index_cast %get3A_520 : i32 to index
        %get3A_522 = arith.index_cast %scan3A_499 : i32 to index
        %get3A_523 = arith.constant 0 : index
        %get3A_524 = tpu.vector_load %arg13[%get3A_521, %get3A_522, %get3A_523] {strides = array<i32>} : memref<2x80x64xf32, #tpu.memory_space<vmem>>, vector<16xf32>,
        %bitcast3A_525 = vector.bitcast %get3A_524 : vector<16xf32> to vector<32xbf16>
        %get3A_526 = arith.constant 1 : i32
        %get3A_527 = arith.index_cast %get3A_526 : i32 to index
        %get3A_528 = arith.index_cast %scan3A_499 : i32 to index
        %get3A_529 = arith.constant 0 : index
        %get3A_530 = tpu.vector_load %arg14[%get3A_527, %get3A_528, %get3A_529] {strides = array<i32>} : memref<2x80x64xf32, #tpu.memory_space<vmem>>, vector<16xf32>,
        %bitcast3A_531 = vector.bitcast %get3A_530 : vector<16xf32> to vector<32xbf16>
        %add3A_532 = arith.addf %bitcast3A, %bitcast3A_525 : vector<32xbf16>
        %add3A_533 = arith.addf %add3A_532, %bitcast3A_531 : vector<32xbf16>
        %bitcast3A_534 = vector.bitcast %add3A_533 : vector<32xbf16> to vector<16xf32>
        %swap3A_535 = arith.constant 1 : i32
        %swap3A_536 = arith.index_cast %swap3A_535 : i32 to index
        %swap3A_537 = arith.index_cast %scan3A_499 : i32 to index
        %swap3A_538 = arith.constant 0 : index
        %swap3A_539 = tpu.vector_load %arg14[%swap3A_536, %swap3A_537, %swap3A_538] {strides = array<i32>} : memref<2x80x64xf32, #tpu.memory_space<vmem>>, vector<16xf32>,
        tpu.vector_store %arg14[%swap3A_536, %swap3A_537, %swap3A_538], %bitcast3A_534 {strides = array<i32>} : memref<2x80x64xf32, #tpu.memory_space<vmem>>, vector<16xf32>,
        %unpack3A = tpu.unpack_subelements %add3A_533, 0 {pack_format = #tpu.pack_format<interleaved>} : vector<32xbf16> -> vector<16xf32>
        %unpack3A_540 = tpu.unpack_subelements %add3A_533, 1 {pack_format = #tpu.pack_format<interleaved>} : vector<32xbf16> -> vector<16xf32>
        %add3A_541 = arith.addf %scan3A_500, %unpack3A : vector<16xf32>
        %add3A_542 = arith.addf %scan3A_501, %unpack3A_540 : vector<16xf32>
        %mul3A_543 = arith.mulf %unpack3A, %unpack3A : vector<16xf32>
        %add3A_544 = arith.addf %scan3A_508, %mul3A_543 : vector<16xf32>
        %mul3A_545 = arith.mulf %unpack3A_540, %unpack3A_540 : vector<16xf32>
        %add3A_546 = arith.addf %scan3A_509, %mul3A_545 : vector<16xf32>
        %get3A_547 = arith.constant 1 : i32
        %get3A_548 = arith.index_cast %get3A_547 : i32 to index
        %get3A_549 = arith.index_cast %scan3A_499 : i32 to index
        %get3A_550 = arith.constant 16 : index
        %get3A_551 = tpu.vector_load %arg12[%get3A_548, %get3A_549, %get3A_550] {strides = array<i32>} : memref<2x80x64xf32, #tpu.memory_space<vmem>>, vector<16xf32>,
        %bitcast3A_552 = vector.bitcast %get3A_551 : vector<16xf32> to vector<32xbf16>
        %get3A_553 = arith.constant 1 : i32
        %get3A_554 = arith.index_cast %get3A_553 : i32 to index
        %get3A_555 = arith.index_cast %scan3A_499 : i32 to index
        %get3A_556 = arith.constant 16 : index
        %get3A_557 = tpu.vector_load %arg13[%get3A_554, %get3A_555, %get3A_556] {strides = array<i32>} : memref<2x80x64xf32, #tpu.memory_space<vmem>>, vector<16xf32>,
        %bitcast3A_558 = vector.bitcast %get3A_557 : vector<16xf32> to vector<32xbf16>
        %get3A_559 = arith.constant 1 : i32
        %get3A_560 = arith.index_cast %get3A_559 : i32 to index
        %get3A_561 = arith.index_cast %scan3A_499 : i32 to index
        %get3A_562 = arith.constant 16 : index
        %get3A_563 = tpu.vector_load %arg14[%get3A_560, %get3A_561, %get3A_562] {strides = array<i32>} : memref<2x80x64xf32, #tpu.memory_space<vmem>>, vector<16xf32>,
        %bitcast3A_564 = vector.bitcast %get3A_563 : vector<16xf32> to vector<32xbf16>
        %add3A_565 = arith.addf %bitcast3A_552, %bitcast3A_558 : vector<32xbf16>
        %add3A_566 = arith.addf %add3A_565, %bitcast3A_564 : vector<32xbf16>
        %bitcast3A_567 = vector.bitcast %add3A_566 : vector<32xbf16> to vector<16xf32>
        %swap3A_568 = arith.constant 1 : i32
        %swap3A_569 = arith.index_cast %swap3A_568 : i32 to index
        %swap3A_570 = arith.index_cast %scan3A_499 : i32 to index
        %swap3A_571 = arith.constant 16 : index
        %swap3A_572 = tpu.vector_load %arg14[%swap3A_569, %swap3A_570, %swap3A_571] {strides = array<i32>} : memref<2x80x64xf32, #tpu.memory_space<vmem>>, vector<16xf32>,
        tpu.vector_store %arg14[%swap3A_569, %swap3A_570, %swap3A_571], %bitcast3A_567 {strides = array<i32>} : memref<2x80x64xf32, #tpu.memory_space<vmem>>, vector<16xf32>,
        %unpack3A_573 = tpu.unpack_subelements %add3A_566, 0 {pack_format = #tpu.pack_format<interleaved>} : vector<32xbf16> -> vector<16xf32>
        %unpack3A_574 = tpu.unpack_subelements %add3A_566, 1 {pack_format = #tpu.pack_format<interleaved>} : vector<32xbf16> -> vector<16xf32>
        %add3A_575 = arith.addf %scan3A_502, %unpack3A_573 : vector<16xf32>
        %add3A_576 = arith.addf %scan3A_503, %unpack3A_574 : vector<16xf32>
        %mul3A_577 = arith.mulf %unpack3A_573, %unpack3A_573 : vector<16xf32>
        %add3A_578 = arith.addf %scan3A_510, %mul3A_577 : vector<16xf32>
        %mul3A_579 = arith.mulf %unpack3A_574, %unpack3A_574 : vector<16xf32>
        %add3A_580 = arith.addf %scan3A_511, %mul3A_579 : vector<16xf32>
        %get3A_581 = arith.constant 1 : i32
        %get3A_582 = arith.index_cast %get3A_581 : i32 to index
        %get3A_583 = arith.index_cast %scan3A_499 : i32 to index
        %get3A_584 = arith.constant 32 : index
        %get3A_585 = tpu.vector_load %arg12[%get3A_582, %get3A_583, %get3A_584] {strides = array<i32>} : memref<2x80x64xf32, #tpu.memory_space<vmem>>, vector<16xf32>,
        %bitcast3A_586 = vector.bitcast %get3A_585 : vector<16xf32> to vector<32xbf16>
        %get3A_587 = arith.constant 1 : i32
        %get3A_588 = arith.index_cast %get3A_587 : i32 to index
        %get3A_589 = arith.index_cast %scan3A_499 : i32 to index
        %get3A_590 = arith.constant 32 : index
        %get3A_591 = tpu.vector_load %arg13[%get3A_588, %get3A_589, %get3A_590] {strides = array<i32>} : memref<2x80x64xf32, #tpu.memory_space<vmem>>, vector<16xf32>,
        %bitcast3A_592 = vector.bitcast %get3A_591 : vector<16xf32> to vector<32xbf16>
        %get3A_593 = arith.constant 1 : i32
        %get3A_594 = arith.index_cast %get3A_593 : i32 to index
        %get3A_595 = arith.index_cast %scan3A_499 : i32 to index
        %get3A_596 = arith.constant 32 : index
        %get3A_597 = tpu.vector_load %arg14[%get3A_594, %get3A_595, %get3A_596] {strides = array<i32>} : memref<2x80x64xf32, #tpu.memory_space<vmem>>, vector<16xf32>,
        %bitcast3A_598 = vector.bitcast %get3A_597 : vector<16xf32> to vector<32xbf16>
        %add3A_599 = arith.addf %bitcast3A_586, %bitcast3A_592 : vector<32xbf16>
        %add3A_600 = arith.addf %add3A_599, %bitcast3A_598 : vector<32xbf16>
        %bitcast3A_601 = vector.bitcast %add3A_600 : vector<32xbf16> to vector<16xf32>
        %swap3A_602 = arith.constant 1 : i32
        %swap3A_603 = arith.index_cast %swap3A_602 : i32 to index
        %swap3A_604 = arith.index_cast %scan3A_499 : i32 to index
        %swap3A_605 = arith.constant 32 : index
        %swap3A_606 = tpu.vector_load %arg14[%swap3A_603, %swap3A_604, %swap3A_605] {strides = array<i32>} : memref<2x80x64xf32, #tpu.memory_space<vmem>>, vector<16xf32>,
        tpu.vector_store %arg14[%swap3A_603, %swap3A_604, %swap3A_605], %bitcast3A_601 {strides = array<i32>} : memref<2x80x64xf32, #tpu.memory_space<vmem>>, vector<16xf32>,
        %unpack3A_607 = tpu.unpack_subelements %add3A_600, 0 {pack_format = #tpu.pack_format<interleaved>} : vector<32xbf16> -> vector<16xf32>
        %unpack3A_608 = tpu.unpack_subelements %add3A_600, 1 {pack_format = #tpu.pack_format<interleaved>} : vector<32xbf16> -> vector<16xf32>
        %add3A_609 = arith.addf %scan3A_504, %unpack3A_607 : vector<16xf32>
        %add3A_610 = arith.addf %scan3A_505, %unpack3A_608 : vector<16xf32>
        %mul3A_611 = arith.mulf %unpack3A_607, %unpack3A_607 : vector<16xf32>
        %add3A_612 = arith.addf %scan3A_512, %mul3A_611 : vector<16xf32>
        %mul3A_613 = arith.mulf %unpack3A_608, %unpack3A_608 : vector<16xf32>
        %add3A_614 = arith.addf %scan3A_513, %mul3A_613 : vector<16xf32>
        %get3A_615 = arith.constant 1 : i32
        %get3A_616 = arith.index_cast %get3A_615 : i32 to index
        %get3A_617 = arith.index_cast %scan3A_499 : i32 to index
        %get3A_618 = arith.constant 48 : index
        %get3A_619 = tpu.vector_load %arg12[%get3A_616, %get3A_617, %get3A_618] {strides = array<i32>} : memref<2x80x64xf32, #tpu.memory_space<vmem>>, vector<16xf32>,
        %bitcast3A_620 = vector.bitcast %get3A_619 : vector<16xf32> to vector<32xbf16>
        %get3A_621 = arith.constant 1 : i32
        %get3A_622 = arith.index_cast %get3A_621 : i32 to index
        %get3A_623 = arith.index_cast %scan3A_499 : i32 to index
        %get3A_624 = arith.constant 48 : index
        %get3A_625 = tpu.vector_load %arg13[%get3A_622, %get3A_623, %get3A_624] {strides = array<i32>} : memref<2x80x64xf32, #tpu.memory_space<vmem>>, vector<16xf32>,
        %bitcast3A_626 = vector.bitcast %get3A_625 : vector<16xf32> to vector<32xbf16>
        %get3A_627 = arith.constant 1 : i32
        %get3A_628 = arith.index_cast %get3A_627 : i32 to index
        %get3A_629 = arith.index_cast %scan3A_499 : i32 to index
        %get3A_630 = arith.constant 48 : index
        %get3A_631 = tpu.vector_load %arg14[%get3A_628, %get3A_629, %get3A_630] {strides = array<i32>} : memref<2x80x64xf32, #tpu.memory_space<vmem>>, vector<16xf32>,
        %bitcast3A_632 = vector.bitcast %get3A_631 : vector<16xf32> to vector<32xbf16>
        %add3A_633 = arith.addf %bitcast3A_620, %bitcast3A_626 : vector<32xbf16>
        %add3A_634 = arith.addf %add3A_633, %bitcast3A_632 : vector<32xbf16>
        %bitcast3A_635 = vector.bitcast %add3A_634 : vector<32xbf16> to vector<16xf32>
        %swap3A_636 = arith.constant 1 : i32
        %swap3A_637 = arith.index_cast %swap3A_636 : i32 to index
        %swap3A_638 = arith.index_cast %scan3A_499 : i32 to index
        %swap3A_639 = arith.constant 48 : index
        %swap3A_640 = tpu.vector_load %arg14[%swap3A_637, %swap3A_638, %swap3A_639] {strides = array<i32>} : memref<2x80x64xf32, #tpu.memory_space<vmem>>, vector<16xf32>,
        tpu.vector_store %arg14[%swap3A_637, %swap3A_638, %swap3A_639], %bitcast3A_635 {strides = array<i32>} : memref<2x80x64xf32, #tpu.memory_space<vmem>>, vector<16xf32>,
        %unpack3A_641 = tpu.unpack_subelements %add3A_634, 0 {pack_format = #tpu.pack_format<interleaved>} : vector<32xbf16> -> vector<16xf32>
        %unpack3A_642 = tpu.unpack_subelements %add3A_634, 1 {pack_format = #tpu.pack_format<interleaved>} : vector<32xbf16> -> vector<16xf32>
        %add3A_643 = arith.addf %scan3A_506, %unpack3A_641 : vector<16xf32>
        %add3A_644 = arith.addf %scan3A_507, %unpack3A_642 : vector<16xf32>
        %mul3A_645 = arith.mulf %unpack3A_641, %unpack3A_641 : vector<16xf32>
        %add3A_646 = arith.addf %scan3A_514, %mul3A_645 : vector<16xf32>
        %mul3A_647 = arith.mulf %unpack3A_642, %unpack3A_642 : vector<16xf32>
        %add3A_648 = arith.addf %scan3A_515, %mul3A_647 : vector<16xf32>
        scf.yield %add3A_541, %add3A_542, %add3A_575, %add3A_576, %add3A_609, %add3A_610, %add3A_643, %add3A_644, %add3A_544, %add3A_546, %add3A_578, %add3A_580, %add3A_612, %add3A_614, %add3A_646, %add3A_648 : vector<16xf32>, vector<16xf32>, vector<16xf32>, vector<16xf32>, vector<16xf32>, vector<16xf32>, vector<16xf32>, vector<16xf32>, vector<16xf32>, vector<16xf32>, vector<16xf32>, vector<16xf32>, vector<16xf32>, vector<16xf32>, vector<16xf32>, vector<16xf32>
      }
      %scan3A_430 = arith.constant 80 : i32
      %swap3A_431 = arith.constant 0 : i32
      %swap3A_432 = arith.index_cast %swap3A_431 : i32 to index
      %swap3A_433 = arith.constant 0 : index
      %swap3A_434 = tpu.vector_load %arg15[%swap3A_432, %swap3A_433] {strides = array<i32>} : memref<2x128xf32, #tpu.memory_space<vmem>>, vector<16xf32>,
      tpu.vector_store %arg15[%swap3A_432, %swap3A_433], %scan3A_429#0 {add = true, strides = array<i32>} : memref<2x128xf32, #tpu.memory_space<vmem>>, vector<16xf32>,
      %swap3A_435 = arith.constant 1 : i32
      %swap3A_436 = arith.index_cast %swap3A_435 : i32 to index
      %swap3A_437 = arith.constant 0 : index
      %swap3A_438 = tpu.vector_load %arg15[%swap3A_436, %swap3A_437] {strides = array<i32>} : memref<2x128xf32, #tpu.memory_space<vmem>>, vector<16xf32>,
      tpu.vector_store %arg15[%swap3A_436, %swap3A_437], %scan3A_429#8 {add = true, strides = array<i32>} : memref<2x128xf32, #tpu.memory_space<vmem>>, vector<16xf32>,
      %swap3A_439 = arith.constant 0 : i32
      %swap3A_440 = arith.index_cast %swap3A_439 : i32 to index
      %swap3A_441 = arith.constant 16 : index
      %swap3A_442 = tpu.vector_load %arg15[%swap3A_440, %swap3A_441] {strides = array<i32>} : memref<2x128xf32, #tpu.memory_space<vmem>>, vector<16xf32>,
      tpu.vector_store %arg15[%swap3A_440, %swap3A_441], %scan3A_429#1 {add = true, strides = array<i32>} : memref<2x128xf32, #tpu.memory_space<vmem>>, vector<16xf32>,
      %swap3A_443 = arith.constant 1 : i32
      %swap3A_444 = arith.index_cast %swap3A_443 : i32 to index
      %swap3A_445 = arith.constant 16 : index
      %swap3A_446 = tpu.vector_load %arg15[%swap3A_444, %swap3A_445] {strides = array<i32>} : memref<2x128xf32, #tpu.memory_space<vmem>>, vector<16xf32>,
      tpu.vector_store %arg15[%swap3A_444, %swap3A_445], %scan3A_429#9 {add = true, strides = array<i32>} : memref<2x128xf32, #tpu.memory_space<vmem>>, vector<16xf32>,
      %swap3A_447 = arith.constant 0 : i32
      %swap3A_448 = arith.index_cast %swap3A_447 : i32 to index
      %swap3A_449 = arith.constant 32 : index
      %swap3A_450 = tpu.vector_load %arg15[%swap3A_448, %swap3A_449] {strides = array<i32>} : memref<2x128xf32, #tpu.memory_space<vmem>>, vector<16xf32>,
      tpu.vector_store %arg15[%swap3A_448, %swap3A_449], %scan3A_429#2 {add = true, strides = array<i32>} : memref<2x128xf32, #tpu.memory_space<vmem>>, vector<16xf32>,
      %swap3A_451 = arith.constant 1 : i32
      %swap3A_452 = arith.index_cast %swap3A_451 : i32 to index
      %swap3A_453 = arith.constant 32 : index
      %swap3A_454 = tpu.vector_load %arg15[%swap3A_452, %swap3A_453] {strides = array<i32>} : memref<2x128xf32, #tpu.memory_space<vmem>>, vector<16xf32>,
      tpu.vector_store %arg15[%swap3A_452, %swap3A_453], %scan3A_429#10 {add = true, strides = array<i32>} : memref<2x128xf32, #tpu.memory_space<vmem>>, vector<16xf32>,
      %swap3A_455 = arith.constant 0 : i32
      %swap3A_456 = arith.index_cast %swap3A_455 : i32 to index
      %swap3A_457 = arith.constant 48 : index
      %swap3A_458 = tpu.vector_load %arg15[%swap3A_456, %swap3A_457] {strides = array<i32>} : memref<2x128xf32, #tpu.memory_space<vmem>>, vector<16xf32>,
      tpu.vector_store %arg15[%swap3A_456, %swap3A_457], %scan3A_429#3 {add = true, strides = array<i32>} : memref<2x128xf32, #tpu.memory_space<vmem>>, vector<16xf32>,
      %swap3A_459 = arith.constant 1 : i32
      %swap3A_460 = arith.index_cast %swap3A_459 : i32 to index
      %swap3A_461 = arith.constant 48 : index
      %swap3A_462 = tpu.vector_load %arg15[%swap3A_460, %swap3A_461] {strides = array<i32>} : memref<2x128xf32, #tpu.memory_space<vmem>>, vector<16xf32>,
      tpu.vector_store %arg15[%swap3A_460, %swap3A_461], %scan3A_429#11 {add = true, strides = array<i32>} : memref<2x128xf32, #tpu.memory_space<vmem>>, vector<16xf32>,
      %swap3A_463 = arith.constant 0 : i32
      %swap3A_464 = arith.index_cast %swap3A_463 : i32 to index
      %swap3A_465 = arith.constant 64 : index
      %swap3A_466 = tpu.vector_load %arg15[%swap3A_464, %swap3A_465] {strides = array<i32>} : memref<2x128xf32, #tpu.memory_space<vmem>>, vector<16xf32>,
      tpu.vector_store %arg15[%swap3A_464, %swap3A_465], %scan3A_429#4 {add = true, strides = array<i32>} : memref<2x128xf32, #tpu.memory_space<vmem>>, vector<16xf32>,
      %swap3A_467 = arith.constant 1 : i32
      %swap3A_468 = arith.index_cast %swap3A_467 : i32 to index
      %swap3A_469 = arith.constant 64 : index
      %swap3A_470 = tpu.vector_load %arg15[%swap3A_468, %swap3A_469] {strides = array<i32>} : memref<2x128xf32, #tpu.memory_space<vmem>>, vector<16xf32>,
      tpu.vector_store %arg15[%swap3A_468, %swap3A_469], %scan3A_429#12 {add = true, strides = array<i32>} : memref<2x128xf32, #tpu.memory_space<vmem>>, vector<16xf32>,
      %swap3A_471 = arith.constant 0 : i32
      %swap3A_472 = arith.index_cast %swap3A_471 : i32 to index
      %swap3A_473 = arith.constant 80 : index
      %swap3A_474 = tpu.vector_load %arg15[%swap3A_472, %swap3A_473] {strides = array<i32>} : memref<2x128xf32, #tpu.memory_space<vmem>>, vector<16xf32>,
      tpu.vector_store %arg15[%swap3A_472, %swap3A_473], %scan3A_429#5 {add = true, strides = array<i32>} : memref<2x128xf32, #tpu.memory_space<vmem>>, vector<16xf32>,
      %swap3A_475 = arith.constant 1 : i32
      %swap3A_476 = arith.index_cast %swap3A_475 : i32 to index
      %swap3A_477 = arith.constant 80 : index
      %swap3A_478 = tpu.vector_load %arg15[%swap3A_476, %swap3A_477] {strides = array<i32>} : memref<2x128xf32, #tpu.memory_space<vmem>>, vector<16xf32>,
      tpu.vector_store %arg15[%swap3A_476, %swap3A_477], %scan3A_429#13 {add = true, strides = array<i32>} : memref<2x128xf32, #tpu.memory_space<vmem>>, vector<16xf32>,
      %swap3A_479 = arith.constant 0 : i32
      %swap3A_480 = arith.index_cast %swap3A_479 : i32 to index
      %swap3A_481 = arith.constant 96 : index
      %swap3A_482 = tpu.vector_load %arg15[%swap3A_480, %swap3A_481] {strides = array<i32>} : memref<2x128xf32, #tpu.memory_space<vmem>>, vector<16xf32>,
      tpu.vector_store %arg15[%swap3A_480, %swap3A_481], %scan3A_429#6 {add = true, strides = array<i32>} : memref<2x128xf32, #tpu.memory_space<vmem>>, vector<16xf32>,
      %swap3A_483 = arith.constant 1 : i32
      %swap3A_484 = arith.index_cast %swap3A_483 : i32 to index
      %swap3A_485 = arith.constant 96 : index
      %swap3A_486 = tpu.vector_load %arg15[%swap3A_484, %swap3A_485] {strides = array<i32>} : memref<2x128xf32, #tpu.memory_space<vmem>>, vector<16xf32>,
      tpu.vector_store %arg15[%swap3A_484, %swap3A_485], %scan3A_429#14 {add = true, strides = array<i32>} : memref<2x128xf32, #tpu.memory_space<vmem>>, vector<16xf32>,
      %swap3A_487 = arith.constant 0 : i32
      %swap3A_488 = arith.index_cast %swap3A_487 : i32 to index
      %swap3A_489 = arith.constant 112 : index
      %swap3A_490 = tpu.vector_load %arg15[%swap3A_488, %swap3A_489] {strides = array<i32>} : memref<2x128xf32, #tpu.memory_space<vmem>>, vector<16xf32>,
      tpu.vector_store %arg15[%swap3A_488, %swap3A_489], %scan3A_429#7 {add = true, strides = array<i32>} : memref<2x128xf32, #tpu.memory_space<vmem>>, vector<16xf32>,
      %swap3A_491 = arith.constant 1 : i32
      %swap3A_492 = arith.index_cast %swap3A_491 : i32 to index
      %swap3A_493 = arith.constant 112 : index
      %swap3A_494 = tpu.vector_load %arg15[%swap3A_492, %swap3A_493] {strides = array<i32>} : memref<2x128xf32, #tpu.memory_space<vmem>>, vector<16xf32>,
      tpu.vector_store %arg15[%swap3A_492, %swap3A_493], %scan3A_429#15 {add = true, strides = array<i32>} : memref<2x128xf32, #tpu.memory_space<vmem>>, vector<16xf32>,
      %mul3A_495 = arith.constant 80 : i32
      %mul3A_496 = arith.muli %add3A_341, %mul3A_495 : i32
      %add3A_497 = arith.addi %mul3A_2, %mul3A_496 : i32
      %run_scoped3A_498 = arith.constant 1 : i32
      "tpu.region"() ({
        %run_scoped3A_499 = tpu.sem_alloc : memref<!tpu.dma_semaphore, #tpu.memory_space<semaphore_mem>>
        %dma_start3A_500 = arith.constant 0 : i32
        %dma_start3A_501 = arith.constant 0 : i32
        %dma_start3A_502 = tpu.memref_slice %arg14[%run_scoped3A_498, %dma_start3A_500, %dma_start3A_501] : memref<2x80x64xf32, #tpu.memory_space<vmem>> -> memref<1x80x64xf32, #tpu.memory_space<vmem>>
        %dma_start3A_503 = tpu.memref_squeeze %dma_start3A_502 : memref<1x80x64xf32, #tpu.memory_space<vmem>> -> memref<80x64xf32, #tpu.memory_space<vmem>>
        %dma_start3A_504 = arith.constant 0 : i32
        %dma_start3A_505 = tpu.memref_slice %arg7[%add3A_497, %dma_start3A_504] : memref<320000x64xf32, #tpu.memory_space<hbm>> -> memref<80x64xf32, #tpu.memory_space<hbm>>
        %dma_start3A_506 = arith.constant 0 : i32
        %dma_start3A_507 = tpu.memref_slice %arg7[%add3A_497, %dma_start3A_506] : memref<320000x64xf32, #tpu.memory_space<hbm>> -> memref<80x64xf32, #tpu.memory_space<hbm>>
        %dma_start3A_508 = arith.constant 0 : i32
        %dma_start3A_509 = arith.constant 0 : i32
        %dma_start3A_510 = tpu.memref_slice %arg14[%run_scoped3A_498, %dma_start3A_508, %dma_start3A_509] : memref<2x80x64xf32, #tpu.memory_space<vmem>> -> memref<1x80x64xf32, #tpu.memory_space<vmem>>
        %dma_start3A_511 = tpu.memref_squeeze %dma_start3A_510 : memref<1x80x64xf32, #tpu.memory_space<vmem>> -> memref<80x64xf32, #tpu.memory_space<vmem>>
        tpu.enqueue_dma source(%dma_start3A_511 : memref<80x64xf32, #tpu.memory_space<vmem>>) target(%dma_start3A_507 : memref<80x64xf32, #tpu.memory_space<hbm>>) target_semaphore(%run_scoped3A_499 : memref<!tpu.dma_semaphore, #tpu.memory_space<semaphore_mem>>)
        %dma_wait3A_512 = arith.constant 0 : i32
        %dma_wait3A_513 = arith.constant 0 : i32
        %dma_wait3A_514 = tpu.memref_slice %arg14[%run_scoped3A_498, %dma_wait3A_512, %dma_wait3A_513] : memref<2x80x64xf32, #tpu.memory_space<vmem>> -> memref<1x80x64xf32, #tpu.memory_space<vmem>>
        %dma_wait3A_515 = tpu.memref_squeeze %dma_wait3A_514 : memref<1x80x64xf32, #tpu.memory_space<vmem>> -> memref<80x64xf32, #tpu.memory_space<vmem>>
        %dma_wait3A_516 = arith.constant 0 : i32
        %dma_wait3A_517 = tpu.memref_slice %arg7[%add3A_497, %dma_wait3A_516] : memref<320000x64xf32, #tpu.memory_space<hbm>> -> memref<80x64xf32, #tpu.memory_space<hbm>>
        %dma_wait3A_518 = arith.constant 0 : i32
        %dma_wait3A_519 = tpu.memref_slice %arg7[%add3A_497, %dma_wait3A_518] : memref<320000x64xf32, #tpu.memory_space<hbm>> -> memref<80x64xf32, #tpu.memory_space<hbm>>
        %dma_wait3A_520 = arith.constant 0 : i32
        %dma_wait3A_521 = arith.constant 0 : i32
        %dma_wait3A_522 = tpu.memref_slice %arg14[%run_scoped3A_498, %dma_wait3A_520, %dma_wait3A_521] : memref<2x80x64xf32, #tpu.memory_space<vmem>> -> memref<1x80x64xf32, #tpu.memory_space<vmem>>
        %dma_wait3A_523 = tpu.memref_squeeze %dma_wait3A_522 : memref<1x80x64xf32, #tpu.memory_space<vmem>> -> memref<80x64xf32, #tpu.memory_space<vmem>>
        tpu.wait_dma2 semaphore(%run_scoped3A_499 : memref<!tpu.dma_semaphore, #tpu.memory_space<semaphore_mem>>) src(%dma_wait3A_523 : memref<80x64xf32, #tpu.memory_space<vmem>>) dst(%dma_wait3A_519 : memref<80x64xf32, #tpu.memory_space<hbm>>)
        tpu.yield
      }) : () -> ()
    }
    %scan3A_57 = arith.constant 62 : i32
    %dma_wait3A = arith.constant 124 : i32
    %dma_wait3A_58 = arith.constant 0 : i32
    %dma_wait3A_59 = arith.constant 0 : i32
    %dma_wait3A_60 = arith.constant 0 : i32
    %dma_wait3A_61 = tpu.memref_slice %arg12[%dma_wait3A_58, %dma_wait3A_59, %dma_wait3A_60] : memref<2x80x64xf32, #tpu.memory_space<vmem>> -> memref<1x80x64xf32, #tpu.memory_space<vmem>>
    %dma_wait3A_62 = tpu.memref_squeeze %dma_wait3A_61 : memref<1x80x64xf32, #tpu.memory_space<vmem>> -> memref<80x64xf32, #tpu.memory_space<vmem>>
    %dma_wait3A_63 = arith.constant 0 : i32
    %dma_wait3A_64 = tpu.memref_slice %arg10[%dma_wait3A, %dma_wait3A_63] : memref<125x80xi32, #tpu.memory_space<vmem>> -> memref<1x80xi32, #tpu.memory_space<vmem>>
    %dma_wait3A_65 = tpu.memref_squeeze %dma_wait3A_64 : memref<1x80xi32, #tpu.memory_space<vmem>> -> memref<80xi32, #tpu.memory_space<vmem>>
    %dma_wait3A_66 = arith.constant 0 : i32
    %dma_wait3A_67 = arith.constant 0 : i32
    %dma_wait3A_68 = tpu.memref_slice %arg2[%dma_wait3A_66, %dma_wait3A_67] : memref<10000x64xf32, #tpu.memory_space<hbm>> -> memref<10000x64xf32, #tpu.memory_space<hbm>>
    tpu.wait_indirect_dma semaphore(%arg17 : memref<!tpu.dma_semaphore, #tpu.memory_space<semaphore_mem>>) src(%dma_wait3A_68 : memref<10000x64xf32, #tpu.memory_space<hbm>>) dst(%dma_wait3A_62 : memref<80x64xf32, #tpu.memory_space<vmem>>)
    %dma_wait3A_69 = arith.constant 124 : i32
    %dma_wait3A_70 = arith.constant 0 : i32
    %dma_wait3A_71 = arith.constant 0 : i32
    %dma_wait3A_72 = arith.constant 0 : i32
    %dma_wait3A_73 = tpu.memref_slice %arg13[%dma_wait3A_70, %dma_wait3A_71, %dma_wait3A_72] : memref<2x80x64xf32, #tpu.memory_space<vmem>> -> memref<1x80x64xf32, #tpu.memory_space<vmem>>
    %dma_wait3A_74 = tpu.memref_squeeze %dma_wait3A_73 : memref<1x80x64xf32, #tpu.memory_space<vmem>> -> memref<80x64xf32, #tpu.memory_space<vmem>>
    %dma_wait3A_75 = arith.constant 0 : i32
    %dma_wait3A_76 = tpu.memref_slice %arg11[%dma_wait3A_69, %dma_wait3A_75] : memref<125x80xi32, #tpu.memory_space<vmem>> -> memref<1x80xi32, #tpu.memory_space<vmem>>
    %dma_wait3A_77 = tpu.memref_squeeze %dma_wait3A_76 : memref<1x80xi32, #tpu.memory_space<vmem>> -> memref<80xi32, #tpu.memory_space<vmem>>
    %dma_wait3A_78 = arith.constant 0 : i32
    %dma_wait3A_79 = arith.constant 0 : i32
    %dma_wait3A_80 = tpu.memref_slice %arg3[%dma_wait3A_78, %dma_wait3A_79] : memref<10000x64xf32, #tpu.memory_space<hbm>> -> memref<10000x64xf32, #tpu.memory_space<hbm>>
    tpu.wait_indirect_dma semaphore(%arg19 : memref<!tpu.dma_semaphore, #tpu.memory_space<semaphore_mem>>) src(%dma_wait3A_80 : memref<10000x64xf32, #tpu.memory_space<hbm>>) dst(%dma_wait3A_74 : memref<80x64xf32, #tpu.memory_space<vmem>>)
    %add3A_81 = arith.constant 9920 : i32
    %add3A_82 = arith.addi %mul3A_2, %add3A_81 : i32
    %dma_wait3A_83 = arith.constant 0 : i32
    %dma_wait3A_84 = arith.constant 0 : i32
    %dma_wait3A_85 = arith.constant 0 : i32
    %dma_wait3A_86 = tpu.memref_slice %arg14[%dma_wait3A_83, %dma_wait3A_84, %dma_wait3A_85] : memref<2x80x64xf32, #tpu.memory_space<vmem>> -> memref<1x80x64xf32, #tpu.memory_space<vmem>>
    %dma_wait3A_87 = tpu.memref_squeeze %dma_wait3A_86 : memref<1x80x64xf32, #tpu.memory_space<vmem>> -> memref<80x64xf32, #tpu.memory_space<vmem>>
    %dma_wait3A_88 = arith.constant 0 : i32
    %dma_wait3A_89 = tpu.memref_slice %arg4[%add3A_82, %dma_wait3A_88] : memref<320000x64xf32, #tpu.memory_space<hbm>> -> memref<80x64xf32, #tpu.memory_space<hbm>>
    %dma_wait3A_90 = arith.constant 0 : i32
    %dma_wait3A_91 = arith.constant 0 : i32
    %dma_wait3A_92 = tpu.memref_slice %arg14[%dma_wait3A_83, %dma_wait3A_90, %dma_wait3A_91] : memref<2x80x64xf32, #tpu.memory_space<vmem>> -> memref<1x80x64xf32, #tpu.memory_space<vmem>>
    %dma_wait3A_93 = tpu.memref_squeeze %dma_wait3A_92 : memref<1x80x64xf32, #tpu.memory_space<vmem>> -> memref<80x64xf32, #tpu.memory_space<vmem>>
    %dma_wait3A_94 = arith.constant 0 : i32
    %dma_wait3A_95 = tpu.memref_slice %arg4[%add3A_82, %dma_wait3A_94] : memref<320000x64xf32, #tpu.memory_space<hbm>> -> memref<80x64xf32, #tpu.memory_space<hbm>>
    tpu.wait_dma2 semaphore(%arg21 : memref<!tpu.dma_semaphore, #tpu.memory_space<semaphore_mem>>) src(%dma_wait3A_95 : memref<80x64xf32, #tpu.memory_space<hbm>>) dst(%dma_wait3A_93 : memref<80x64xf32, #tpu.memory_space<vmem>>)
    %scan3A_96 = arith.constant 0 : i32
    %scan3A_97 = arith.constant 5 : i32
    %scan3A_98 = arith.addi %scan3A_96, %scan3A_97 : i32
    %scan3A_99 = arith.constant 1 : i32
    scf.for %scan3A_172 = %scan3A_96 to %scan3A_98 step %scan3A_99  : i32 {
      %mul3A_173 = arith.constant 1 : i32
      %mul3A_174 = arith.muli %scan3A_172, %mul3A_173 : i32
      %add3A_175 = arith.constant 0 : i32
      %add3A_176 = arith.addi %add3A_175, %mul3A_174 : i32
      %mul3A_177 = arith.constant 16 : i32
      %mul3A_178 = arith.muli %add3A_176, %mul3A_177 : i32
      %get3A = arith.constant 124 : i32
      %get3A_179 = arith.index_cast %get3A : i32 to index
      %get3A_180 = arith.index_cast %mul3A_178 : i32 to index
      %get3A_181 = tpu.vector_load %arg10[%get3A_179, %get3A_180] {strides = array<i32>} : memref<125x80xi32, #tpu.memory_space<vmem>>, vector<16xi32>,
      tpu.vector_store_idx %arg16[%get3A_181], %broadcast_in_dim3A_5 {add = true} : memref<10000xf32, #tpu.memory_space<vmem>>[vector<16xi32>], vector<16xf32>,
    }
    %scan3A_100 = arith.constant 5 : i32
    %scan3A_101 = arith.constant 0 : i32
    %scan3A_102 = arith.constant 80 : i32
    %scan3A_103 = arith.addi %scan3A_101, %scan3A_102 : i32
    %scan3A_104 = arith.constant 1 : i32
    %scan3A_105:16 = scf.for %scan3A_172 = %scan3A_101 to %scan3A_103 step %scan3A_104 iter_args(%scan3A_173 = %broadcast_in_dim3A_3, %scan3A_174 = %broadcast_in_dim3A_3, %scan3A_175 = %broadcast_in_dim3A_3, %scan3A_176 = %broadcast_in_dim3A_3, %scan3A_177 = %broadcast_in_dim3A_3, %scan3A_178 = %broadcast_in_dim3A_3, %scan3A_179 = %broadcast_in_dim3A_3, %scan3A_180 = %broadcast_in_dim3A_3, %scan3A_181 = %broadcast_in_dim3A_3, %scan3A_182 = %broadcast_in_dim3A_3, %scan3A_183 = %broadcast_in_dim3A_3, %scan3A_184 = %broadcast_in_dim3A_3, %scan3A_185 = %broadcast_in_dim3A_3, %scan3A_186 = %broadcast_in_dim3A_3, %scan3A_187 = %broadcast_in_dim3A_3, %scan3A_188 = %broadcast_in_dim3A_3) -> (vector<16xf32>, vector<16xf32>, vector<16xf32>, vector<16xf32>, vector<16xf32>, vector<16xf32>, vector<16xf32>, vector<16xf32>, vector<16xf32>, vector<16xf32>, vector<16xf32>, vector<16xf32>, vector<16xf32>, vector<16xf32>, vector<16xf32>, vector<16xf32>)  : i32 {
      %get3A = arith.constant 0 : i32
      %get3A_189 = arith.index_cast %get3A : i32 to index
      %get3A_190 = arith.index_cast %scan3A_172 : i32 to index
      %get3A_191 = arith.constant 0 : index
      %get3A_192 = tpu.vector_load %arg12[%get3A_189, %get3A_190, %get3A_191] {strides = array<i32>} : memref<2x80x64xf32, #tpu.memory_space<vmem>>, vector<16xf32>,
      %bitcast3A = vector.bitcast %get3A_192 : vector<16xf32> to vector<32xbf16>
      %get3A_193 = arith.constant 0 : i32
      %get3A_194 = arith.index_cast %get3A_193 : i32 to index
      %get3A_195 = arith.index_cast %scan3A_172 : i32 to index
      %get3A_196 = arith.constant 0 : index
      %get3A_197 = tpu.vector_load %arg13[%get3A_194, %get3A_195, %get3A_196] {strides = array<i32>} : memref<2x80x64xf32, #tpu.memory_space<vmem>>, vector<16xf32>,
      %bitcast3A_198 = vector.bitcast %get3A_197 : vector<16xf32> to vector<32xbf16>
      %get3A_199 = arith.constant 0 : i32
      %get3A_200 = arith.index_cast %get3A_199 : i32 to index
      %get3A_201 = arith.index_cast %scan3A_172 : i32 to index
      %get3A_202 = arith.constant 0 : index
      %get3A_203 = tpu.vector_load %arg14[%get3A_200, %get3A_201, %get3A_202] {strides = array<i32>} : memref<2x80x64xf32, #tpu.memory_space<vmem>>, vector<16xf32>,
      %bitcast3A_204 = vector.bitcast %get3A_203 : vector<16xf32> to vector<32xbf16>
      %add3A_205 = arith.addf %bitcast3A, %bitcast3A_198 : vector<32xbf16>
      %add3A_206 = arith.addf %add3A_205, %bitcast3A_204 : vector<32xbf16>
      %bitcast3A_207 = vector.bitcast %add3A_206 : vector<32xbf16> to vector<16xf32>
      %swap3A_208 = arith.constant 0 : i32
      %swap3A_209 = arith.index_cast %swap3A_208 : i32 to index
      %swap3A_210 = arith.index_cast %scan3A_172 : i32 to index
      %swap3A_211 = arith.constant 0 : index
      %swap3A_212 = tpu.vector_load %arg14[%swap3A_209, %swap3A_210, %swap3A_211] {strides = array<i32>} : memref<2x80x64xf32, #tpu.memory_space<vmem>>, vector<16xf32>,
      tpu.vector_store %arg14[%swap3A_209, %swap3A_210, %swap3A_211], %bitcast3A_207 {strides = array<i32>} : memref<2x80x64xf32, #tpu.memory_space<vmem>>, vector<16xf32>,
      %unpack3A = tpu.unpack_subelements %add3A_206, 0 {pack_format = #tpu.pack_format<interleaved>} : vector<32xbf16> -> vector<16xf32>
      %unpack3A_213 = tpu.unpack_subelements %add3A_206, 1 {pack_format = #tpu.pack_format<interleaved>} : vector<32xbf16> -> vector<16xf32>
      %add3A_214 = arith.addf %scan3A_173, %unpack3A : vector<16xf32>
      %add3A_215 = arith.addf %scan3A_174, %unpack3A_213 : vector<16xf32>
      %mul3A_216 = arith.mulf %unpack3A, %unpack3A : vector<16xf32>
      %add3A_217 = arith.addf %scan3A_181, %mul3A_216 : vector<16xf32>
      %mul3A_218 = arith.mulf %unpack3A_213, %unpack3A_213 : vector<16xf32>
      %add3A_219 = arith.addf %scan3A_182, %mul3A_218 : vector<16xf32>
      %get3A_220 = arith.constant 0 : i32
      %get3A_221 = arith.index_cast %get3A_220 : i32 to index
      %get3A_222 = arith.index_cast %scan3A_172 : i32 to index
      %get3A_223 = arith.constant 16 : index
      %get3A_224 = tpu.vector_load %arg12[%get3A_221, %get3A_222, %get3A_223] {strides = array<i32>} : memref<2x80x64xf32, #tpu.memory_space<vmem>>, vector<16xf32>,
      %bitcast3A_225 = vector.bitcast %get3A_224 : vector<16xf32> to vector<32xbf16>
      %get3A_226 = arith.constant 0 : i32
      %get3A_227 = arith.index_cast %get3A_226 : i32 to index
      %get3A_228 = arith.index_cast %scan3A_172 : i32 to index
      %get3A_229 = arith.constant 16 : index
      %get3A_230 = tpu.vector_load %arg13[%get3A_227, %get3A_228, %get3A_229] {strides = array<i32>} : memref<2x80x64xf32, #tpu.memory_space<vmem>>, vector<16xf32>,
      %bitcast3A_231 = vector.bitcast %get3A_230 : vector<16xf32> to vector<32xbf16>
      %get3A_232 = arith.constant 0 : i32
      %get3A_233 = arith.index_cast %get3A_232 : i32 to index
      %get3A_234 = arith.index_cast %scan3A_172 : i32 to index
      %get3A_235 = arith.constant 16 : index
      %get3A_236 = tpu.vector_load %arg14[%get3A_233, %get3A_234, %get3A_235] {strides = array<i32>} : memref<2x80x64xf32, #tpu.memory_space<vmem>>, vector<16xf32>,
      %bitcast3A_237 = vector.bitcast %get3A_236 : vector<16xf32> to vector<32xbf16>
      %add3A_238 = arith.addf %bitcast3A_225, %bitcast3A_231 : vector<32xbf16>
      %add3A_239 = arith.addf %add3A_238, %bitcast3A_237 : vector<32xbf16>
      %bitcast3A_240 = vector.bitcast %add3A_239 : vector<32xbf16> to vector<16xf32>
      %swap3A_241 = arith.constant 0 : i32
      %swap3A_242 = arith.index_cast %swap3A_241 : i32 to index
      %swap3A_243 = arith.index_cast %scan3A_172 : i32 to index
      %swap3A_244 = arith.constant 16 : index
      %swap3A_245 = tpu.vector_load %arg14[%swap3A_242, %swap3A_243, %swap3A_244] {strides = array<i32>} : memref<2x80x64xf32, #tpu.memory_space<vmem>>, vector<16xf32>,
      tpu.vector_store %arg14[%swap3A_242, %swap3A_243, %swap3A_244], %bitcast3A_240 {strides = array<i32>} : memref<2x80x64xf32, #tpu.memory_space<vmem>>, vector<16xf32>,
      %unpack3A_246 = tpu.unpack_subelements %add3A_239, 0 {pack_format = #tpu.pack_format<interleaved>} : vector<32xbf16> -> vector<16xf32>
      %unpack3A_247 = tpu.unpack_subelements %add3A_239, 1 {pack_format = #tpu.pack_format<interleaved>} : vector<32xbf16> -> vector<16xf32>
      %add3A_248 = arith.addf %scan3A_175, %unpack3A_246 : vector<16xf32>
      %add3A_249 = arith.addf %scan3A_176, %unpack3A_247 : vector<16xf32>
      %mul3A_250 = arith.mulf %unpack3A_246, %unpack3A_246 : vector<16xf32>
      %add3A_251 = arith.addf %scan3A_183, %mul3A_250 : vector<16xf32>
      %mul3A_252 = arith.mulf %unpack3A_247, %unpack3A_247 : vector<16xf32>
      %add3A_253 = arith.addf %scan3A_184, %mul3A_252 : vector<16xf32>
      %get3A_254 = arith.constant 0 : i32
      %get3A_255 = arith.index_cast %get3A_254 : i32 to index
      %get3A_256 = arith.index_cast %scan3A_172 : i32 to index
      %get3A_257 = arith.constant 32 : index
      %get3A_258 = tpu.vector_load %arg12[%get3A_255, %get3A_256, %get3A_257] {strides = array<i32>} : memref<2x80x64xf32, #tpu.memory_space<vmem>>, vector<16xf32>,
      %bitcast3A_259 = vector.bitcast %get3A_258 : vector<16xf32> to vector<32xbf16>
      %get3A_260 = arith.constant 0 : i32
      %get3A_261 = arith.index_cast %get3A_260 : i32 to index
      %get3A_262 = arith.index_cast %scan3A_172 : i32 to index
      %get3A_263 = arith.constant 32 : index
      %get3A_264 = tpu.vector_load %arg13[%get3A_261, %get3A_262, %get3A_263] {strides = array<i32>} : memref<2x80x64xf32, #tpu.memory_space<vmem>>, vector<16xf32>,
      %bitcast3A_265 = vector.bitcast %get3A_264 : vector<16xf32> to vector<32xbf16>
      %get3A_266 = arith.constant 0 : i32
      %get3A_267 = arith.index_cast %get3A_266 : i32 to index
      %get3A_268 = arith.index_cast %scan3A_172 : i32 to index
      %get3A_269 = arith.constant 32 : index
      %get3A_270 = tpu.vector_load %arg14[%get3A_267, %get3A_268, %get3A_269] {strides = array<i32>} : memref<2x80x64xf32, #tpu.memory_space<vmem>>, vector<16xf32>,
      %bitcast3A_271 = vector.bitcast %get3A_270 : vector<16xf32> to vector<32xbf16>
      %add3A_272 = arith.addf %bitcast3A_259, %bitcast3A_265 : vector<32xbf16>
      %add3A_273 = arith.addf %add3A_272, %bitcast3A_271 : vector<32xbf16>
      %bitcast3A_274 = vector.bitcast %add3A_273 : vector<32xbf16> to vector<16xf32>
      %swap3A_275 = arith.constant 0 : i32
      %swap3A_276 = arith.index_cast %swap3A_275 : i32 to index
      %swap3A_277 = arith.index_cast %scan3A_172 : i32 to index
      %swap3A_278 = arith.constant 32 : index
      %swap3A_279 = tpu.vector_load %arg14[%swap3A_276, %swap3A_277, %swap3A_278] {strides = array<i32>} : memref<2x80x64xf32, #tpu.memory_space<vmem>>, vector<16xf32>,
      tpu.vector_store %arg14[%swap3A_276, %swap3A_277, %swap3A_278], %bitcast3A_274 {strides = array<i32>} : memref<2x80x64xf32, #tpu.memory_space<vmem>>, vector<16xf32>,
      %unpack3A_280 = tpu.unpack_subelements %add3A_273, 0 {pack_format = #tpu.pack_format<interleaved>} : vector<32xbf16> -> vector<16xf32>
      %unpack3A_281 = tpu.unpack_subelements %add3A_273, 1 {pack_format = #tpu.pack_format<interleaved>} : vector<32xbf16> -> vector<16xf32>
      %add3A_282 = arith.addf %scan3A_177, %unpack3A_280 : vector<16xf32>
      %add3A_283 = arith.addf %scan3A_178, %unpack3A_281 : vector<16xf32>
      %mul3A_284 = arith.mulf %unpack3A_280, %unpack3A_280 : vector<16xf32>
      %add3A_285 = arith.addf %scan3A_185, %mul3A_284 : vector<16xf32>
      %mul3A_286 = arith.mulf %unpack3A_281, %unpack3A_281 : vector<16xf32>
      %add3A_287 = arith.addf %scan3A_186, %mul3A_286 : vector<16xf32>
      %get3A_288 = arith.constant 0 : i32
      %get3A_289 = arith.index_cast %get3A_288 : i32 to index
      %get3A_290 = arith.index_cast %scan3A_172 : i32 to index
      %get3A_291 = arith.constant 48 : index
      %get3A_292 = tpu.vector_load %arg12[%get3A_289, %get3A_290, %get3A_291] {strides = array<i32>} : memref<2x80x64xf32, #tpu.memory_space<vmem>>, vector<16xf32>,
      %bitcast3A_293 = vector.bitcast %get3A_292 : vector<16xf32> to vector<32xbf16>
      %get3A_294 = arith.constant 0 : i32
      %get3A_295 = arith.index_cast %get3A_294 : i32 to index
      %get3A_296 = arith.index_cast %scan3A_172 : i32 to index
      %get3A_297 = arith.constant 48 : index
      %get3A_298 = tpu.vector_load %arg13[%get3A_295, %get3A_296, %get3A_297] {strides = array<i32>} : memref<2x80x64xf32, #tpu.memory_space<vmem>>, vector<16xf32>,
      %bitcast3A_299 = vector.bitcast %get3A_298 : vector<16xf32> to vector<32xbf16>
      %get3A_300 = arith.constant 0 : i32
      %get3A_301 = arith.index_cast %get3A_300 : i32 to index
      %get3A_302 = arith.index_cast %scan3A_172 : i32 to index
      %get3A_303 = arith.constant 48 : index
      %get3A_304 = tpu.vector_load %arg14[%get3A_301, %get3A_302, %get3A_303] {strides = array<i32>} : memref<2x80x64xf32, #tpu.memory_space<vmem>>, vector<16xf32>,
      %bitcast3A_305 = vector.bitcast %get3A_304 : vector<16xf32> to vector<32xbf16>
      %add3A_306 = arith.addf %bitcast3A_293, %bitcast3A_299 : vector<32xbf16>
      %add3A_307 = arith.addf %add3A_306, %bitcast3A_305 : vector<32xbf16>
      %bitcast3A_308 = vector.bitcast %add3A_307 : vector<32xbf16> to vector<16xf32>
      %swap3A_309 = arith.constant 0 : i32
      %swap3A_310 = arith.index_cast %swap3A_309 : i32 to index
      %swap3A_311 = arith.index_cast %scan3A_172 : i32 to index
      %swap3A_312 = arith.constant 48 : index
      %swap3A_313 = tpu.vector_load %arg14[%swap3A_310, %swap3A_311, %swap3A_312] {strides = array<i32>} : memref<2x80x64xf32, #tpu.memory_space<vmem>>, vector<16xf32>,
      tpu.vector_store %arg14[%swap3A_310, %swap3A_311, %swap3A_312], %bitcast3A_308 {strides = array<i32>} : memref<2x80x64xf32, #tpu.memory_space<vmem>>, vector<16xf32>,
      %unpack3A_314 = tpu.unpack_subelements %add3A_307, 0 {pack_format = #tpu.pack_format<interleaved>} : vector<32xbf16> -> vector<16xf32>
      %unpack3A_315 = tpu.unpack_subelements %add3A_307, 1 {pack_format = #tpu.pack_format<interleaved>} : vector<32xbf16> -> vector<16xf32>
      %add3A_316 = arith.addf %scan3A_179, %unpack3A_314 : vector<16xf32>
      %add3A_317 = arith.addf %scan3A_180, %unpack3A_315 : vector<16xf32>
      %mul3A_318 = arith.mulf %unpack3A_314, %unpack3A_314 : vector<16xf32>
      %add3A_319 = arith.addf %scan3A_187, %mul3A_318 : vector<16xf32>
      %mul3A_320 = arith.mulf %unpack3A_315, %unpack3A_315 : vector<16xf32>
      %add3A_321 = arith.addf %scan3A_188, %mul3A_320 : vector<16xf32>
      scf.yield %add3A_214, %add3A_215, %add3A_248, %add3A_249, %add3A_282, %add3A_283, %add3A_316, %add3A_317, %add3A_217, %add3A_219, %add3A_251, %add3A_253, %add3A_285, %add3A_287, %add3A_319, %add3A_321 : vector<16xf32>, vector<16xf32>, vector<16xf32>, vector<16xf32>, vector<16xf32>, vector<16xf32>, vector<16xf32>, vector<16xf32>, vector<16xf32>, vector<16xf32>, vector<16xf32>, vector<16xf32>, vector<16xf32>, vector<16xf32>, vector<16xf32>, vector<16xf32>
    }
    %scan3A_106 = arith.constant 80 : i32
    %swap3A = arith.constant 0 : i32
    %swap3A_107 = arith.index_cast %swap3A : i32 to index
    %swap3A_108 = arith.constant 0 : index
    %swap3A_109 = tpu.vector_load %arg15[%swap3A_107, %swap3A_108] {strides = array<i32>} : memref<2x128xf32, #tpu.memory_space<vmem>>, vector<16xf32>,
    tpu.vector_store %arg15[%swap3A_107, %swap3A_108], %scan3A_105#0 {add = true, strides = array<i32>} : memref<2x128xf32, #tpu.memory_space<vmem>>, vector<16xf32>,
    %swap3A_110 = arith.constant 1 : i32
    %swap3A_111 = arith.index_cast %swap3A_110 : i32 to index
    %swap3A_112 = arith.constant 0 : index
    %swap3A_113 = tpu.vector_load %arg15[%swap3A_111, %swap3A_112] {strides = array<i32>} : memref<2x128xf32, #tpu.memory_space<vmem>>, vector<16xf32>,
    tpu.vector_store %arg15[%swap3A_111, %swap3A_112], %scan3A_105#8 {add = true, strides = array<i32>} : memref<2x128xf32, #tpu.memory_space<vmem>>, vector<16xf32>,
    %swap3A_114 = arith.constant 0 : i32
    %swap3A_115 = arith.index_cast %swap3A_114 : i32 to index
    %swap3A_116 = arith.constant 16 : index
    %swap3A_117 = tpu.vector_load %arg15[%swap3A_115, %swap3A_116] {strides = array<i32>} : memref<2x128xf32, #tpu.memory_space<vmem>>, vector<16xf32>,
    tpu.vector_store %arg15[%swap3A_115, %swap3A_116], %scan3A_105#1 {add = true, strides = array<i32>} : memref<2x128xf32, #tpu.memory_space<vmem>>, vector<16xf32>,
    %swap3A_118 = arith.constant 1 : i32
    %swap3A_119 = arith.index_cast %swap3A_118 : i32 to index
    %swap3A_120 = arith.constant 16 : index
    %swap3A_121 = tpu.vector_load %arg15[%swap3A_119, %swap3A_120] {strides = array<i32>} : memref<2x128xf32, #tpu.memory_space<vmem>>, vector<16xf32>,
    tpu.vector_store %arg15[%swap3A_119, %swap3A_120], %scan3A_105#9 {add = true, strides = array<i32>} : memref<2x128xf32, #tpu.memory_space<vmem>>, vector<16xf32>,
    %swap3A_122 = arith.constant 0 : i32
    %swap3A_123 = arith.index_cast %swap3A_122 : i32 to index
    %swap3A_124 = arith.constant 32 : index
    %swap3A_125 = tpu.vector_load %arg15[%swap3A_123, %swap3A_124] {strides = array<i32>} : memref<2x128xf32, #tpu.memory_space<vmem>>, vector<16xf32>,
    tpu.vector_store %arg15[%swap3A_123, %swap3A_124], %scan3A_105#2 {add = true, strides = array<i32>} : memref<2x128xf32, #tpu.memory_space<vmem>>, vector<16xf32>,
    %swap3A_126 = arith.constant 1 : i32
    %swap3A_127 = arith.index_cast %swap3A_126 : i32 to index
    %swap3A_128 = arith.constant 32 : index
    %swap3A_129 = tpu.vector_load %arg15[%swap3A_127, %swap3A_128] {strides = array<i32>} : memref<2x128xf32, #tpu.memory_space<vmem>>, vector<16xf32>,
    tpu.vector_store %arg15[%swap3A_127, %swap3A_128], %scan3A_105#10 {add = true, strides = array<i32>} : memref<2x128xf32, #tpu.memory_space<vmem>>, vector<16xf32>,
    %swap3A_130 = arith.constant 0 : i32
    %swap3A_131 = arith.index_cast %swap3A_130 : i32 to index
    %swap3A_132 = arith.constant 48 : index
    %swap3A_133 = tpu.vector_load %arg15[%swap3A_131, %swap3A_132] {strides = array<i32>} : memref<2x128xf32, #tpu.memory_space<vmem>>, vector<16xf32>,
    tpu.vector_store %arg15[%swap3A_131, %swap3A_132], %scan3A_105#3 {add = true, strides = array<i32>} : memref<2x128xf32, #tpu.memory_space<vmem>>, vector<16xf32>,
    %swap3A_134 = arith.constant 1 : i32
    %swap3A_135 = arith.index_cast %swap3A_134 : i32 to index
    %swap3A_136 = arith.constant 48 : index
    %swap3A_137 = tpu.vector_load %arg15[%swap3A_135, %swap3A_136] {strides = array<i32>} : memref<2x128xf32, #tpu.memory_space<vmem>>, vector<16xf32>,
    tpu.vector_store %arg15[%swap3A_135, %swap3A_136], %scan3A_105#11 {add = true, strides = array<i32>} : memref<2x128xf32, #tpu.memory_space<vmem>>, vector<16xf32>,
    %swap3A_138 = arith.constant 0 : i32
    %swap3A_139 = arith.index_cast %swap3A_138 : i32 to index
    %swap3A_140 = arith.constant 64 : index
    %swap3A_141 = tpu.vector_load %arg15[%swap3A_139, %swap3A_140] {strides = array<i32>} : memref<2x128xf32, #tpu.memory_space<vmem>>, vector<16xf32>,
    tpu.vector_store %arg15[%swap3A_139, %swap3A_140], %scan3A_105#4 {add = true, strides = array<i32>} : memref<2x128xf32, #tpu.memory_space<vmem>>, vector<16xf32>,
    %swap3A_142 = arith.constant 1 : i32
    %swap3A_143 = arith.index_cast %swap3A_142 : i32 to index
    %swap3A_144 = arith.constant 64 : index
    %swap3A_145 = tpu.vector_load %arg15[%swap3A_143, %swap3A_144] {strides = array<i32>} : memref<2x128xf32, #tpu.memory_space<vmem>>, vector<16xf32>,
    tpu.vector_store %arg15[%swap3A_143, %swap3A_144], %scan3A_105#12 {add = true, strides = array<i32>} : memref<2x128xf32, #tpu.memory_space<vmem>>, vector<16xf32>,
    %swap3A_146 = arith.constant 0 : i32
    %swap3A_147 = arith.index_cast %swap3A_146 : i32 to index
    %swap3A_148 = arith.constant 80 : index
    %swap3A_149 = tpu.vector_load %arg15[%swap3A_147, %swap3A_148] {strides = array<i32>} : memref<2x128xf32, #tpu.memory_space<vmem>>, vector<16xf32>,
    tpu.vector_store %arg15[%swap3A_147, %swap3A_148], %scan3A_105#5 {add = true, strides = array<i32>} : memref<2x128xf32, #tpu.memory_space<vmem>>, vector<16xf32>,
    %swap3A_150 = arith.constant 1 : i32
    %swap3A_151 = arith.index_cast %swap3A_150 : i32 to index
    %swap3A_152 = arith.constant 80 : index
    %swap3A_153 = tpu.vector_load %arg15[%swap3A_151, %swap3A_152] {strides = array<i32>} : memref<2x128xf32, #tpu.memory_space<vmem>>, vector<16xf32>,
    tpu.vector_store %arg15[%swap3A_151, %swap3A_152], %scan3A_105#13 {add = true, strides = array<i32>} : memref<2x128xf32, #tpu.memory_space<vmem>>, vector<16xf32>,
    %swap3A_154 = arith.constant 0 : i32
    %swap3A_155 = arith.index_cast %swap3A_154 : i32 to index
    %swap3A_156 = arith.constant 96 : index
    %swap3A_157 = tpu.vector_load %arg15[%swap3A_155, %swap3A_156] {strides = array<i32>} : memref<2x128xf32, #tpu.memory_space<vmem>>, vector<16xf32>,
    tpu.vector_store %arg15[%swap3A_155, %swap3A_156], %scan3A_105#6 {add = true, strides = array<i32>} : memref<2x128xf32, #tpu.memory_space<vmem>>, vector<16xf32>,
    %swap3A_158 = arith.constant 1 : i32
    %swap3A_159 = arith.index_cast %swap3A_158 : i32 to index
    %swap3A_160 = arith.constant 96 : index
    %swap3A_161 = tpu.vector_load %arg15[%swap3A_159, %swap3A_160] {strides = array<i32>} : memref<2x128xf32, #tpu.memory_space<vmem>>, vector<16xf32>,
    tpu.vector_store %arg15[%swap3A_159, %swap3A_160], %scan3A_105#14 {add = true, strides = array<i32>} : memref<2x128xf32, #tpu.memory_space<vmem>>, vector<16xf32>,
    %swap3A_162 = arith.constant 0 : i32
    %swap3A_163 = arith.index_cast %swap3A_162 : i32 to index
    %swap3A_164 = arith.constant 112 : index
    %swap3A_165 = tpu.vector_load %arg15[%swap3A_163, %swap3A_164] {strides = array<i32>} : memref<2x128xf32, #tpu.memory_space<vmem>>, vector<16xf32>,
    tpu.vector_store %arg15[%swap3A_163, %swap3A_164], %scan3A_105#7 {add = true, strides = array<i32>} : memref<2x128xf32, #tpu.memory_space<vmem>>, vector<16xf32>,
    %swap3A_166 = arith.constant 1 : i32
    %swap3A_167 = arith.index_cast %swap3A_166 : i32 to index
    %swap3A_168 = arith.constant 112 : index
    %swap3A_169 = tpu.vector_load %arg15[%swap3A_167, %swap3A_168] {strides = array<i32>} : memref<2x128xf32, #tpu.memory_space<vmem>>, vector<16xf32>,
    tpu.vector_store %arg15[%swap3A_167, %swap3A_168], %scan3A_105#15 {add = true, strides = array<i32>} : memref<2x128xf32, #tpu.memory_space<vmem>>, vector<16xf32>,
    %add3A_170 = arith.constant 9920 : i32
    %add3A_171 = arith.addi %mul3A_2, %add3A_170 : i32
    %run_scoped3A = arith.constant 0 : i32
    "tpu.region"() ({
      %run_scoped3A_172 = tpu.sem_alloc : memref<!tpu.dma_semaphore, #tpu.memory_space<semaphore_mem>>
      %dma_start3A_173 = arith.constant 0 : i32
      %dma_start3A_174 = arith.constant 0 : i32
      %dma_start3A_175 = tpu.memref_slice %arg14[%run_scoped3A, %dma_start3A_173, %dma_start3A_174] : memref<2x80x64xf32, #tpu.memory_space<vmem>> -> memref<1x80x64xf32, #tpu.memory_space<vmem>>
      %dma_start3A_176 = tpu.memref_squeeze %dma_start3A_175 : memref<1x80x64xf32, #tpu.memory_space<vmem>> -> memref<80x64xf32, #tpu.memory_space<vmem>>
      %dma_start3A_177 = arith.constant 0 : i32
      %dma_start3A_178 = tpu.memref_slice %arg7[%add3A_171, %dma_start3A_177] : memref<320000x64xf32, #tpu.memory_space<hbm>> -> memref<80x64xf32, #tpu.memory_space<hbm>>
      %dma_start3A_179 = arith.constant 0 : i32
      %dma_start3A_180 = tpu.memref_slice %arg7[%add3A_171, %dma_start3A_179] : memref<320000x64xf32, #tpu.memory_space<hbm>> -> memref<80x64xf32, #tpu.memory_space<hbm>>
      %dma_start3A_181 = arith.constant 0 : i32
      %dma_start3A_182 = arith.constant 0 : i32
      %dma_start3A_183 = tpu.memref_slice %arg14[%run_scoped3A, %dma_start3A_181, %dma_start3A_182] : memref<2x80x64xf32, #tpu.memory_space<vmem>> -> memref<1x80x64xf32, #tpu.memory_space<vmem>>
      %dma_start3A_184 = tpu.memref_squeeze %dma_start3A_183 : memref<1x80x64xf32, #tpu.memory_space<vmem>> -> memref<80x64xf32, #tpu.memory_space<vmem>>
      tpu.enqueue_dma source(%dma_start3A_184 : memref<80x64xf32, #tpu.memory_space<vmem>>) target(%dma_start3A_180 : memref<80x64xf32, #tpu.memory_space<hbm>>) target_semaphore(%run_scoped3A_172 : memref<!tpu.dma_semaphore, #tpu.memory_space<semaphore_mem>>)
      %dma_wait3A_185 = arith.constant 0 : i32
      %dma_wait3A_186 = arith.constant 0 : i32
      %dma_wait3A_187 = tpu.memref_slice %arg14[%run_scoped3A, %dma_wait3A_185, %dma_wait3A_186] : memref<2x80x64xf32, #tpu.memory_space<vmem>> -> memref<1x80x64xf32, #tpu.memory_space<vmem>>
      %dma_wait3A_188 = tpu.memref_squeeze %dma_wait3A_187 : memref<1x80x64xf32, #tpu.memory_space<vmem>> -> memref<80x64xf32, #tpu.memory_space<vmem>>
      %dma_wait3A_189 = arith.constant 0 : i32
      %dma_wait3A_190 = tpu.memref_slice %arg7[%add3A_171, %dma_wait3A_189] : memref<320000x64xf32, #tpu.memory_space<hbm>> -> memref<80x64xf32, #tpu.memory_space<hbm>>
      %dma_wait3A_191 = arith.constant 0 : i32
      %dma_wait3A_192 = tpu.memref_slice %arg7[%add3A_171, %dma_wait3A_191] : memref<320000x64xf32, #tpu.memory_space<hbm>> -> memref<80x64xf32, #tpu.memory_space<hbm>>
      %dma_wait3A_193 = arith.constant 0 : i32
      %dma_wait3A_194 = arith.constant 0 : i32
      %dma_wait3A_195 = tpu.memref_slice %arg14[%run_scoped3A, %dma_wait3A_193, %dma_wait3A_194] : memref<2x80x64xf32, #tpu.memory_space<vmem>> -> memref<1x80x64xf32, #tpu.memory_space<vmem>>
      %dma_wait3A_196 = tpu.memref_squeeze %dma_wait3A_195 : memref<1x80x64xf32, #tpu.memory_space<vmem>> -> memref<80x64xf32, #tpu.memory_space<vmem>>
      tpu.wait_dma2 semaphore(%run_scoped3A_172 : memref<!tpu.dma_semaphore, #tpu.memory_space<semaphore_mem>>) src(%dma_wait3A_196 : memref<80x64xf32, #tpu.memory_space<vmem>>) dst(%dma_wait3A_192 : memref<80x64xf32, #tpu.memory_space<hbm>>)
      tpu.yield
    }) : () -> ()
    "tpu.region"() ({
      %run_scoped3A_172 = tpu.sem_alloc : memref<!tpu.dma_semaphore, #tpu.memory_space<semaphore_mem>>
      %dma_start3A_173 = arith.constant 0 : i32
      %dma_start3A_174 = arith.constant 0 : i32
      %dma_start3A_175 = tpu.memref_slice %arg8[%add3A, %dma_start3A_173, %dma_start3A_174] : memref<32x2x128xf32, #tpu.memory_space<hbm>> -> memref<1x2x128xf32, #tpu.memory_space<hbm>>
      %dma_start3A_176 = tpu.memref_squeeze %dma_start3A_175 : memref<1x2x128xf32, #tpu.memory_space<hbm>> -> memref<2x128xf32, #tpu.memory_space<hbm>>
      %dma_start3A_177 = arith.constant 0 : i32
      %dma_start3A_178 = arith.constant 0 : i32
      %dma_start3A_179 = tpu.memref_slice %arg8[%add3A, %dma_start3A_177, %dma_start3A_178] : memref<32x2x128xf32, #tpu.memory_space<hbm>> -> memref<1x2x128xf32, #tpu.memory_space<hbm>>
      %dma_start3A_180 = tpu.memref_squeeze %dma_start3A_179 : memref<1x2x128xf32, #tpu.memory_space<hbm>> -> memref<2x128xf32, #tpu.memory_space<hbm>>
      tpu.enqueue_dma source(%arg15 : memref<2x128xf32, #tpu.memory_space<vmem>>) target(%dma_start3A_180 : memref<2x128xf32, #tpu.memory_space<hbm>>) target_semaphore(%run_scoped3A_172 : memref<!tpu.dma_semaphore, #tpu.memory_space<semaphore_mem>>)
      %dma_wait3A_181 = arith.constant 0 : i32
      %dma_wait3A_182 = arith.constant 0 : i32
      %dma_wait3A_183 = tpu.memref_slice %arg8[%add3A, %dma_wait3A_181, %dma_wait3A_182] : memref<32x2x128xf32, #tpu.memory_space<hbm>> -> memref<1x2x128xf32, #tpu.memory_space<hbm>>
      %dma_wait3A_184 = tpu.memref_squeeze %dma_wait3A_183 : memref<1x2x128xf32, #tpu.memory_space<hbm>> -> memref<2x128xf32, #tpu.memory_space<hbm>>
      %dma_wait3A_185 = arith.constant 0 : i32
      %dma_wait3A_186 = arith.constant 0 : i32
      %dma_wait3A_187 = tpu.memref_slice %arg8[%add3A, %dma_wait3A_185, %dma_wait3A_186] : memref<32x2x128xf32, #tpu.memory_space<hbm>> -> memref<1x2x128xf32, #tpu.memory_space<hbm>>
      %dma_wait3A_188 = tpu.memref_squeeze %dma_wait3A_187 : memref<1x2x128xf32, #tpu.memory_space<hbm>> -> memref<2x128xf32, #tpu.memory_space<hbm>>
      tpu.wait_dma2 semaphore(%run_scoped3A_172 : memref<!tpu.dma_semaphore, #tpu.memory_space<semaphore_mem>>) src(%arg15 : memref<2x128xf32, #tpu.memory_space<vmem>>) dst(%dma_wait3A_188 : memref<2x128xf32, #tpu.memory_space<hbm>>)
      tpu.yield
    }) : () -> ()
    "tpu.region"() ({
      %run_scoped3A_172 = tpu.sem_alloc : memref<!tpu.dma_semaphore, #tpu.memory_space<semaphore_mem>>
      %dma_start3A_173 = arith.constant 0 : i32
      %dma_start3A_174 = tpu.memref_slice %arg9[%add3A, %dma_start3A_173] : memref<32x10000xf32, #tpu.memory_space<hbm>> -> memref<1x10000xf32, #tpu.memory_space<hbm>>
      %dma_start3A_175 = tpu.memref_squeeze %dma_start3A_174 : memref<1x10000xf32, #tpu.memory_space<hbm>> -> memref<10000xf32, #tpu.memory_space<hbm>>
      %dma_start3A_176 = arith.constant 0 : i32
      %dma_start3A_177 = tpu.memref_slice %arg9[%add3A, %dma_start3A_176] : memref<32x10000xf32, #tpu.memory_space<hbm>> -> memref<1x10000xf32, #tpu.memory_space<hbm>>
      %dma_start3A_178 = tpu.memref_squeeze %dma_start3A_177 : memref<1x10000xf32, #tpu.memory_space<hbm>> -> memref<10000xf32, #tpu.memory_space<hbm>>
      tpu.enqueue_dma source(%arg16 : memref<10000xf32, #tpu.memory_space<vmem>>) target(%dma_start3A_178 : memref<10000xf32, #tpu.memory_space<hbm>>) target_semaphore(%run_scoped3A_172 : memref<!tpu.dma_semaphore, #tpu.memory_space<semaphore_mem>>)
      %dma_wait3A_179 = arith.constant 0 : i32
      %dma_wait3A_180 = tpu.memref_slice %arg9[%add3A, %dma_wait3A_179] : memref<32x10000xf32, #tpu.memory_space<hbm>> -> memref<1x10000xf32, #tpu.memory_space<hbm>>
      %dma_wait3A_181 = tpu.memref_squeeze %dma_wait3A_180 : memref<1x10000xf32, #tpu.memory_space<hbm>> -> memref<10000xf32, #tpu.memory_space<hbm>>
      %dma_wait3A_182 = arith.constant 0 : i32
      %dma_wait3A_183 = tpu.memref_slice %arg9[%add3A, %dma_wait3A_182] : memref<32x10000xf32, #tpu.memory_space<hbm>> -> memref<1x10000xf32, #tpu.memory_space<hbm>>
      %dma_wait3A_184 = tpu.memref_squeeze %dma_wait3A_183 : memref<1x10000xf32, #tpu.memory_space<hbm>> -> memref<10000xf32, #tpu.memory_space<hbm>>
      tpu.wait_dma2 semaphore(%run_scoped3A_172 : memref<!tpu.dma_semaphore, #tpu.memory_space<semaphore_mem>>) src(%arg16 : memref<10000xf32, #tpu.memory_space<vmem>>) dst(%dma_wait3A_184 : memref<10000xf32, #tpu.memory_space<hbm>>)
      tpu.yield
    }) : () -> ()
    return
  }
}

#map = affine_map<(d0, d1) -> (0, 0)>
#map1 = affine_map<(d0, d1) -> (0, 0, 0)>
module attributes {stable_mosaic.version = 14 : i64} {
  func.func @_sc_pass2(%arg0: i32, %arg1: i32, %arg2: memref<320000x64xf32, #tpu.memory_space<hbm>>, %arg3: memref<32x125x80xi32, #tpu.memory_space<hbm>>, %arg4: memref<2x128xf32, #tpu.memory_space<hbm>>, %arg5: memref<1000x128xf32, #tpu.memory_space<hbm>>, %arg6: memref<2x10000x128xf32, #tpu.memory_space<hbm>>, %arg7: memref<125x80xi32, #tpu.memory_space<vmem>>, %arg8: memref<2x80x64xf32, #tpu.memory_space<vmem>>, %arg9: memref<80x128xf32, #tpu.memory_space<vmem>>, %arg10: memref<2x128xf32, #tpu.memory_space<vmem>>, %arg11: memref<10000x128xf32, #tpu.memory_space<vmem_shared>>, %arg12: memref<!tpu.dma_semaphore, #tpu.memory_space<semaphore_mem>>, %arg13: memref<!tpu.dma_semaphore, #tpu.memory_space<semaphore_mem>>) attributes {dimension_semantics = [#tpu.dimension_semantics<core_parallel>, #tpu.dimension_semantics<subcore_parallel>], iteration_bounds = array<i64: 2, 16>, scalar_prefetch = 0 : i64, scratch_operands = 7 : i64, tpu.core_type = #tpu.core_type<sc_vector_subcore>, window_params = [{transform_indices = #map}, {transform_indices = #map1}, {transform_indices = #map}, {transform_indices = #map}, {transform_indices = #map1}]} {
    %mul3A = arith.constant 2 : i32
    %mul3A_0 = arith.muli %arg1, %mul3A : i32
    %add3A = arith.addi %mul3A_0, %arg0 : i32
    %mul3A_1 = arith.constant 10000 : i32
    %mul3A_2 = arith.muli %add3A, %mul3A_1 : i32
    "tpu.region"() ({
      %run_scoped3A_118 = tpu.sem_alloc : memref<!tpu.dma_semaphore, #tpu.memory_space<semaphore_mem>>
      tpu.enqueue_dma source(%arg4 : memref<2x128xf32, #tpu.memory_space<hbm>>) target(%arg10 : memref<2x128xf32, #tpu.memory_space<vmem>>) target_semaphore(%run_scoped3A_118 : memref<!tpu.dma_semaphore, #tpu.memory_space<semaphore_mem>>)
      tpu.wait_dma2 semaphore(%run_scoped3A_118 : memref<!tpu.dma_semaphore, #tpu.memory_space<semaphore_mem>>) src(%arg4 : memref<2x128xf32, #tpu.memory_space<hbm>>) dst(%arg10 : memref<2x128xf32, #tpu.memory_space<vmem>>)
      tpu.yield
    }) : () -> ()
    "tpu.region"() ({
      %run_scoped3A_118 = tpu.sem_alloc : memref<!tpu.dma_semaphore, #tpu.memory_space<semaphore_mem>>
      %dma_start3A_119 = arith.constant 0 : i32
      %dma_start3A_120 = arith.constant 0 : i32
      %dma_start3A_121 = tpu.memref_slice %arg3[%add3A, %dma_start3A_119, %dma_start3A_120] : memref<32x125x80xi32, #tpu.memory_space<hbm>> -> memref<1x125x80xi32, #tpu.memory_space<hbm>>
      %dma_start3A_122 = tpu.memref_squeeze %dma_start3A_121 : memref<1x125x80xi32, #tpu.memory_space<hbm>> -> memref<125x80xi32, #tpu.memory_space<hbm>>
      %dma_start3A_123 = arith.constant 0 : i32
      %dma_start3A_124 = arith.constant 0 : i32
      %dma_start3A_125 = tpu.memref_slice %arg3[%add3A, %dma_start3A_123, %dma_start3A_124] : memref<32x125x80xi32, #tpu.memory_space<hbm>> -> memref<1x125x80xi32, #tpu.memory_space<hbm>>
      %dma_start3A_126 = tpu.memref_squeeze %dma_start3A_125 : memref<1x125x80xi32, #tpu.memory_space<hbm>> -> memref<125x80xi32, #tpu.memory_space<hbm>>
      tpu.enqueue_dma source(%dma_start3A_126 : memref<125x80xi32, #tpu.memory_space<hbm>>) target(%arg7 : memref<125x80xi32, #tpu.memory_space<vmem>>) target_semaphore(%run_scoped3A_118 : memref<!tpu.dma_semaphore, #tpu.memory_space<semaphore_mem>>)
      %dma_wait3A_127 = arith.constant 0 : i32
      %dma_wait3A_128 = arith.constant 0 : i32
      %dma_wait3A_129 = tpu.memref_slice %arg3[%add3A, %dma_wait3A_127, %dma_wait3A_128] : memref<32x125x80xi32, #tpu.memory_space<hbm>> -> memref<1x125x80xi32, #tpu.memory_space<hbm>>
      %dma_wait3A_130 = tpu.memref_squeeze %dma_wait3A_129 : memref<1x125x80xi32, #tpu.memory_space<hbm>> -> memref<125x80xi32, #tpu.memory_space<hbm>>
      %dma_wait3A_131 = arith.constant 0 : i32
      %dma_wait3A_132 = arith.constant 0 : i32
      %dma_wait3A_133 = tpu.memref_slice %arg3[%add3A, %dma_wait3A_131, %dma_wait3A_132] : memref<32x125x80xi32, #tpu.memory_space<hbm>> -> memref<1x125x80xi32, #tpu.memory_space<hbm>>
      %dma_wait3A_134 = tpu.memref_squeeze %dma_wait3A_133 : memref<1x125x80xi32, #tpu.memory_space<hbm>> -> memref<125x80xi32, #tpu.memory_space<hbm>>
      tpu.wait_dma2 semaphore(%run_scoped3A_118 : memref<!tpu.dma_semaphore, #tpu.memory_space<semaphore_mem>>) src(%dma_wait3A_134 : memref<125x80xi32, #tpu.memory_space<hbm>>) dst(%arg7 : memref<125x80xi32, #tpu.memory_space<vmem>>)
      tpu.yield
    }) : () -> ()
    %lt3A = arith.constant 10 : i32
    %lt3A_3 = arith.cmpi slt, %arg1, %lt3A : i32
    %convert_element_type3A = arith.extui %lt3A_3 : i1 to i32
    %cond3A = arith.constant 0 : i32
    %cond3A_4 = arith.cmpi ne, %convert_element_type3A, %cond3A : i32
    scf.if %cond3A_4 {
      %mul3A_118 = arith.constant 1000 : i32
      %mul3A_119 = arith.muli %arg1, %mul3A_118 : i32
      "tpu.region"() ({
        %run_scoped3A_120 = tpu.sem_alloc : memref<!tpu.dma_semaphore, #tpu.memory_space<semaphore_mem>>
        %dma_start3A_121 = arith.constant 0 : i32
        %dma_start3A_122 = tpu.memref_slice %arg11[%mul3A_119, %dma_start3A_121] : memref<10000x128xf32, #tpu.memory_space<vmem_shared>> -> memref<1000x128xf32, #tpu.memory_space<vmem_shared>>
        tpu.enqueue_dma source(%arg5 : memref<1000x128xf32, #tpu.memory_space<hbm>>) target(%dma_start3A_122 : memref<1000x128xf32, #tpu.memory_space<vmem_shared>>) target_semaphore(%run_scoped3A_120 : memref<!tpu.dma_semaphore, #tpu.memory_space<semaphore_mem>>)
        %dma_wait3A_123 = arith.constant 0 : i32
        %dma_wait3A_124 = tpu.memref_slice %arg11[%mul3A_119, %dma_wait3A_123] : memref<10000x128xf32, #tpu.memory_space<vmem_shared>> -> memref<1000x128xf32, #tpu.memory_space<vmem_shared>>
        tpu.wait_dma2 semaphore(%run_scoped3A_120 : memref<!tpu.dma_semaphore, #tpu.memory_space<semaphore_mem>>) src(%arg5 : memref<1000x128xf32, #tpu.memory_space<hbm>>) dst(%dma_wait3A_124 : memref<1000x128xf32, #tpu.memory_space<vmem_shared>>)
        tpu.yield
      }) : () -> ()
    } else {
    }
    %get3A = arith.constant 0 : i32
    %get3A_5 = arith.index_cast %get3A : i32 to index
    %get3A_6 = arith.constant 0 : index
    %get3A_7 = tpu.vector_load %arg10[%get3A_5, %get3A_6] {strides = array<i32>} : memref<2x128xf32, #tpu.memory_space<vmem>>, vector<16xf32>,
    %get3A_8 = arith.constant 0 : i32
    %get3A_9 = arith.index_cast %get3A_8 : i32 to index
    %get3A_10 = arith.constant 16 : index
    %get3A_11 = tpu.vector_load %arg10[%get3A_9, %get3A_10] {strides = array<i32>} : memref<2x128xf32, #tpu.memory_space<vmem>>, vector<16xf32>,
    %pack3A = tpu.pack_subelements %get3A_7, %get3A_11 {pack_format = #tpu.pack_format<interleaved>, positions = array<i32: 0, 1>} : vector<16xf32>, vector<16xf32> -> vector<32xbf16>
    %get3A_12 = arith.constant 0 : i32
    %get3A_13 = arith.index_cast %get3A_12 : i32 to index
    %get3A_14 = arith.constant 32 : index
    %get3A_15 = tpu.vector_load %arg10[%get3A_13, %get3A_14] {strides = array<i32>} : memref<2x128xf32, #tpu.memory_space<vmem>>, vector<16xf32>,
    %get3A_16 = arith.constant 0 : i32
    %get3A_17 = arith.index_cast %get3A_16 : i32 to index
    %get3A_18 = arith.constant 48 : index
    %get3A_19 = tpu.vector_load %arg10[%get3A_17, %get3A_18] {strides = array<i32>} : memref<2x128xf32, #tpu.memory_space<vmem>>, vector<16xf32>,
    %pack3A_20 = tpu.pack_subelements %get3A_15, %get3A_19 {pack_format = #tpu.pack_format<interleaved>, positions = array<i32: 0, 1>} : vector<16xf32>, vector<16xf32> -> vector<32xbf16>
    %get3A_21 = arith.constant 0 : i32
    %get3A_22 = arith.index_cast %get3A_21 : i32 to index
    %get3A_23 = arith.constant 64 : index
    %get3A_24 = tpu.vector_load %arg10[%get3A_22, %get3A_23] {strides = array<i32>} : memref<2x128xf32, #tpu.memory_space<vmem>>, vector<16xf32>,
    %get3A_25 = arith.constant 0 : i32
    %get3A_26 = arith.index_cast %get3A_25 : i32 to index
    %get3A_27 = arith.constant 80 : index
    %get3A_28 = tpu.vector_load %arg10[%get3A_26, %get3A_27] {strides = array<i32>} : memref<2x128xf32, #tpu.memory_space<vmem>>, vector<16xf32>,
    %pack3A_29 = tpu.pack_subelements %get3A_24, %get3A_28 {pack_format = #tpu.pack_format<interleaved>, positions = array<i32: 0, 1>} : vector<16xf32>, vector<16xf32> -> vector<32xbf16>
    %get3A_30 = arith.constant 0 : i32
    %get3A_31 = arith.index_cast %get3A_30 : i32 to index
    %get3A_32 = arith.constant 96 : index
    %get3A_33 = tpu.vector_load %arg10[%get3A_31, %get3A_32] {strides = array<i32>} : memref<2x128xf32, #tpu.memory_space<vmem>>, vector<16xf32>,
    %get3A_34 = arith.constant 0 : i32
    %get3A_35 = arith.index_cast %get3A_34 : i32 to index
    %get3A_36 = arith.constant 112 : index
    %get3A_37 = tpu.vector_load %arg10[%get3A_35, %get3A_36] {strides = array<i32>} : memref<2x128xf32, #tpu.memory_space<vmem>>, vector<16xf32>,
    %pack3A_38 = tpu.pack_subelements %get3A_33, %get3A_37 {pack_format = #tpu.pack_format<interleaved>, positions = array<i32: 0, 1>} : vector<16xf32>, vector<16xf32> -> vector<32xbf16>
    %get3A_39 = arith.constant 1 : i32
    %get3A_40 = arith.index_cast %get3A_39 : i32 to index
    %get3A_41 = arith.constant 0 : index
    %get3A_42 = tpu.vector_load %arg10[%get3A_40, %get3A_41] {strides = array<i32>} : memref<2x128xf32, #tpu.memory_space<vmem>>, vector<16xf32>,
    %get3A_43 = arith.constant 1 : i32
    %get3A_44 = arith.index_cast %get3A_43 : i32 to index
    %get3A_45 = arith.constant 16 : index
    %get3A_46 = tpu.vector_load %arg10[%get3A_44, %get3A_45] {strides = array<i32>} : memref<2x128xf32, #tpu.memory_space<vmem>>, vector<16xf32>,
    %pack3A_47 = tpu.pack_subelements %get3A_42, %get3A_46 {pack_format = #tpu.pack_format<interleaved>, positions = array<i32: 0, 1>} : vector<16xf32>, vector<16xf32> -> vector<32xbf16>
    %get3A_48 = arith.constant 1 : i32
    %get3A_49 = arith.index_cast %get3A_48 : i32 to index
    %get3A_50 = arith.constant 32 : index
    %get3A_51 = tpu.vector_load %arg10[%get3A_49, %get3A_50] {strides = array<i32>} : memref<2x128xf32, #tpu.memory_space<vmem>>, vector<16xf32>,
    %get3A_52 = arith.constant 1 : i32
    %get3A_53 = arith.index_cast %get3A_52 : i32 to index
    %get3A_54 = arith.constant 48 : index
    %get3A_55 = tpu.vector_load %arg10[%get3A_53, %get3A_54] {strides = array<i32>} : memref<2x128xf32, #tpu.memory_space<vmem>>, vector<16xf32>,
    %pack3A_56 = tpu.pack_subelements %get3A_51, %get3A_55 {pack_format = #tpu.pack_format<interleaved>, positions = array<i32: 0, 1>} : vector<16xf32>, vector<16xf32> -> vector<32xbf16>
    %get3A_57 = arith.constant 1 : i32
    %get3A_58 = arith.index_cast %get3A_57 : i32 to index
    %get3A_59 = arith.constant 64 : index
    %get3A_60 = tpu.vector_load %arg10[%get3A_58, %get3A_59] {strides = array<i32>} : memref<2x128xf32, #tpu.memory_space<vmem>>, vector<16xf32>,
    %get3A_61 = arith.constant 1 : i32
    %get3A_62 = arith.index_cast %get3A_61 : i32 to index
    %get3A_63 = arith.constant 80 : index
    %get3A_64 = tpu.vector_load %arg10[%get3A_62, %get3A_63] {strides = array<i32>} : memref<2x128xf32, #tpu.memory_space<vmem>>, vector<16xf32>,
    %pack3A_65 = tpu.pack_subelements %get3A_60, %get3A_64 {pack_format = #tpu.pack_format<interleaved>, positions = array<i32: 0, 1>} : vector<16xf32>, vector<16xf32> -> vector<32xbf16>
    %get3A_66 = arith.constant 1 : i32
    %get3A_67 = arith.index_cast %get3A_66 : i32 to index
    %get3A_68 = arith.constant 96 : index
    %get3A_69 = tpu.vector_load %arg10[%get3A_67, %get3A_68] {strides = array<i32>} : memref<2x128xf32, #tpu.memory_space<vmem>>, vector<16xf32>,
    %get3A_70 = arith.constant 1 : i32
    %get3A_71 = arith.index_cast %get3A_70 : i32 to index
    %get3A_72 = arith.constant 112 : index
    %get3A_73 = tpu.vector_load %arg10[%get3A_71, %get3A_72] {strides = array<i32>} : memref<2x128xf32, #tpu.memory_space<vmem>>, vector<16xf32>,
    %pack3A_74 = tpu.pack_subelements %get3A_69, %get3A_73 {pack_format = #tpu.pack_format<interleaved>, positions = array<i32: 0, 1>} : vector<16xf32>, vector<16xf32> -> vector<32xbf16>
    %add3A_75 = arith.constant 0 : i32
    %add3A_76 = arith.addi %mul3A_2, %add3A_75 : i32
    %dma_start3A = arith.constant 0 : i32
    %dma_start3A_77 = arith.constant 0 : i32
    %dma_start3A_78 = arith.constant 0 : i32
    %dma_start3A_79 = tpu.memref_slice %arg8[%dma_start3A, %dma_start3A_77, %dma_start3A_78] : memref<2x80x64xf32, #tpu.memory_space<vmem>> -> memref<1x80x64xf32, #tpu.memory_space<vmem>>
    %dma_start3A_80 = tpu.memref_squeeze %dma_start3A_79 : memref<1x80x64xf32, #tpu.memory_space<vmem>> -> memref<80x64xf32, #tpu.memory_space<vmem>>
    %dma_start3A_81 = arith.constant 0 : i32
    %dma_start3A_82 = tpu.memref_slice %arg2[%add3A_76, %dma_start3A_81] : memref<320000x64xf32, #tpu.memory_space<hbm>> -> memref<80x64xf32, #tpu.memory_space<hbm>>
    %dma_start3A_83 = arith.constant 0 : i32
    %dma_start3A_84 = arith.constant 0 : i32
    %dma_start3A_85 = tpu.memref_slice %arg8[%dma_start3A, %dma_start3A_83, %dma_start3A_84] : memref<2x80x64xf32, #tpu.memory_space<vmem>> -> memref<1x80x64xf32, #tpu.memory_space<vmem>>
    %dma_start3A_86 = tpu.memref_squeeze %dma_start3A_85 : memref<1x80x64xf32, #tpu.memory_space<vmem>> -> memref<80x64xf32, #tpu.memory_space<vmem>>
    %dma_start3A_87 = arith.constant 0 : i32
    %dma_start3A_88 = tpu.memref_slice %arg2[%add3A_76, %dma_start3A_87] : memref<320000x64xf32, #tpu.memory_space<hbm>> -> memref<80x64xf32, #tpu.memory_space<hbm>>
    tpu.enqueue_dma source(%dma_start3A_88 : memref<80x64xf32, #tpu.memory_space<hbm>>) target(%dma_start3A_86 : memref<80x64xf32, #tpu.memory_space<vmem>>) target_semaphore(%arg12 : memref<!tpu.dma_semaphore, #tpu.memory_space<semaphore_mem>>)
    %barrier3A = arith.constant 0 : index
    tpu.barrier barrier_id(%barrier3A)
    %scan3A = arith.constant 0 : i32
    %scan3A_89 = arith.constant 62 : i32
    %scan3A_90 = arith.addi %scan3A, %scan3A_89 : i32
    %scan3A_91 = arith.constant 1 : i32
    scf.for %scan3A_118 = %scan3A to %scan3A_90 step %scan3A_91  : i32 {
      %mul3A_119 = arith.constant 1 : i32
      %mul3A_120 = arith.muli %scan3A_118, %mul3A_119 : i32
      %add3A_121 = arith.constant 0 : i32
      %add3A_122 = arith.addi %add3A_121, %mul3A_120 : i32
      %mul3A_123 = arith.constant 2 : i32
      %mul3A_124 = arith.muli %mul3A_123, %add3A_122 : i32
      %add3A_125 = arith.constant 0 : i32
      %add3A_126 = arith.addi %mul3A_124, %add3A_125 : i32
      %mul3A_127 = arith.constant 80 : i32
      %mul3A_128 = arith.muli %add3A_126, %mul3A_127 : i32
      %add3A_129 = arith.addi %mul3A_2, %mul3A_128 : i32
      %dma_wait3A_130 = arith.constant 0 : i32
      %dma_wait3A_131 = arith.constant 0 : i32
      %dma_wait3A_132 = arith.constant 0 : i32
      %dma_wait3A_133 = tpu.memref_slice %arg8[%dma_wait3A_130, %dma_wait3A_131, %dma_wait3A_132] : memref<2x80x64xf32, #tpu.memory_space<vmem>> -> memref<1x80x64xf32, #tpu.memory_space<vmem>>
      %dma_wait3A_134 = tpu.memref_squeeze %dma_wait3A_133 : memref<1x80x64xf32, #tpu.memory_space<vmem>> -> memref<80x64xf32, #tpu.memory_space<vmem>>
      %dma_wait3A_135 = arith.constant 0 : i32
      %dma_wait3A_136 = tpu.memref_slice %arg2[%add3A_129, %dma_wait3A_135] : memref<320000x64xf32, #tpu.memory_space<hbm>> -> memref<80x64xf32, #tpu.memory_space<hbm>>
      %dma_wait3A_137 = arith.constant 0 : i32
      %dma_wait3A_138 = arith.constant 0 : i32
      %dma_wait3A_139 = tpu.memref_slice %arg8[%dma_wait3A_130, %dma_wait3A_137, %dma_wait3A_138] : memref<2x80x64xf32, #tpu.memory_space<vmem>> -> memref<1x80x64xf32, #tpu.memory_space<vmem>>
      %dma_wait3A_140 = tpu.memref_squeeze %dma_wait3A_139 : memref<1x80x64xf32, #tpu.memory_space<vmem>> -> memref<80x64xf32, #tpu.memory_space<vmem>>
      %dma_wait3A_141 = arith.constant 0 : i32
      %dma_wait3A_142 = tpu.memref_slice %arg2[%add3A_129, %dma_wait3A_141] : memref<320000x64xf32, #tpu.memory_space<hbm>> -> memref<80x64xf32, #tpu.memory_space<hbm>>
      tpu.wait_dma2 semaphore(%arg12 : memref<!tpu.dma_semaphore, #tpu.memory_space<semaphore_mem>>) src(%dma_wait3A_142 : memref<80x64xf32, #tpu.memory_space<hbm>>) dst(%dma_wait3A_140 : memref<80x64xf32, #tpu.memory_space<vmem>>)
      %add3A_143 = arith.constant 1 : i32
      %add3A_144 = arith.addi %add3A_126, %add3A_143 : i32
      %mul3A_145 = arith.constant 80 : i32
      %mul3A_146 = arith.muli %add3A_144, %mul3A_145 : i32
      %add3A_147 = arith.addi %mul3A_2, %mul3A_146 : i32
      %dma_start3A_148 = arith.constant 1 : i32
      %dma_start3A_149 = arith.constant 0 : i32
      %dma_start3A_150 = arith.constant 0 : i32
      %dma_start3A_151 = tpu.memref_slice %arg8[%dma_start3A_148, %dma_start3A_149, %dma_start3A_150] : memref<2x80x64xf32, #tpu.memory_space<vmem>> -> memref<1x80x64xf32, #tpu.memory_space<vmem>>
      %dma_start3A_152 = tpu.memref_squeeze %dma_start3A_151 : memref<1x80x64xf32, #tpu.memory_space<vmem>> -> memref<80x64xf32, #tpu.memory_space<vmem>>
      %dma_start3A_153 = arith.constant 0 : i32
      %dma_start3A_154 = tpu.memref_slice %arg2[%add3A_147, %dma_start3A_153] : memref<320000x64xf32, #tpu.memory_space<hbm>> -> memref<80x64xf32, #tpu.memory_space<hbm>>
      %dma_start3A_155 = arith.constant 0 : i32
      %dma_start3A_156 = arith.constant 0 : i32
      %dma_start3A_157 = tpu.memref_slice %arg8[%dma_start3A_148, %dma_start3A_155, %dma_start3A_156] : memref<2x80x64xf32, #tpu.memory_space<vmem>> -> memref<1x80x64xf32, #tpu.memory_space<vmem>>
      %dma_start3A_158 = tpu.memref_squeeze %dma_start3A_157 : memref<1x80x64xf32, #tpu.memory_space<vmem>> -> memref<80x64xf32, #tpu.memory_space<vmem>>
      %dma_start3A_159 = arith.constant 0 : i32
      %dma_start3A_160 = tpu.memref_slice %arg2[%add3A_147, %dma_start3A_159] : memref<320000x64xf32, #tpu.memory_space<hbm>> -> memref<80x64xf32, #tpu.memory_space<hbm>>
      tpu.enqueue_dma source(%dma_start3A_160 : memref<80x64xf32, #tpu.memory_space<hbm>>) target(%dma_start3A_158 : memref<80x64xf32, #tpu.memory_space<vmem>>) target_semaphore(%arg13 : memref<!tpu.dma_semaphore, #tpu.memory_space<semaphore_mem>>)
      %scan3A_161 = arith.constant 0 : i32
      %scan3A_162 = arith.constant 80 : i32
      %scan3A_163 = arith.addi %scan3A_161, %scan3A_162 : i32
      %scan3A_164 = arith.constant 1 : i32
      scf.for %scan3A_209 = %scan3A_161 to %scan3A_163 step %scan3A_164  : i32 {
        %mul3A_210 = arith.constant 1 : i32
        %mul3A_211 = arith.muli %scan3A_209, %mul3A_210 : i32
        %add3A_212 = arith.constant 0 : i32
        %add3A_213 = arith.addi %add3A_212, %mul3A_211 : i32
        %get3A_214 = arith.constant 0 : i32
        %get3A_215 = arith.index_cast %get3A_214 : i32 to index
        %get3A_216 = arith.index_cast %add3A_213 : i32 to index
        %get3A_217 = arith.constant 0 : index
        %get3A_218 = tpu.vector_load %arg8[%get3A_215, %get3A_216, %get3A_217] {strides = array<i32>} : memref<2x80x64xf32, #tpu.memory_space<vmem>>, vector<16xf32>,
        %bitcast3A = vector.bitcast %get3A_218 : vector<16xf32> to vector<32xbf16>
        %mul3A_219 = arith.mulf %bitcast3A, %pack3A : vector<32xbf16>
        %add3A_220 = arith.addf %mul3A_219, %pack3A_47 : vector<32xbf16>
        %max3A = arith.constant 0.000000e+00 : bf16
        %max3A_221 = vector.broadcast %max3A : bf16 to vector<32xbf16>
        %max3A_222 = arith.maximumf %add3A_220, %max3A_221 : vector<32xbf16>
        %unpack3A = tpu.unpack_subelements %max3A_222, 0 {pack_format = #tpu.pack_format<interleaved>} : vector<32xbf16> -> vector<16xf32>
        %unpack3A_223 = tpu.unpack_subelements %max3A_222, 1 {pack_format = #tpu.pack_format<interleaved>} : vector<32xbf16> -> vector<16xf32>
        %swap3A = arith.index_cast %add3A_213 : i32 to index
        %swap3A_224 = arith.constant 0 : index
        %swap3A_225 = tpu.vector_load %arg9[%swap3A, %swap3A_224] {strides = array<i32>} : memref<80x128xf32, #tpu.memory_space<vmem>>, vector<16xf32>,
        tpu.vector_store %arg9[%swap3A, %swap3A_224], %unpack3A {strides = array<i32>} : memref<80x128xf32, #tpu.memory_space<vmem>>, vector<16xf32>,
        %swap3A_226 = arith.index_cast %add3A_213 : i32 to index
        %swap3A_227 = arith.constant 16 : index
        %swap3A_228 = tpu.vector_load %arg9[%swap3A_226, %swap3A_227] {strides = array<i32>} : memref<80x128xf32, #tpu.memory_space<vmem>>, vector<16xf32>,
        tpu.vector_store %arg9[%swap3A_226, %swap3A_227], %unpack3A_223 {strides = array<i32>} : memref<80x128xf32, #tpu.memory_space<vmem>>, vector<16xf32>,
        %get3A_229 = arith.constant 0 : i32
        %get3A_230 = arith.index_cast %get3A_229 : i32 to index
        %get3A_231 = arith.index_cast %add3A_213 : i32 to index
        %get3A_232 = arith.constant 16 : index
        %get3A_233 = tpu.vector_load %arg8[%get3A_230, %get3A_231, %get3A_232] {strides = array<i32>} : memref<2x80x64xf32, #tpu.memory_space<vmem>>, vector<16xf32>,
        %bitcast3A_234 = vector.bitcast %get3A_233 : vector<16xf32> to vector<32xbf16>
        %mul3A_235 = arith.mulf %bitcast3A_234, %pack3A_20 : vector<32xbf16>
        %add3A_236 = arith.addf %mul3A_235, %pack3A_56 : vector<32xbf16>
        %max3A_237 = arith.constant 0.000000e+00 : bf16
        %max3A_238 = vector.broadcast %max3A_237 : bf16 to vector<32xbf16>
        %max3A_239 = arith.maximumf %add3A_236, %max3A_238 : vector<32xbf16>
        %unpack3A_240 = tpu.unpack_subelements %max3A_239, 0 {pack_format = #tpu.pack_format<interleaved>} : vector<32xbf16> -> vector<16xf32>
        %unpack3A_241 = tpu.unpack_subelements %max3A_239, 1 {pack_format = #tpu.pack_format<interleaved>} : vector<32xbf16> -> vector<16xf32>
        %swap3A_242 = arith.index_cast %add3A_213 : i32 to index
        %swap3A_243 = arith.constant 32 : index
        %swap3A_244 = tpu.vector_load %arg9[%swap3A_242, %swap3A_243] {strides = array<i32>} : memref<80x128xf32, #tpu.memory_space<vmem>>, vector<16xf32>,
        tpu.vector_store %arg9[%swap3A_242, %swap3A_243], %unpack3A_240 {strides = array<i32>} : memref<80x128xf32, #tpu.memory_space<vmem>>, vector<16xf32>,
        %swap3A_245 = arith.index_cast %add3A_213 : i32 to index
        %swap3A_246 = arith.constant 48 : index
        %swap3A_247 = tpu.vector_load %arg9[%swap3A_245, %swap3A_246] {strides = array<i32>} : memref<80x128xf32, #tpu.memory_space<vmem>>, vector<16xf32>,
        tpu.vector_store %arg9[%swap3A_245, %swap3A_246], %unpack3A_241 {strides = array<i32>} : memref<80x128xf32, #tpu.memory_space<vmem>>, vector<16xf32>,
        %get3A_248 = arith.constant 0 : i32
        %get3A_249 = arith.index_cast %get3A_248 : i32 to index
        %get3A_250 = arith.index_cast %add3A_213 : i32 to index
        %get3A_251 = arith.constant 32 : index
        %get3A_252 = tpu.vector_load %arg8[%get3A_249, %get3A_250, %get3A_251] {strides = array<i32>} : memref<2x80x64xf32, #tpu.memory_space<vmem>>, vector<16xf32>,
        %bitcast3A_253 = vector.bitcast %get3A_252 : vector<16xf32> to vector<32xbf16>
        %mul3A_254 = arith.mulf %bitcast3A_253, %pack3A_29 : vector<32xbf16>
        %add3A_255 = arith.addf %mul3A_254, %pack3A_65 : vector<32xbf16>
        %max3A_256 = arith.constant 0.000000e+00 : bf16
        %max3A_257 = vector.broadcast %max3A_256 : bf16 to vector<32xbf16>
        %max3A_258 = arith.maximumf %add3A_255, %max3A_257 : vector<32xbf16>
        %unpack3A_259 = tpu.unpack_subelements %max3A_258, 0 {pack_format = #tpu.pack_format<interleaved>} : vector<32xbf16> -> vector<16xf32>
        %unpack3A_260 = tpu.unpack_subelements %max3A_258, 1 {pack_format = #tpu.pack_format<interleaved>} : vector<32xbf16> -> vector<16xf32>
        %swap3A_261 = arith.index_cast %add3A_213 : i32 to index
        %swap3A_262 = arith.constant 64 : index
        %swap3A_263 = tpu.vector_load %arg9[%swap3A_261, %swap3A_262] {strides = array<i32>} : memref<80x128xf32, #tpu.memory_space<vmem>>, vector<16xf32>,
        tpu.vector_store %arg9[%swap3A_261, %swap3A_262], %unpack3A_259 {strides = array<i32>} : memref<80x128xf32, #tpu.memory_space<vmem>>, vector<16xf32>,
        %swap3A_264 = arith.index_cast %add3A_213 : i32 to index
        %swap3A_265 = arith.constant 80 : index
        %swap3A_266 = tpu.vector_load %arg9[%swap3A_264, %swap3A_265] {strides = array<i32>} : memref<80x128xf32, #tpu.memory_space<vmem>>, vector<16xf32>,
        tpu.vector_store %arg9[%swap3A_264, %swap3A_265], %unpack3A_260 {strides = array<i32>} : memref<80x128xf32, #tpu.memory_space<vmem>>, vector<16xf32>,
        %get3A_267 = arith.constant 0 : i32
        %get3A_268 = arith.index_cast %get3A_267 : i32 to index
        %get3A_269 = arith.index_cast %add3A_213 : i32 to index
        %get3A_270 = arith.constant 48 : index
        %get3A_271 = tpu.vector_load %arg8[%get3A_268, %get3A_269, %get3A_270] {strides = array<i32>} : memref<2x80x64xf32, #tpu.memory_space<vmem>>, vector<16xf32>,
        %bitcast3A_272 = vector.bitcast %get3A_271 : vector<16xf32> to vector<32xbf16>
        %mul3A_273 = arith.mulf %bitcast3A_272, %pack3A_38 : vector<32xbf16>
        %add3A_274 = arith.addf %mul3A_273, %pack3A_74 : vector<32xbf16>
        %max3A_275 = arith.constant 0.000000e+00 : bf16
        %max3A_276 = vector.broadcast %max3A_275 : bf16 to vector<32xbf16>
        %max3A_277 = arith.maximumf %add3A_274, %max3A_276 : vector<32xbf16>
        %unpack3A_278 = tpu.unpack_subelements %max3A_277, 0 {pack_format = #tpu.pack_format<interleaved>} : vector<32xbf16> -> vector<16xf32>
        %unpack3A_279 = tpu.unpack_subelements %max3A_277, 1 {pack_format = #tpu.pack_format<interleaved>} : vector<32xbf16> -> vector<16xf32>
        %swap3A_280 = arith.index_cast %add3A_213 : i32 to index
        %swap3A_281 = arith.constant 96 : index
        %swap3A_282 = tpu.vector_load %arg9[%swap3A_280, %swap3A_281] {strides = array<i32>} : memref<80x128xf32, #tpu.memory_space<vmem>>, vector<16xf32>,
        tpu.vector_store %arg9[%swap3A_280, %swap3A_281], %unpack3A_278 {strides = array<i32>} : memref<80x128xf32, #tpu.memory_space<vmem>>, vector<16xf32>,
        %swap3A_283 = arith.index_cast %add3A_213 : i32 to index
        %swap3A_284 = arith.constant 112 : index
        %swap3A_285 = tpu.vector_load %arg9[%swap3A_283, %swap3A_284] {strides = array<i32>} : memref<80x128xf32, #tpu.memory_space<vmem>>, vector<16xf32>,
        tpu.vector_store %arg9[%swap3A_283, %swap3A_284], %unpack3A_279 {strides = array<i32>} : memref<80x128xf32, #tpu.memory_space<vmem>>, vector<16xf32>,
      }
      %scan3A_165 = arith.constant 80 : i32
      "tpu.region"() ({
        %run_scoped3A_209 = tpu.sem_alloc : memref<!tpu.dma_semaphore, #tpu.memory_space<semaphore_mem>>
        %dma_start3A_210 = arith.constant 0 : i32
        %dma_start3A_211 = tpu.memref_slice %arg7[%add3A_126, %dma_start3A_210] : memref<125x80xi32, #tpu.memory_space<vmem>> -> memref<1x80xi32, #tpu.memory_space<vmem>>
        %dma_start3A_212 = tpu.memref_squeeze %dma_start3A_211 : memref<1x80xi32, #tpu.memory_space<vmem>> -> memref<80xi32, #tpu.memory_space<vmem>>
        %dma_start3A_213 = arith.constant 0 : i32
        %dma_start3A_214 = arith.constant 0 : i32
        %dma_start3A_215 = tpu.memref_slice %arg11[%dma_start3A_213, %dma_start3A_214] : memref<10000x128xf32, #tpu.memory_space<vmem_shared>> -> memref<10000x128xf32, #tpu.memory_space<vmem_shared>>
        tpu.enqueue_indirect_dma source(%arg9 : memref<80x128xf32, #tpu.memory_space<vmem>>) target(%dma_start3A_215 : memref<10000x128xf32, #tpu.memory_space<vmem_shared>>) offsets(%dma_start3A_212 : memref<80xi32, #tpu.memory_space<vmem>>) semaphore(%run_scoped3A_209 : memref<!tpu.dma_semaphore, #tpu.memory_space<semaphore_mem>>) {add = true}
        %dma_wait3A_216 = arith.constant 0 : i32
        %dma_wait3A_217 = tpu.memref_slice %arg7[%add3A_126, %dma_wait3A_216] : memref<125x80xi32, #tpu.memory_space<vmem>> -> memref<1x80xi32, #tpu.memory_space<vmem>>
        %dma_wait3A_218 = tpu.memref_squeeze %dma_wait3A_217 : memref<1x80xi32, #tpu.memory_space<vmem>> -> memref<80xi32, #tpu.memory_space<vmem>>
        %dma_wait3A_219 = arith.constant 0 : i32
        %dma_wait3A_220 = arith.constant 0 : i32
        %dma_wait3A_221 = tpu.memref_slice %arg11[%dma_wait3A_219, %dma_wait3A_220] : memref<10000x128xf32, #tpu.memory_space<vmem_shared>> -> memref<10000x128xf32, #tpu.memory_space<vmem_shared>>
        tpu.wait_indirect_dma semaphore(%run_scoped3A_209 : memref<!tpu.dma_semaphore, #tpu.memory_space<semaphore_mem>>) src(%arg9 : memref<80x128xf32, #tpu.memory_space<vmem>>) dst(%dma_wait3A_221 : memref<10000x128xf32, #tpu.memory_space<vmem_shared>>)
        tpu.yield
      }) : () -> ()
      %mul3A_166 = arith.constant 2 : i32
      %mul3A_167 = arith.muli %mul3A_166, %add3A_122 : i32
      %add3A_168 = arith.constant 1 : i32
      %add3A_169 = arith.addi %mul3A_167, %add3A_168 : i32
      %mul3A_170 = arith.constant 80 : i32
      %mul3A_171 = arith.muli %add3A_169, %mul3A_170 : i32
      %add3A_172 = arith.addi %mul3A_2, %mul3A_171 : i32
      %dma_wait3A_173 = arith.constant 1 : i32
      %dma_wait3A_174 = arith.constant 0 : i32
      %dma_wait3A_175 = arith.constant 0 : i32
      %dma_wait3A_176 = tpu.memref_slice %arg8[%dma_wait3A_173, %dma_wait3A_174, %dma_wait3A_175] : memref<2x80x64xf32, #tpu.memory_space<vmem>> -> memref<1x80x64xf32, #tpu.memory_space<vmem>>
      %dma_wait3A_177 = tpu.memref_squeeze %dma_wait3A_176 : memref<1x80x64xf32, #tpu.memory_space<vmem>> -> memref<80x64xf32, #tpu.memory_space<vmem>>
      %dma_wait3A_178 = arith.constant 0 : i32
      %dma_wait3A_179 = tpu.memref_slice %arg2[%add3A_172, %dma_wait3A_178] : memref<320000x64xf32, #tpu.memory_space<hbm>> -> memref<80x64xf32, #tpu.memory_space<hbm>>
      %dma_wait3A_180 = arith.constant 0 : i32
      %dma_wait3A_181 = arith.constant 0 : i32
      %dma_wait3A_182 = tpu.memref_slice %arg8[%dma_wait3A_173, %dma_wait3A_180, %dma_wait3A_181] : memref<2x80x64xf32, #tpu.memory_space<vmem>> -> memref<1x80x64xf32, #tpu.memory_space<vmem>>
      %dma_wait3A_183 = tpu.memref_squeeze %dma_wait3A_182 : memref<1x80x64xf32, #tpu.memory_space<vmem>> -> memref<80x64xf32, #tpu.memory_space<vmem>>
      %dma_wait3A_184 = arith.constant 0 : i32
      %dma_wait3A_185 = tpu.memref_slice %arg2[%add3A_172, %dma_wait3A_184] : memref<320000x64xf32, #tpu.memory_space<hbm>> -> memref<80x64xf32, #tpu.memory_space<hbm>>
      tpu.wait_dma2 semaphore(%arg13 : memref<!tpu.dma_semaphore, #tpu.memory_space<semaphore_mem>>) src(%dma_wait3A_185 : memref<80x64xf32, #tpu.memory_space<hbm>>) dst(%dma_wait3A_183 : memref<80x64xf32, #tpu.memory_space<vmem>>)
      %add3A_186 = arith.constant 1 : i32
      %add3A_187 = arith.addi %add3A_169, %add3A_186 : i32
      %mul3A_188 = arith.constant 80 : i32
      %mul3A_189 = arith.muli %add3A_187, %mul3A_188 : i32
      %add3A_190 = arith.addi %mul3A_2, %mul3A_189 : i32
      %dma_start3A_191 = arith.constant 0 : i32
      %dma_start3A_192 = arith.constant 0 : i32
      %dma_start3A_193 = arith.constant 0 : i32
      %dma_start3A_194 = tpu.memref_slice %arg8[%dma_start3A_191, %dma_start3A_192, %dma_start3A_193] : memref<2x80x64xf32, #tpu.memory_space<vmem>> -> memref<1x80x64xf32, #tpu.memory_space<vmem>>
      %dma_start3A_195 = tpu.memref_squeeze %dma_start3A_194 : memref<1x80x64xf32, #tpu.memory_space<vmem>> -> memref<80x64xf32, #tpu.memory_space<vmem>>
      %dma_start3A_196 = arith.constant 0 : i32
      %dma_start3A_197 = tpu.memref_slice %arg2[%add3A_190, %dma_start3A_196] : memref<320000x64xf32, #tpu.memory_space<hbm>> -> memref<80x64xf32, #tpu.memory_space<hbm>>
      %dma_start3A_198 = arith.constant 0 : i32
      %dma_start3A_199 = arith.constant 0 : i32
      %dma_start3A_200 = tpu.memref_slice %arg8[%dma_start3A_191, %dma_start3A_198, %dma_start3A_199] : memref<2x80x64xf32, #tpu.memory_space<vmem>> -> memref<1x80x64xf32, #tpu.memory_space<vmem>>
      %dma_start3A_201 = tpu.memref_squeeze %dma_start3A_200 : memref<1x80x64xf32, #tpu.memory_space<vmem>> -> memref<80x64xf32, #tpu.memory_space<vmem>>
      %dma_start3A_202 = arith.constant 0 : i32
      %dma_start3A_203 = tpu.memref_slice %arg2[%add3A_190, %dma_start3A_202] : memref<320000x64xf32, #tpu.memory_space<hbm>> -> memref<80x64xf32, #tpu.memory_space<hbm>>
      tpu.enqueue_dma source(%dma_start3A_203 : memref<80x64xf32, #tpu.memory_space<hbm>>) target(%dma_start3A_201 : memref<80x64xf32, #tpu.memory_space<vmem>>) target_semaphore(%arg12 : memref<!tpu.dma_semaphore, #tpu.memory_space<semaphore_mem>>)
      %scan3A_204 = arith.constant 0 : i32
      %scan3A_205 = arith.constant 80 : i32
      %scan3A_206 = arith.addi %scan3A_204, %scan3A_205 : i32
      %scan3A_207 = arith.constant 1 : i32
      scf.for %scan3A_209 = %scan3A_204 to %scan3A_206 step %scan3A_207  : i32 {
        %mul3A_210 = arith.constant 1 : i32
        %mul3A_211 = arith.muli %scan3A_209, %mul3A_210 : i32
        %add3A_212 = arith.constant 0 : i32
        %add3A_213 = arith.addi %add3A_212, %mul3A_211 : i32
        %get3A_214 = arith.constant 1 : i32
        %get3A_215 = arith.index_cast %get3A_214 : i32 to index
        %get3A_216 = arith.index_cast %add3A_213 : i32 to index
        %get3A_217 = arith.constant 0 : index
        %get3A_218 = tpu.vector_load %arg8[%get3A_215, %get3A_216, %get3A_217] {strides = array<i32>} : memref<2x80x64xf32, #tpu.memory_space<vmem>>, vector<16xf32>,
        %bitcast3A = vector.bitcast %get3A_218 : vector<16xf32> to vector<32xbf16>
        %mul3A_219 = arith.mulf %bitcast3A, %pack3A : vector<32xbf16>
        %add3A_220 = arith.addf %mul3A_219, %pack3A_47 : vector<32xbf16>
        %max3A = arith.constant 0.000000e+00 : bf16
        %max3A_221 = vector.broadcast %max3A : bf16 to vector<32xbf16>
        %max3A_222 = arith.maximumf %add3A_220, %max3A_221 : vector<32xbf16>
        %unpack3A = tpu.unpack_subelements %max3A_222, 0 {pack_format = #tpu.pack_format<interleaved>} : vector<32xbf16> -> vector<16xf32>
        %unpack3A_223 = tpu.unpack_subelements %max3A_222, 1 {pack_format = #tpu.pack_format<interleaved>} : vector<32xbf16> -> vector<16xf32>
        %swap3A = arith.index_cast %add3A_213 : i32 to index
        %swap3A_224 = arith.constant 0 : index
        %swap3A_225 = tpu.vector_load %arg9[%swap3A, %swap3A_224] {strides = array<i32>} : memref<80x128xf32, #tpu.memory_space<vmem>>, vector<16xf32>,
        tpu.vector_store %arg9[%swap3A, %swap3A_224], %unpack3A {strides = array<i32>} : memref<80x128xf32, #tpu.memory_space<vmem>>, vector<16xf32>,
        %swap3A_226 = arith.index_cast %add3A_213 : i32 to index
        %swap3A_227 = arith.constant 16 : index
        %swap3A_228 = tpu.vector_load %arg9[%swap3A_226, %swap3A_227] {strides = array<i32>} : memref<80x128xf32, #tpu.memory_space<vmem>>, vector<16xf32>,
        tpu.vector_store %arg9[%swap3A_226, %swap3A_227], %unpack3A_223 {strides = array<i32>} : memref<80x128xf32, #tpu.memory_space<vmem>>, vector<16xf32>,
        %get3A_229 = arith.constant 1 : i32
        %get3A_230 = arith.index_cast %get3A_229 : i32 to index
        %get3A_231 = arith.index_cast %add3A_213 : i32 to index
        %get3A_232 = arith.constant 16 : index
        %get3A_233 = tpu.vector_load %arg8[%get3A_230, %get3A_231, %get3A_232] {strides = array<i32>} : memref<2x80x64xf32, #tpu.memory_space<vmem>>, vector<16xf32>,
        %bitcast3A_234 = vector.bitcast %get3A_233 : vector<16xf32> to vector<32xbf16>
        %mul3A_235 = arith.mulf %bitcast3A_234, %pack3A_20 : vector<32xbf16>
        %add3A_236 = arith.addf %mul3A_235, %pack3A_56 : vector<32xbf16>
        %max3A_237 = arith.constant 0.000000e+00 : bf16
        %max3A_238 = vector.broadcast %max3A_237 : bf16 to vector<32xbf16>
        %max3A_239 = arith.maximumf %add3A_236, %max3A_238 : vector<32xbf16>
        %unpack3A_240 = tpu.unpack_subelements %max3A_239, 0 {pack_format = #tpu.pack_format<interleaved>} : vector<32xbf16> -> vector<16xf32>
        %unpack3A_241 = tpu.unpack_subelements %max3A_239, 1 {pack_format = #tpu.pack_format<interleaved>} : vector<32xbf16> -> vector<16xf32>
        %swap3A_242 = arith.index_cast %add3A_213 : i32 to index
        %swap3A_243 = arith.constant 32 : index
        %swap3A_244 = tpu.vector_load %arg9[%swap3A_242, %swap3A_243] {strides = array<i32>} : memref<80x128xf32, #tpu.memory_space<vmem>>, vector<16xf32>,
        tpu.vector_store %arg9[%swap3A_242, %swap3A_243], %unpack3A_240 {strides = array<i32>} : memref<80x128xf32, #tpu.memory_space<vmem>>, vector<16xf32>,
        %swap3A_245 = arith.index_cast %add3A_213 : i32 to index
        %swap3A_246 = arith.constant 48 : index
        %swap3A_247 = tpu.vector_load %arg9[%swap3A_245, %swap3A_246] {strides = array<i32>} : memref<80x128xf32, #tpu.memory_space<vmem>>, vector<16xf32>,
        tpu.vector_store %arg9[%swap3A_245, %swap3A_246], %unpack3A_241 {strides = array<i32>} : memref<80x128xf32, #tpu.memory_space<vmem>>, vector<16xf32>,
        %get3A_248 = arith.constant 1 : i32
        %get3A_249 = arith.index_cast %get3A_248 : i32 to index
        %get3A_250 = arith.index_cast %add3A_213 : i32 to index
        %get3A_251 = arith.constant 32 : index
        %get3A_252 = tpu.vector_load %arg8[%get3A_249, %get3A_250, %get3A_251] {strides = array<i32>} : memref<2x80x64xf32, #tpu.memory_space<vmem>>, vector<16xf32>,
        %bitcast3A_253 = vector.bitcast %get3A_252 : vector<16xf32> to vector<32xbf16>
        %mul3A_254 = arith.mulf %bitcast3A_253, %pack3A_29 : vector<32xbf16>
        %add3A_255 = arith.addf %mul3A_254, %pack3A_65 : vector<32xbf16>
        %max3A_256 = arith.constant 0.000000e+00 : bf16
        %max3A_257 = vector.broadcast %max3A_256 : bf16 to vector<32xbf16>
        %max3A_258 = arith.maximumf %add3A_255, %max3A_257 : vector<32xbf16>
        %unpack3A_259 = tpu.unpack_subelements %max3A_258, 0 {pack_format = #tpu.pack_format<interleaved>} : vector<32xbf16> -> vector<16xf32>
        %unpack3A_260 = tpu.unpack_subelements %max3A_258, 1 {pack_format = #tpu.pack_format<interleaved>} : vector<32xbf16> -> vector<16xf32>
        %swap3A_261 = arith.index_cast %add3A_213 : i32 to index
        %swap3A_262 = arith.constant 64 : index
        %swap3A_263 = tpu.vector_load %arg9[%swap3A_261, %swap3A_262] {strides = array<i32>} : memref<80x128xf32, #tpu.memory_space<vmem>>, vector<16xf32>,
        tpu.vector_store %arg9[%swap3A_261, %swap3A_262], %unpack3A_259 {strides = array<i32>} : memref<80x128xf32, #tpu.memory_space<vmem>>, vector<16xf32>,
        %swap3A_264 = arith.index_cast %add3A_213 : i32 to index
        %swap3A_265 = arith.constant 80 : index
        %swap3A_266 = tpu.vector_load %arg9[%swap3A_264, %swap3A_265] {strides = array<i32>} : memref<80x128xf32, #tpu.memory_space<vmem>>, vector<16xf32>,
        tpu.vector_store %arg9[%swap3A_264, %swap3A_265], %unpack3A_260 {strides = array<i32>} : memref<80x128xf32, #tpu.memory_space<vmem>>, vector<16xf32>,
        %get3A_267 = arith.constant 1 : i32
        %get3A_268 = arith.index_cast %get3A_267 : i32 to index
        %get3A_269 = arith.index_cast %add3A_213 : i32 to index
        %get3A_270 = arith.constant 48 : index
        %get3A_271 = tpu.vector_load %arg8[%get3A_268, %get3A_269, %get3A_270] {strides = array<i32>} : memref<2x80x64xf32, #tpu.memory_space<vmem>>, vector<16xf32>,
        %bitcast3A_272 = vector.bitcast %get3A_271 : vector<16xf32> to vector<32xbf16>
        %mul3A_273 = arith.mulf %bitcast3A_272, %pack3A_38 : vector<32xbf16>
        %add3A_274 = arith.addf %mul3A_273, %pack3A_74 : vector<32xbf16>
        %max3A_275 = arith.constant 0.000000e+00 : bf16
        %max3A_276 = vector.broadcast %max3A_275 : bf16 to vector<32xbf16>
        %max3A_277 = arith.maximumf %add3A_274, %max3A_276 : vector<32xbf16>
        %unpack3A_278 = tpu.unpack_subelements %max3A_277, 0 {pack_format = #tpu.pack_format<interleaved>} : vector<32xbf16> -> vector<16xf32>
        %unpack3A_279 = tpu.unpack_subelements %max3A_277, 1 {pack_format = #tpu.pack_format<interleaved>} : vector<32xbf16> -> vector<16xf32>
        %swap3A_280 = arith.index_cast %add3A_213 : i32 to index
        %swap3A_281 = arith.constant 96 : index
        %swap3A_282 = tpu.vector_load %arg9[%swap3A_280, %swap3A_281] {strides = array<i32>} : memref<80x128xf32, #tpu.memory_space<vmem>>, vector<16xf32>,
        tpu.vector_store %arg9[%swap3A_280, %swap3A_281], %unpack3A_278 {strides = array<i32>} : memref<80x128xf32, #tpu.memory_space<vmem>>, vector<16xf32>,
        %swap3A_283 = arith.index_cast %add3A_213 : i32 to index
        %swap3A_284 = arith.constant 112 : index
        %swap3A_285 = tpu.vector_load %arg9[%swap3A_283, %swap3A_284] {strides = array<i32>} : memref<80x128xf32, #tpu.memory_space<vmem>>, vector<16xf32>,
        tpu.vector_store %arg9[%swap3A_283, %swap3A_284], %unpack3A_279 {strides = array<i32>} : memref<80x128xf32, #tpu.memory_space<vmem>>, vector<16xf32>,
      }
      %scan3A_208 = arith.constant 80 : i32
      "tpu.region"() ({
        %run_scoped3A_209 = tpu.sem_alloc : memref<!tpu.dma_semaphore, #tpu.memory_space<semaphore_mem>>
        %dma_start3A_210 = arith.constant 0 : i32
        %dma_start3A_211 = tpu.memref_slice %arg7[%add3A_169, %dma_start3A_210] : memref<125x80xi32, #tpu.memory_space<vmem>> -> memref<1x80xi32, #tpu.memory_space<vmem>>
        %dma_start3A_212 = tpu.memref_squeeze %dma_start3A_211 : memref<1x80xi32, #tpu.memory_space<vmem>> -> memref<80xi32, #tpu.memory_space<vmem>>
        %dma_start3A_213 = arith.constant 0 : i32
        %dma_start3A_214 = arith.constant 0 : i32
        %dma_start3A_215 = tpu.memref_slice %arg11[%dma_start3A_213, %dma_start3A_214] : memref<10000x128xf32, #tpu.memory_space<vmem_shared>> -> memref<10000x128xf32, #tpu.memory_space<vmem_shared>>
        tpu.enqueue_indirect_dma source(%arg9 : memref<80x128xf32, #tpu.memory_space<vmem>>) target(%dma_start3A_215 : memref<10000x128xf32, #tpu.memory_space<vmem_shared>>) offsets(%dma_start3A_212 : memref<80xi32, #tpu.memory_space<vmem>>) semaphore(%run_scoped3A_209 : memref<!tpu.dma_semaphore, #tpu.memory_space<semaphore_mem>>) {add = true}
        %dma_wait3A_216 = arith.constant 0 : i32
        %dma_wait3A_217 = tpu.memref_slice %arg7[%add3A_169, %dma_wait3A_216] : memref<125x80xi32, #tpu.memory_space<vmem>> -> memref<1x80xi32, #tpu.memory_space<vmem>>
        %dma_wait3A_218 = tpu.memref_squeeze %dma_wait3A_217 : memref<1x80xi32, #tpu.memory_space<vmem>> -> memref<80xi32, #tpu.memory_space<vmem>>
        %dma_wait3A_219 = arith.constant 0 : i32
        %dma_wait3A_220 = arith.constant 0 : i32
        %dma_wait3A_221 = tpu.memref_slice %arg11[%dma_wait3A_219, %dma_wait3A_220] : memref<10000x128xf32, #tpu.memory_space<vmem_shared>> -> memref<10000x128xf32, #tpu.memory_space<vmem_shared>>
        tpu.wait_indirect_dma semaphore(%run_scoped3A_209 : memref<!tpu.dma_semaphore, #tpu.memory_space<semaphore_mem>>) src(%arg9 : memref<80x128xf32, #tpu.memory_space<vmem>>) dst(%dma_wait3A_221 : memref<10000x128xf32, #tpu.memory_space<vmem_shared>>)
        tpu.yield
      }) : () -> ()
    }
    %scan3A_92 = arith.constant 62 : i32
    %add3A_93 = arith.constant 9920 : i32
    %add3A_94 = arith.addi %mul3A_2, %add3A_93 : i32
    %dma_wait3A = arith.constant 0 : i32
    %dma_wait3A_95 = arith.constant 0 : i32
    %dma_wait3A_96 = arith.constant 0 : i32
    %dma_wait3A_97 = tpu.memref_slice %arg8[%dma_wait3A, %dma_wait3A_95, %dma_wait3A_96] : memref<2x80x64xf32, #tpu.memory_space<vmem>> -> memref<1x80x64xf32, #tpu.memory_space<vmem>>
    %dma_wait3A_98 = tpu.memref_squeeze %dma_wait3A_97 : memref<1x80x64xf32, #tpu.memory_space<vmem>> -> memref<80x64xf32, #tpu.memory_space<vmem>>
    %dma_wait3A_99 = arith.constant 0 : i32
    %dma_wait3A_100 = tpu.memref_slice %arg2[%add3A_94, %dma_wait3A_99] : memref<320000x64xf32, #tpu.memory_space<hbm>> -> memref<80x64xf32, #tpu.memory_space<hbm>>
    %dma_wait3A_101 = arith.constant 0 : i32
    %dma_wait3A_102 = arith.constant 0 : i32
    %dma_wait3A_103 = tpu.memref_slice %arg8[%dma_wait3A, %dma_wait3A_101, %dma_wait3A_102] : memref<2x80x64xf32, #tpu.memory_space<vmem>> -> memref<1x80x64xf32, #tpu.memory_space<vmem>>
    %dma_wait3A_104 = tpu.memref_squeeze %dma_wait3A_103 : memref<1x80x64xf32, #tpu.memory_space<vmem>> -> memref<80x64xf32, #tpu.memory_space<vmem>>
    %dma_wait3A_105 = arith.constant 0 : i32
    %dma_wait3A_106 = tpu.memref_slice %arg2[%add3A_94, %dma_wait3A_105] : memref<320000x64xf32, #tpu.memory_space<hbm>> -> memref<80x64xf32, #tpu.memory_space<hbm>>
    tpu.wait_dma2 semaphore(%arg12 : memref<!tpu.dma_semaphore, #tpu.memory_space<semaphore_mem>>) src(%dma_wait3A_106 : memref<80x64xf32, #tpu.memory_space<hbm>>) dst(%dma_wait3A_104 : memref<80x64xf32, #tpu.memory_space<vmem>>)
    %scan3A_107 = arith.constant 0 : i32
    %scan3A_108 = arith.constant 80 : i32
    %scan3A_109 = arith.addi %scan3A_107, %scan3A_108 : i32
    %scan3A_110 = arith.constant 1 : i32
    scf.for %scan3A_118 = %scan3A_107 to %scan3A_109 step %scan3A_110  : i32 {
      %mul3A_119 = arith.constant 1 : i32
      %mul3A_120 = arith.muli %scan3A_118, %mul3A_119 : i32
      %add3A_121 = arith.constant 0 : i32
      %add3A_122 = arith.addi %add3A_121, %mul3A_120 : i32
      %get3A_123 = arith.constant 0 : i32
      %get3A_124 = arith.index_cast %get3A_123 : i32 to index
      %get3A_125 = arith.index_cast %add3A_122 : i32 to index
      %get3A_126 = arith.constant 0 : index
      %get3A_127 = tpu.vector_load %arg8[%get3A_124, %get3A_125, %get3A_126] {strides = array<i32>} : memref<2x80x64xf32, #tpu.memory_space<vmem>>, vector<16xf32>,
      %bitcast3A = vector.bitcast %get3A_127 : vector<16xf32> to vector<32xbf16>
      %mul3A_128 = arith.mulf %bitcast3A, %pack3A : vector<32xbf16>
      %add3A_129 = arith.addf %mul3A_128, %pack3A_47 : vector<32xbf16>
      %max3A = arith.constant 0.000000e+00 : bf16
      %max3A_130 = vector.broadcast %max3A : bf16 to vector<32xbf16>
      %max3A_131 = arith.maximumf %add3A_129, %max3A_130 : vector<32xbf16>
      %unpack3A = tpu.unpack_subelements %max3A_131, 0 {pack_format = #tpu.pack_format<interleaved>} : vector<32xbf16> -> vector<16xf32>
      %unpack3A_132 = tpu.unpack_subelements %max3A_131, 1 {pack_format = #tpu.pack_format<interleaved>} : vector<32xbf16> -> vector<16xf32>
      %swap3A = arith.index_cast %add3A_122 : i32 to index
      %swap3A_133 = arith.constant 0 : index
      %swap3A_134 = tpu.vector_load %arg9[%swap3A, %swap3A_133] {strides = array<i32>} : memref<80x128xf32, #tpu.memory_space<vmem>>, vector<16xf32>,
      tpu.vector_store %arg9[%swap3A, %swap3A_133], %unpack3A {strides = array<i32>} : memref<80x128xf32, #tpu.memory_space<vmem>>, vector<16xf32>,
      %swap3A_135 = arith.index_cast %add3A_122 : i32 to index
      %swap3A_136 = arith.constant 16 : index
      %swap3A_137 = tpu.vector_load %arg9[%swap3A_135, %swap3A_136] {strides = array<i32>} : memref<80x128xf32, #tpu.memory_space<vmem>>, vector<16xf32>,
      tpu.vector_store %arg9[%swap3A_135, %swap3A_136], %unpack3A_132 {strides = array<i32>} : memref<80x128xf32, #tpu.memory_space<vmem>>, vector<16xf32>,
      %get3A_138 = arith.constant 0 : i32
      %get3A_139 = arith.index_cast %get3A_138 : i32 to index
      %get3A_140 = arith.index_cast %add3A_122 : i32 to index
      %get3A_141 = arith.constant 16 : index
      %get3A_142 = tpu.vector_load %arg8[%get3A_139, %get3A_140, %get3A_141] {strides = array<i32>} : memref<2x80x64xf32, #tpu.memory_space<vmem>>, vector<16xf32>,
      %bitcast3A_143 = vector.bitcast %get3A_142 : vector<16xf32> to vector<32xbf16>
      %mul3A_144 = arith.mulf %bitcast3A_143, %pack3A_20 : vector<32xbf16>
      %add3A_145 = arith.addf %mul3A_144, %pack3A_56 : vector<32xbf16>
      %max3A_146 = arith.constant 0.000000e+00 : bf16
      %max3A_147 = vector.broadcast %max3A_146 : bf16 to vector<32xbf16>
      %max3A_148 = arith.maximumf %add3A_145, %max3A_147 : vector<32xbf16>
      %unpack3A_149 = tpu.unpack_subelements %max3A_148, 0 {pack_format = #tpu.pack_format<interleaved>} : vector<32xbf16> -> vector<16xf32>
      %unpack3A_150 = tpu.unpack_subelements %max3A_148, 1 {pack_format = #tpu.pack_format<interleaved>} : vector<32xbf16> -> vector<16xf32>
      %swap3A_151 = arith.index_cast %add3A_122 : i32 to index
      %swap3A_152 = arith.constant 32 : index
      %swap3A_153 = tpu.vector_load %arg9[%swap3A_151, %swap3A_152] {strides = array<i32>} : memref<80x128xf32, #tpu.memory_space<vmem>>, vector<16xf32>,
      tpu.vector_store %arg9[%swap3A_151, %swap3A_152], %unpack3A_149 {strides = array<i32>} : memref<80x128xf32, #tpu.memory_space<vmem>>, vector<16xf32>,
      %swap3A_154 = arith.index_cast %add3A_122 : i32 to index
      %swap3A_155 = arith.constant 48 : index
      %swap3A_156 = tpu.vector_load %arg9[%swap3A_154, %swap3A_155] {strides = array<i32>} : memref<80x128xf32, #tpu.memory_space<vmem>>, vector<16xf32>,
      tpu.vector_store %arg9[%swap3A_154, %swap3A_155], %unpack3A_150 {strides = array<i32>} : memref<80x128xf32, #tpu.memory_space<vmem>>, vector<16xf32>,
      %get3A_157 = arith.constant 0 : i32
      %get3A_158 = arith.index_cast %get3A_157 : i32 to index
      %get3A_159 = arith.index_cast %add3A_122 : i32 to index
      %get3A_160 = arith.constant 32 : index
      %get3A_161 = tpu.vector_load %arg8[%get3A_158, %get3A_159, %get3A_160] {strides = array<i32>} : memref<2x80x64xf32, #tpu.memory_space<vmem>>, vector<16xf32>,
      %bitcast3A_162 = vector.bitcast %get3A_161 : vector<16xf32> to vector<32xbf16>
      %mul3A_163 = arith.mulf %bitcast3A_162, %pack3A_29 : vector<32xbf16>
      %add3A_164 = arith.addf %mul3A_163, %pack3A_65 : vector<32xbf16>
      %max3A_165 = arith.constant 0.000000e+00 : bf16
      %max3A_166 = vector.broadcast %max3A_165 : bf16 to vector<32xbf16>
      %max3A_167 = arith.maximumf %add3A_164, %max3A_166 : vector<32xbf16>
      %unpack3A_168 = tpu.unpack_subelements %max3A_167, 0 {pack_format = #tpu.pack_format<interleaved>} : vector<32xbf16> -> vector<16xf32>
      %unpack3A_169 = tpu.unpack_subelements %max3A_167, 1 {pack_format = #tpu.pack_format<interleaved>} : vector<32xbf16> -> vector<16xf32>
      %swap3A_170 = arith.index_cast %add3A_122 : i32 to index
      %swap3A_171 = arith.constant 64 : index
      %swap3A_172 = tpu.vector_load %arg9[%swap3A_170, %swap3A_171] {strides = array<i32>} : memref<80x128xf32, #tpu.memory_space<vmem>>, vector<16xf32>,
      tpu.vector_store %arg9[%swap3A_170, %swap3A_171], %unpack3A_168 {strides = array<i32>} : memref<80x128xf32, #tpu.memory_space<vmem>>, vector<16xf32>,
      %swap3A_173 = arith.index_cast %add3A_122 : i32 to index
      %swap3A_174 = arith.constant 80 : index
      %swap3A_175 = tpu.vector_load %arg9[%swap3A_173, %swap3A_174] {strides = array<i32>} : memref<80x128xf32, #tpu.memory_space<vmem>>, vector<16xf32>,
      tpu.vector_store %arg9[%swap3A_173, %swap3A_174], %unpack3A_169 {strides = array<i32>} : memref<80x128xf32, #tpu.memory_space<vmem>>, vector<16xf32>,
      %get3A_176 = arith.constant 0 : i32
      %get3A_177 = arith.index_cast %get3A_176 : i32 to index
      %get3A_178 = arith.index_cast %add3A_122 : i32 to index
      %get3A_179 = arith.constant 48 : index
      %get3A_180 = tpu.vector_load %arg8[%get3A_177, %get3A_178, %get3A_179] {strides = array<i32>} : memref<2x80x64xf32, #tpu.memory_space<vmem>>, vector<16xf32>,
      %bitcast3A_181 = vector.bitcast %get3A_180 : vector<16xf32> to vector<32xbf16>
      %mul3A_182 = arith.mulf %bitcast3A_181, %pack3A_38 : vector<32xbf16>
      %add3A_183 = arith.addf %mul3A_182, %pack3A_74 : vector<32xbf16>
      %max3A_184 = arith.constant 0.000000e+00 : bf16
      %max3A_185 = vector.broadcast %max3A_184 : bf16 to vector<32xbf16>
      %max3A_186 = arith.maximumf %add3A_183, %max3A_185 : vector<32xbf16>
      %unpack3A_187 = tpu.unpack_subelements %max3A_186, 0 {pack_format = #tpu.pack_format<interleaved>} : vector<32xbf16> -> vector<16xf32>
      %unpack3A_188 = tpu.unpack_subelements %max3A_186, 1 {pack_format = #tpu.pack_format<interleaved>} : vector<32xbf16> -> vector<16xf32>
      %swap3A_189 = arith.index_cast %add3A_122 : i32 to index
      %swap3A_190 = arith.constant 96 : index
      %swap3A_191 = tpu.vector_load %arg9[%swap3A_189, %swap3A_190] {strides = array<i32>} : memref<80x128xf32, #tpu.memory_space<vmem>>, vector<16xf32>,
      tpu.vector_store %arg9[%swap3A_189, %swap3A_190], %unpack3A_187 {strides = array<i32>} : memref<80x128xf32, #tpu.memory_space<vmem>>, vector<16xf32>,
      %swap3A_192 = arith.index_cast %add3A_122 : i32 to index
      %swap3A_193 = arith.constant 112 : index
      %swap3A_194 = tpu.vector_load %arg9[%swap3A_192, %swap3A_193] {strides = array<i32>} : memref<80x128xf32, #tpu.memory_space<vmem>>, vector<16xf32>,
      tpu.vector_store %arg9[%swap3A_192, %swap3A_193], %unpack3A_188 {strides = array<i32>} : memref<80x128xf32, #tpu.memory_space<vmem>>, vector<16xf32>,
    }
    %scan3A_111 = arith.constant 80 : i32
    %run_scoped3A = arith.constant 124 : i32
    "tpu.region"() ({
      %run_scoped3A_118 = tpu.sem_alloc : memref<!tpu.dma_semaphore, #tpu.memory_space<semaphore_mem>>
      %dma_start3A_119 = arith.constant 0 : i32
      %dma_start3A_120 = tpu.memref_slice %arg7[%run_scoped3A, %dma_start3A_119] : memref<125x80xi32, #tpu.memory_space<vmem>> -> memref<1x80xi32, #tpu.memory_space<vmem>>
      %dma_start3A_121 = tpu.memref_squeeze %dma_start3A_120 : memref<1x80xi32, #tpu.memory_space<vmem>> -> memref<80xi32, #tpu.memory_space<vmem>>
      %dma_start3A_122 = arith.constant 0 : i32
      %dma_start3A_123 = arith.constant 0 : i32
      %dma_start3A_124 = tpu.memref_slice %arg11[%dma_start3A_122, %dma_start3A_123] : memref<10000x128xf32, #tpu.memory_space<vmem_shared>> -> memref<10000x128xf32, #tpu.memory_space<vmem_shared>>
      tpu.enqueue_indirect_dma source(%arg9 : memref<80x128xf32, #tpu.memory_space<vmem>>) target(%dma_start3A_124 : memref<10000x128xf32, #tpu.memory_space<vmem_shared>>) offsets(%dma_start3A_121 : memref<80xi32, #tpu.memory_space<vmem>>) semaphore(%run_scoped3A_118 : memref<!tpu.dma_semaphore, #tpu.memory_space<semaphore_mem>>) {add = true}
      %dma_wait3A_125 = arith.constant 0 : i32
      %dma_wait3A_126 = tpu.memref_slice %arg7[%run_scoped3A, %dma_wait3A_125] : memref<125x80xi32, #tpu.memory_space<vmem>> -> memref<1x80xi32, #tpu.memory_space<vmem>>
      %dma_wait3A_127 = tpu.memref_squeeze %dma_wait3A_126 : memref<1x80xi32, #tpu.memory_space<vmem>> -> memref<80xi32, #tpu.memory_space<vmem>>
      %dma_wait3A_128 = arith.constant 0 : i32
      %dma_wait3A_129 = arith.constant 0 : i32
      %dma_wait3A_130 = tpu.memref_slice %arg11[%dma_wait3A_128, %dma_wait3A_129] : memref<10000x128xf32, #tpu.memory_space<vmem_shared>> -> memref<10000x128xf32, #tpu.memory_space<vmem_shared>>
      tpu.wait_indirect_dma semaphore(%run_scoped3A_118 : memref<!tpu.dma_semaphore, #tpu.memory_space<semaphore_mem>>) src(%arg9 : memref<80x128xf32, #tpu.memory_space<vmem>>) dst(%dma_wait3A_130 : memref<10000x128xf32, #tpu.memory_space<vmem_shared>>)
      tpu.yield
    }) : () -> ()
    %barrier3A_112 = arith.constant 0 : index
    tpu.barrier barrier_id(%barrier3A_112)
    %lt3A_113 = arith.constant 10 : i32
    %lt3A_114 = arith.cmpi slt, %arg1, %lt3A_113 : i32
    %convert_element_type3A_115 = arith.extui %lt3A_114 : i1 to i32
    %cond3A_116 = arith.constant 0 : i32
    %cond3A_117 = arith.cmpi ne, %convert_element_type3A_115, %cond3A_116 : i32
    scf.if %cond3A_117 {
      %mul3A_118 = arith.constant 1000 : i32
      %mul3A_119 = arith.muli %arg1, %mul3A_118 : i32
      %mul3A_120 = arith.constant 1000 : i32
      %mul3A_121 = arith.muli %arg1, %mul3A_120 : i32
      "tpu.region"() ({
        %run_scoped3A_122 = tpu.sem_alloc : memref<!tpu.dma_semaphore, #tpu.memory_space<semaphore_mem>>
        %dma_start3A_123 = arith.constant 0 : i32
        %dma_start3A_124 = arith.constant 0 : i32
        %dma_start3A_125 = tpu.memref_slice %arg6[%arg0, %dma_start3A_123, %dma_start3A_124] : memref<2x10000x128xf32, #tpu.memory_space<hbm>> -> memref<1x10000x128xf32, #tpu.memory_space<hbm>>
        %dma_start3A_126 = tpu.memref_squeeze %dma_start3A_125 : memref<1x10000x128xf32, #tpu.memory_space<hbm>> -> memref<10000x128xf32, #tpu.memory_space<hbm>>
        %dma_start3A_127 = arith.constant 0 : i32
        %dma_start3A_128 = tpu.memref_slice %dma_start3A_126[%mul3A_121, %dma_start3A_127] : memref<10000x128xf32, #tpu.memory_space<hbm>> -> memref<1000x128xf32, #tpu.memory_space<hbm>>
        %dma_start3A_129 = arith.constant 0 : i32
        %dma_start3A_130 = tpu.memref_slice %arg11[%mul3A_119, %dma_start3A_129] : memref<10000x128xf32, #tpu.memory_space<vmem_shared>> -> memref<1000x128xf32, #tpu.memory_space<vmem_shared>>
        tpu.enqueue_dma source(%dma_start3A_130 : memref<1000x128xf32, #tpu.memory_space<vmem_shared>>) target(%dma_start3A_128 : memref<1000x128xf32, #tpu.memory_space<hbm>>) target_semaphore(%run_scoped3A_122 : memref<!tpu.dma_semaphore, #tpu.memory_space<semaphore_mem>>)
        %dma_wait3A_131 = arith.constant 0 : i32
        %dma_wait3A_132 = arith.constant 0 : i32
        %dma_wait3A_133 = tpu.memref_slice %arg6[%arg0, %dma_wait3A_131, %dma_wait3A_132] : memref<2x10000x128xf32, #tpu.memory_space<hbm>> -> memref<1x10000x128xf32, #tpu.memory_space<hbm>>
        %dma_wait3A_134 = tpu.memref_squeeze %dma_wait3A_133 : memref<1x10000x128xf32, #tpu.memory_space<hbm>> -> memref<10000x128xf32, #tpu.memory_space<hbm>>
        %dma_wait3A_135 = arith.constant 0 : i32
        %dma_wait3A_136 = tpu.memref_slice %dma_wait3A_134[%mul3A_121, %dma_wait3A_135] : memref<10000x128xf32, #tpu.memory_space<hbm>> -> memref<1000x128xf32, #tpu.memory_space<hbm>>
        %dma_wait3A_137 = arith.constant 0 : i32
        %dma_wait3A_138 = tpu.memref_slice %arg11[%mul3A_119, %dma_wait3A_137] : memref<10000x128xf32, #tpu.memory_space<vmem_shared>> -> memref<1000x128xf32, #tpu.memory_space<vmem_shared>>
        tpu.wait_dma2 semaphore(%run_scoped3A_122 : memref<!tpu.dma_semaphore, #tpu.memory_space<semaphore_mem>>) src(%dma_wait3A_138 : memref<1000x128xf32, #tpu.memory_space<vmem_shared>>) dst(%dma_wait3A_136 : memref<1000x128xf32, #tpu.memory_space<hbm>>)
        tpu.yield
      }) : () -> ()
    } else {
    }
    return
  }
}

module attributes {stable_mosaic.version = 14 : i64} {
  func.func @_node_proj_body(%arg0: memref<10000x128xf32, #tpu.memory_space<vmem>>, %arg1: memref<128x256xf32, #tpu.memory_space<vmem>>, %arg2: memref<10000x64xf32, #tpu.memory_space<vmem>>, %arg3: memref<10000x64xf32, #tpu.memory_space<vmem>>) attributes {dimension_semantics = [], scalar_prefetch = 0 : i64, scratch_operands = 0 : i64, tpu.core_type = #tpu.core_type<tc>} {
    %get3A = arith.constant 0 : index
    %get3A_0 = arith.constant 0 : index
    %get3A_1 = vector.load %arg0[%get3A, %get3A_0] : memref<10000x128xf32, #tpu.memory_space<vmem>>, vector<10000x128xf32>
    %get3A_2 = arith.constant 0 : index
    %get3A_3 = arith.constant 0 : index
    %get3A_4 = vector.load %arg1[%get3A_2, %get3A_3] : memref<128x256xf32, #tpu.memory_space<vmem>>, vector<128x256xf32>
    %dot_general3A = arith.constant dense<0.000000e+00> : vector<10000x256xf32>
    %dot_general3A_5 = tpu.matmul %get3A_1, %get3A_4, %dot_general3A {dimension_numbers = #tpu.dot_dimension_numbers<[1], [0], [0], [1], [0, 0, 1, 1], [], []>, transpose_lhs_hint = false} : vector<10000x128xf32>, vector<128x256xf32>, vector<10000x256xf32> -> vector<10000x256xf32>
    %slice3A = vector.extract_strided_slice %dot_general3A_5 {offsets = [0, 0], sizes = [10000, 128], strides = [1, 1]} : vector<10000x256xf32> to vector<10000x128xf32>
    %slice3A_6 = vector.extract_strided_slice %slice3A {offsets = [0, 0], sizes = [10000, 64], strides = [1, 1]} : vector<10000x128xf32> to vector<10000x64xf32>
    %convert_element_type3A = arith.truncf %slice3A_6 : vector<10000x64xf32> to vector<10000x64xbf16>
    %convert_element_type3A_7 = arith.extf %convert_element_type3A : vector<10000x64xbf16> to vector<10000x64xf32>
    %slice3A_8 = vector.extract_strided_slice %slice3A {offsets = [0, 64], sizes = [10000, 64], strides = [1, 1]} : vector<10000x128xf32> to vector<10000x64xf32>
    %convert_element_type3A_9 = arith.truncf %slice3A_8 : vector<10000x64xf32> to vector<10000x64xbf16>
    %convert_element_type3A_10 = arith.extf %convert_element_type3A_9 : vector<10000x64xbf16> to vector<10000x64xf32>
    %bitcast_convert_type3A = tpu.bitcast %convert_element_type3A_7 : vector<10000x64xf32> -> vector<10000x64xi32>
    %shift_right_logical3A = arith.constant 16 : i32
    %shift_right_logical3A_11 = vector.broadcast %shift_right_logical3A : i32 to vector<10000x64xi32>
    %shift_right_logical3A_12 = arith.shrui %bitcast_convert_type3A, %shift_right_logical3A_11 : vector<10000x64xi32>
    %bitcast_convert_type3A_13 = tpu.bitcast %convert_element_type3A_10 : vector<10000x64xf32> -> vector<10000x64xi32>
    %and3A = arith.constant -65536 : i32
    %and3A_14 = vector.broadcast %and3A : i32 to vector<10000x64xi32>
    %and3A_15 = arith.andi %bitcast_convert_type3A_13, %and3A_14 : vector<10000x64xi32>
    %or3A = arith.ori %shift_right_logical3A_12, %and3A_15 : vector<10000x64xi32>
    %bitcast_convert_type3A_16 = tpu.bitcast %or3A : vector<10000x64xi32> -> vector<10000x64xf32>
    %swap3A = arith.constant 0 : index
    %swap3A_17 = arith.constant 0 : index
    %swap3A_18 = vector.load %arg2[%swap3A, %swap3A_17] : memref<10000x64xf32, #tpu.memory_space<vmem>>, vector<10000x64xf32>
    tpu.vector_store %arg2[%swap3A, %swap3A_17], %bitcast_convert_type3A_16 {strides = array<i32>} : memref<10000x64xf32, #tpu.memory_space<vmem>>, vector<10000x64xf32>,
    %slice3A_19 = vector.extract_strided_slice %dot_general3A_5 {offsets = [0, 128], sizes = [10000, 128], strides = [1, 1]} : vector<10000x256xf32> to vector<10000x128xf32>
    %slice3A_20 = vector.extract_strided_slice %slice3A_19 {offsets = [0, 0], sizes = [10000, 64], strides = [1, 1]} : vector<10000x128xf32> to vector<10000x64xf32>
    %convert_element_type3A_21 = arith.truncf %slice3A_20 : vector<10000x64xf32> to vector<10000x64xbf16>
    %convert_element_type3A_22 = arith.extf %convert_element_type3A_21 : vector<10000x64xbf16> to vector<10000x64xf32>
    %slice3A_23 = vector.extract_strided_slice %slice3A_19 {offsets = [0, 64], sizes = [10000, 64], strides = [1, 1]} : vector<10000x128xf32> to vector<10000x64xf32>
    %convert_element_type3A_24 = arith.truncf %slice3A_23 : vector<10000x64xf32> to vector<10000x64xbf16>
    %convert_element_type3A_25 = arith.extf %convert_element_type3A_24 : vector<10000x64xbf16> to vector<10000x64xf32>
    %bitcast_convert_type3A_26 = tpu.bitcast %convert_element_type3A_22 : vector<10000x64xf32> -> vector<10000x64xi32>
    %shift_right_logical3A_27 = arith.constant 16 : i32
    %shift_right_logical3A_28 = vector.broadcast %shift_right_logical3A_27 : i32 to vector<10000x64xi32>
    %shift_right_logical3A_29 = arith.shrui %bitcast_convert_type3A_26, %shift_right_logical3A_28 : vector<10000x64xi32>
    %bitcast_convert_type3A_30 = tpu.bitcast %convert_element_type3A_25 : vector<10000x64xf32> -> vector<10000x64xi32>
    %and3A_31 = arith.constant -65536 : i32
    %and3A_32 = vector.broadcast %and3A_31 : i32 to vector<10000x64xi32>
    %and3A_33 = arith.andi %bitcast_convert_type3A_30, %and3A_32 : vector<10000x64xi32>
    %or3A_34 = arith.ori %shift_right_logical3A_29, %and3A_33 : vector<10000x64xi32>
    %bitcast_convert_type3A_35 = tpu.bitcast %or3A_34 : vector<10000x64xi32> -> vector<10000x64xf32>
    %swap3A_36 = arith.constant 0 : index
    %swap3A_37 = arith.constant 0 : index
    %swap3A_38 = vector.load %arg3[%swap3A_36, %swap3A_37] : memref<10000x64xf32, #tpu.memory_space<vmem>>, vector<10000x64xf32>
    tpu.vector_store %arg3[%swap3A_36, %swap3A_37], %bitcast_convert_type3A_35 {strides = array<i32>} : memref<10000x64xf32, #tpu.memory_space<vmem>>, vector<10000x64xf32>,
    return
  }
}

module attributes {stable_mosaic.version = 14 : i64} {
  func.func @_edge_proj_body(%arg0: i32, %arg1: memref<10000x16xf32, #tpu.memory_space<vmem>>, %arg2: memref<16x128xf32, #tpu.memory_space<vmem>>, %arg3: memref<1x128xf32, #tpu.memory_space<vmem>>, %arg4: memref<10000x64xf32, #tpu.memory_space<vmem>>) attributes {dimension_semantics = [#tpu.dimension_semantics<arbitrary>], iteration_bounds = array<i64: 32>, scalar_prefetch = 0 : i64, scratch_operands = 0 : i64, tpu.core_type = #tpu.core_type<tc>, window_params = [{transform_indices = @transform_0, window_bounds = array<i64: 10000, 16>}, {pipeline_mode = #tpu.pipeline_mode<synchronous>, transform_indices = @transform_1, window_bounds = array<i64: 16, 128>}, {pipeline_mode = #tpu.pipeline_mode<synchronous>, transform_indices = @transform_2, window_bounds = array<i64: 1, 128>}, {transform_indices = @transform_3, window_bounds = array<i64: 10000, 64>}]} {
    %get3A = arith.constant 0 : index
    %get3A_0 = arith.constant 0 : index
    %get3A_1 = vector.load %arg1[%get3A, %get3A_0] : memref<10000x16xf32, #tpu.memory_space<vmem>>, vector<10000x16xf32>
    %get3A_2 = arith.constant 0 : index
    %get3A_3 = arith.constant 0 : index
    %get3A_4 = vector.load %arg2[%get3A_2, %get3A_3] : memref<16x128xf32, #tpu.memory_space<vmem>>, vector<16x128xf32>
    %dot_general3A = arith.constant dense<0.000000e+00> : vector<10000x128xf32>
    %dot_general3A_5 = tpu.matmul %get3A_1, %get3A_4, %dot_general3A {dimension_numbers = #tpu.dot_dimension_numbers<[1], [0], [0], [1], [0, 0, 1, 1], [], []>, transpose_lhs_hint = false} : vector<10000x16xf32>, vector<16x128xf32>, vector<10000x128xf32> -> vector<10000x128xf32>
    %get3A_6 = arith.constant 0 : index
    %get3A_7 = arith.constant 0 : index
    %get3A_8 = vector.load %arg3[%get3A_6, %get3A_7] : memref<1x128xf32, #tpu.memory_space<vmem>>, vector<1x128xf32>
    %add3A = vector.broadcast %get3A_8 : vector<1x128xf32> to vector<10000x128xf32>
    %add3A_9 = arith.addf %dot_general3A_5, %add3A : vector<10000x128xf32>
    %slice3A = vector.extract_strided_slice %add3A_9 {offsets = [0, 0], sizes = [10000, 64], strides = [1, 1]} : vector<10000x128xf32> to vector<10000x64xf32>
    %convert_element_type3A = arith.truncf %slice3A : vector<10000x64xf32> to vector<10000x64xbf16>
    %convert_element_type3A_10 = arith.extf %convert_element_type3A : vector<10000x64xbf16> to vector<10000x64xf32>
    %slice3A_11 = vector.extract_strided_slice %add3A_9 {offsets = [0, 64], sizes = [10000, 64], strides = [1, 1]} : vector<10000x128xf32> to vector<10000x64xf32>
    %convert_element_type3A_12 = arith.truncf %slice3A_11 : vector<10000x64xf32> to vector<10000x64xbf16>
    %convert_element_type3A_13 = arith.extf %convert_element_type3A_12 : vector<10000x64xbf16> to vector<10000x64xf32>
    %bitcast_convert_type3A = tpu.bitcast %convert_element_type3A_10 : vector<10000x64xf32> -> vector<10000x64xi32>
    %shift_right_logical3A = arith.constant 16 : i32
    %shift_right_logical3A_14 = vector.broadcast %shift_right_logical3A : i32 to vector<10000x64xi32>
    %shift_right_logical3A_15 = arith.shrui %bitcast_convert_type3A, %shift_right_logical3A_14 : vector<10000x64xi32>
    %bitcast_convert_type3A_16 = tpu.bitcast %convert_element_type3A_13 : vector<10000x64xf32> -> vector<10000x64xi32>
    %and3A = arith.constant -65536 : i32
    %and3A_17 = vector.broadcast %and3A : i32 to vector<10000x64xi32>
    %and3A_18 = arith.andi %bitcast_convert_type3A_16, %and3A_17 : vector<10000x64xi32>
    %or3A = arith.ori %shift_right_logical3A_15, %and3A_18 : vector<10000x64xi32>
    %bitcast_convert_type3A_19 = tpu.bitcast %or3A : vector<10000x64xi32> -> vector<10000x64xf32>
    %swap3A = arith.constant 0 : index
    %swap3A_20 = arith.constant 0 : index
    %swap3A_21 = vector.load %arg4[%swap3A, %swap3A_20] : memref<10000x64xf32, #tpu.memory_space<vmem>>, vector<10000x64xf32>
    tpu.vector_store %arg4[%swap3A, %swap3A_20], %bitcast_convert_type3A_19 {strides = array<i32>} : memref<10000x64xf32, #tpu.memory_space<vmem>>, vector<10000x64xf32>,
    return
  }
  func.func @transform_0(%arg0: i32) -> (i32, i32) {
    %c0_i32 = arith.constant 0 : i32
    %c0_i32_0 = arith.constant 0 : i32
    return %arg0, %c0_i32 : i32, i32
  }
  func.func @transform_1(%arg0: i32) -> (i32, i32) {
    %c0_i32 = arith.constant 0 : i32
    %c0_i32_0 = arith.constant 0 : i32
    %c0_i32_1 = arith.constant 0 : i32
    return %c0_i32, %c0_i32_0 : i32, i32
  }
  func.func @transform_2(%arg0: i32) -> (i32, i32) {
    %c0_i32 = arith.constant 0 : i32
    %c0_i32_0 = arith.constant 0 : i32
    %c0_i32_1 = arith.constant 0 : i32
    return %c0_i32, %c0_i32_0 : i32, i32
  }
  func.func @transform_3(%arg0: i32) -> (i32, i32) {
    %c0_i32 = arith.constant 0 : i32
    %c0_i32_0 = arith.constant 0 : i32
    return %arg0, %c0_i32 : i32, i32
  }
}

module attributes {stable_mosaic.version = 14 : i64} {
  func.func @_stats_body(%arg0: memref<32x2x128xf32, #tpu.memory_space<vmem>>, %arg1: memref<1x128xf32, #tpu.memory_space<vmem>>, %arg2: memref<1x128xf32, #tpu.memory_space<vmem>>, %arg3: memref<2x128xf32, #tpu.memory_space<vmem>>) attributes {dimension_semantics = [], scalar_prefetch = 0 : i64, scratch_operands = 0 : i64, tpu.core_type = #tpu.core_type<tc>} {
    %get3A = arith.constant 0 : index
    %get3A_0 = arith.constant 0 : index
    %get3A_1 = arith.constant 0 : index
    %get3A_2 = vector.load %arg0[%get3A, %get3A_0, %get3A_1] : memref<32x2x128xf32, #tpu.memory_space<vmem>>, vector<32x2x128xf32>
    %reduce_sum3A = arith.constant dense<0.000000e+00> : vector<2x128xf32>
    %reduce_sum3A_3 = vector.multi_reduction <add>, %get3A_2, %reduce_sum3A [0] : vector<32x2x128xf32> to vector<2x128xf32>
    %slice3A = vector.extract_strided_slice %reduce_sum3A_3 {offsets = [0, 0], sizes = [1, 128], strides = [1, 1]} : vector<2x128xf32> to vector<1x128xf32>
    %mul3A = arith.constant 3.125000e-06 : f32
    %mul3A_4 = vector.broadcast %mul3A : f32 to vector<1x128xf32>
    %mul3A_5 = arith.mulf %slice3A, %mul3A_4 : vector<1x128xf32>
    %slice3A_6 = vector.extract_strided_slice %reduce_sum3A_3 {offsets = [1, 0], sizes = [1, 128], strides = [1, 1]} : vector<2x128xf32> to vector<1x128xf32>
    %mul3A_7 = arith.constant 3.125000e-06 : f32
    %mul3A_8 = vector.broadcast %mul3A_7 : f32 to vector<1x128xf32>
    %mul3A_9 = arith.mulf %slice3A_6, %mul3A_8 : vector<1x128xf32>
    %mul3A_10 = arith.mulf %mul3A_5, %mul3A_5 : vector<1x128xf32>
    %sub3A = arith.subf %mul3A_9, %mul3A_10 : vector<1x128xf32>
    %add3A = arith.constant 9.99999974E-6 : f32
    %add3A_11 = vector.broadcast %add3A : f32 to vector<1x128xf32>
    %add3A_12 = arith.addf %sub3A, %add3A_11 : vector<1x128xf32>
    %rsqrt3A = math.rsqrt %add3A_12 : vector<1x128xf32>
    %get3A_13 = arith.constant 0 : index
    %get3A_14 = arith.constant 0 : index
    %get3A_15 = vector.load %arg1[%get3A_13, %get3A_14] : memref<1x128xf32, #tpu.memory_space<vmem>>, vector<1x128xf32>
    %mul3A_16 = arith.mulf %get3A_15, %rsqrt3A : vector<1x128xf32>
    %get3A_17 = arith.constant 0 : index
    %get3A_18 = arith.constant 0 : index
    %get3A_19 = vector.load %arg2[%get3A_17, %get3A_18] : memref<1x128xf32, #tpu.memory_space<vmem>>, vector<1x128xf32>
    %mul3A_20 = arith.mulf %mul3A_5, %mul3A_16 : vector<1x128xf32>
    %sub3A_21 = arith.subf %get3A_19, %mul3A_20 : vector<1x128xf32>
    %concatenate3A = tpu.concatenate %mul3A_16, %sub3A_21 in 0 : vector<1x128xf32>, vector<1x128xf32> -> vector<2x128xf32>
    %swap3A = arith.constant 0 : index
    %swap3A_22 = arith.constant 0 : index
    %swap3A_23 = vector.load %arg3[%swap3A, %swap3A_22] : memref<2x128xf32, #tpu.memory_space<vmem>>, vector<2x128xf32>
    tpu.vector_store %arg3[%swap3A, %swap3A_22], %concatenate3A {strides = array<i32>} : memref<2x128xf32, #tpu.memory_space<vmem>>, vector<2x128xf32>,
    return
  }
}

module attributes {stable_mosaic.version = 14 : i64} {
  func.func @_final_body(%arg0: memref<2x10000x128xf32, #tpu.memory_space<vmem>>, %arg1: memref<32x10000xf32, #tpu.memory_space<vmem>>, %arg2: memref<10000x128xf32, #tpu.memory_space<vmem>>, %arg3: memref<128x128xf32, #tpu.memory_space<vmem>>, %arg4: memref<1x128xf32, #tpu.memory_space<vmem>>, %arg5: memref<10000x128xf32, #tpu.memory_space<vmem>>) attributes {dimension_semantics = [], scalar_prefetch = 0 : i64, scratch_operands = 0 : i64, tpu.core_type = #tpu.core_type<tc>} {
    %get3A = arith.constant 0 : index
    %get3A_0 = arith.constant 0 : index
    %get3A_1 = arith.constant 0 : index
    %get3A_2 = vector.load %arg0[%get3A, %get3A_0, %get3A_1] : memref<2x10000x128xf32, #tpu.memory_space<vmem>>, vector<1x10000x128xf32>
    %get3A_3 = vector.shape_cast %get3A_2 : vector<1x10000x128xf32> to vector<10000x128xf32>
    %get3A_4 = arith.constant 1 : index
    %get3A_5 = arith.constant 0 : index
    %get3A_6 = arith.constant 0 : index
    %get3A_7 = vector.load %arg0[%get3A_4, %get3A_5, %get3A_6] : memref<2x10000x128xf32, #tpu.memory_space<vmem>>, vector<1x10000x128xf32>
    %get3A_8 = vector.shape_cast %get3A_7 : vector<1x10000x128xf32> to vector<10000x128xf32>
    %add3A = arith.addf %get3A_3, %get3A_8 : vector<10000x128xf32>
    %get3A_9 = arith.constant 0 : index
    %get3A_10 = arith.constant 0 : index
    %get3A_11 = vector.load %arg1[%get3A_9, %get3A_10] : memref<32x10000xf32, #tpu.memory_space<vmem>>, vector<32x10000xf32>
    %reduce_sum3A = arith.constant dense<0.000000e+00> : vector<10000xf32>
    %reduce_sum3A_12 = vector.multi_reduction <add>, %get3A_11, %reduce_sum3A [0] : vector<32x10000xf32> to vector<10000xf32>
    %broadcast_in_dim3A = vector.shape_cast %reduce_sum3A_12 : vector<10000xf32> to vector<10000x1xf32>
    %get3A_13 = arith.constant 0 : index
    %get3A_14 = arith.constant 0 : index
    %get3A_15 = vector.load %arg3[%get3A_13, %get3A_14] : memref<128x128xf32, #tpu.memory_space<vmem>>, vector<128x128xf32>
    %dot_general3A = arith.constant dense<0.000000e+00> : vector<10000x128xf32>
    %dot_general3A_16 = tpu.matmul %add3A, %get3A_15, %dot_general3A {dimension_numbers = #tpu.dot_dimension_numbers<[1], [0], [0], [1], [0, 0, 1, 1], [], []>, transpose_lhs_hint = false} : vector<10000x128xf32>, vector<128x128xf32>, vector<10000x128xf32> -> vector<10000x128xf32>
    %get3A_17 = arith.constant 0 : index
    %get3A_18 = arith.constant 0 : index
    %get3A_19 = vector.load %arg4[%get3A_17, %get3A_18] : memref<1x128xf32, #tpu.memory_space<vmem>>, vector<1x128xf32>
    %mul3A = vector.broadcast %broadcast_in_dim3A : vector<10000x1xf32> to vector<10000x128xf32>
    %mul3A_20 = vector.broadcast %get3A_19 : vector<1x128xf32> to vector<10000x128xf32>
    %mul3A_21 = arith.mulf %mul3A, %mul3A_20 : vector<10000x128xf32>
    %add3A_22 = arith.addf %dot_general3A_16, %mul3A_21 : vector<10000x128xf32>
    %add3A_23 = arith.constant 1.000000e+00 : f32
    %add3A_24 = vector.broadcast %add3A_23 : f32 to vector<10000x1xf32>
    %add3A_25 = arith.addf %broadcast_in_dim3A, %add3A_24 : vector<10000x1xf32>
    %div3A = vector.broadcast %add3A_25 : vector<10000x1xf32> to vector<10000x128xf32>
    %div3A_26 = arith.divf %add3A_22, %div3A : vector<10000x128xf32>
    %get3A_27 = arith.constant 0 : index
    %get3A_28 = arith.constant 0 : index
    %get3A_29 = vector.load %arg2[%get3A_27, %get3A_28] : memref<10000x128xf32, #tpu.memory_space<vmem>>, vector<10000x128xf32>
    %add3A_30 = arith.addf %div3A_26, %get3A_29 : vector<10000x128xf32>
    %swap3A = arith.constant 0 : index
    %swap3A_31 = arith.constant 0 : index
    %swap3A_32 = vector.load %arg5[%swap3A, %swap3A_31] : memref<10000x128xf32, #tpu.memory_space<vmem>>, vector<10000x128xf32>
    tpu.vector_store %arg5[%swap3A, %swap3A_31], %add3A_30 {strides = array<i32>} : memref<10000x128xf32, #tpu.memory_space<vmem>>, vector<10000x128xf32>,
    return
  }
}

</mosaic_0001>

<sc_bundles>
// kernel: kernel.11.cloned.1.call-start
scs
__scs_entry_jumppad:
0x0: {  	(pc) =	sbr.rel $0x88, $3  }
0x1: {  	(tag) =	ssettag $0x0;
	lr =	simm.s32 $0x1  }
0x2: {  	[smem:$0x3F98] =	sst lr;
	_ =	strace $0xD0000000  }
0x3: {  	_ = 	snop  }
0x4: {  	_ = 	snop  }
0x5: {  	_ = 	snop  }
0x6: {  	_ = 	snop  }
0x7: {  	_ = 	snop  }
__scs_overlays_trampoline_lowered:
0x8: {  	[smem:$0x3FA7] =	sst s0  }
0x9: {  	[smem:$0x3FA8] =	sst s1  }
0xa: {  	[smem:$0x3FA9] =	sst s2  }
0xb: {  	[smem:$0x3FAA] =	sst s3  }
0xc: {  	[smem:$0x3FAB] =	sst s4  }
0xd: {  	[smem:$0x3FAC] =	sst s5  }
0xe: {  	[smem:$0x3FAD] =	sst s6  }
0xf: {  	[smem:$0x3FAE] =	sst s7  }
0x10: {  	[smem:$0x3FAF] =	sst s8  }
0x11: {  	[smem:$0x3FB0] =	sst s9;
	s0 =	simm.s32 @!p0 $0x0  }
0x12: {  	s1 =	sld [smem:$0x3F96];
	s0 =	simm.s32 @p0 $0x1  }
0x13: {  	[smem:$0x3FB1] =	sst s0;
	s0 =	simm.s32 @!p1 $0x0  }
0x14: {  	s2 =	sld [smem:$0x3F95];
	s0 =	simm.s32 @p1 $0x1  }
0x15: {  	[smem:$0x3FB2] =	sst s0;
	s0 =	simm.s32 @!p2 $0x0  }
0x16: {  	s3 =	sld [smem:$0x3FDB];
	s0 =	simm.s32 @p2 $0x1  }
0x17: {  	s4 =	simm.s32 $0x1BF5;
	[smem:$0x3FB4] =	sst s0  }
0x18: {  	s0 =	sld [smem:$0x3F97];
	_ =	swait.ge [sflag:s4], $0x0  }
0x19: {  	s7 =	sld [smem:$0x3F98]  }
0x1a: {  	s8 =	sadd.s32 $0xFFFFE003, lr  }
0x1b: {  	s9 =	sadd.s32 $0xFFFFFEF7, lr;
	s5 =	simm.s32 $0xFFFFFFFF;
	p2 =	slt.u32 s8, $0xFFFFF086  }
0x1c: {  	p1 =	slt.u32 s9, $0xF7A;
	s5 =	simm.s32 @!p2 $0x0  }
0x1d: {  	s5 =	simm.s32 @p1 $0x1;
	p0 =	seq.s32 s7, s2  }
0x1e: {  	s7 =	smul.u32 @!p0 $0xF7A, s2;
	p2 =	seq.s32 @!p0 s5, $0x0  }
0x1f: {  	s9 =	smul.u32 $0xF7A, s1;
	s8 =	simm.s32 @!p0 $0x1BF5;
	p2 =	por !p2, p0  }
0x20: {  	[sflag:s8] =	ssyncset.s32 @!p0 $0xFFFFF086;
	s6 =	sadd.s32 @!p0 s3, s7;
	s7 =	simm.s32 @!p0 $0x108  }
0x21: {  	s3 =	sadd.s32 s3, s9;
	s6 =	sadd.s32 @!p0 $0x88, s6;
	s7 =	simm.s32 @p2 $0x1082  }
0x22: {  	[simem:s7], [sflag:s8] =	dma.local @!p0 [hbm:s6], $0xF7A  }
0x23: {  	s9 =	sor.u32 $0xD0000000, s2;
	s6 =	simm.s32 $0x108;
	_ =	swait.ge @!p0 [sflag:s8], $0x0  }
0x24: {  	s3 =	sadd.s32 $0x88, s3;
	s6 =	simm.s32 @!p1 $0x1082;
	[sflag:s4] =	ssyncset.s32 $0xFFFFF086  }
0x25: {  	[simem:s6], [sflag:s4] =	dma.local [hbm:s3], $0xF7A  }
0x26: {  	[smem:$0x3F98] =	sst s1;
	(tag) =	ssettag s2;
	_ =	strace s9  }
0x27: {  	s1 =	sld [smem:$0x3FA8]  }
0x28: {  	s2 =	sld [smem:$0x3FA9]  }
0x29: {  	s4 =	sld [smem:$0x3FAB]  }
0x2a: {  	p0 =	seq.s32 s5, $0x0;
	s5 =	sld [smem:$0x3FAC]  }
0x2b: {  	s6 =	sld [smem:$0x3FAD]  }
0x2c: {  	s7 =	sld [smem:$0x3FAE]  }
0x2d: {  	s3 =	simm.s32 $0x108;
	s8 =	sld [smem:$0x3FAF]  }
0x2e: {  	s3 =	simm.s32 @!p0 $0x1082;
	s9 =	sld [smem:$0x3FB0]  }
0x2f: {  	lr =	sadd.s32 s0, s3;
	s0 =	sld [smem:$0x3FA7]  }
0x30: {  	s3 =	sld [smem:$0x3FAA]  }
0x31: {  	[smem:$0x3FB3] =	sst s10  }
0x32: {  	s10 =	sld [smem:$0x3FB1];
	_ =	sdelay $0x3  }
0x33: {  	p0 =	seq.s32 s10, $0x1;
	s10 =	sld [smem:$0x3FB3];
	_ =	sdelay $0x3  }
0x34: {  	[smem:$0x3FB3] =	sst s10  }
0x35: {  	s10 =	sld [smem:$0x3FB2];
	_ =	sdelay $0x3  }
0x36: {  	p1 =	seq.s32 s10, $0x1;
	s10 =	sld [smem:$0x3FB3];
	_ =	sdelay $0x3  }
0x37: {  	[smem:$0x3FB3] =	sst s10  }
0x38: {  	s10 =	sld [smem:$0x3FB4]  }
0x39: {  	_ = 	snop;
	(pc) =	sbr.ind lr, $3  }
0x3a: {  	_ = 	snop  }
0x3b: {  	_ = 	snop  }
0x3c: {  	p2 =	seq.s32 s10, $0x1;
	s10 =	sld [smem:$0x3FB3]  }
0x3d: {  	_ =	shalt  }
0x3e: {  	_ =	shalt  }
0x3f: {  	_ =	shalt  }
0x40: {  	_ =	shalt  }
0x41: {  	_ =	shalt  }
0x42: {  	_ =	shalt  }
0x43: {  	_ =	shalt  }
0x44: {  	_ =	shalt  }
0x45: {  	_ =	shalt  }
0x46: {  	_ =	shalt  }
0x47: {  	_ =	shalt  }
0x48: {  	_ =	shalt  }
0x49: {  	_ =	shalt  }
0x4a: {  	_ =	shalt  }
0x4b: {  	_ =	shalt  }
0x4c: {  	_ =	shalt  }
0x4d: {  	_ =	shalt  }
0x4e: {  	_ =	shalt  }
0x4f: {  	_ =	shalt  }
0x50: {  	_ =	shalt  }
0x51: {  	_ =	shalt  }
0x52: {  	_ =	shalt  }
0x53: {  	_ =	shalt  }
0x54: {  	_ =	shalt  }
0x55: {  	_ =	shalt  }
0x56: {  	_ =	shalt  }
0x57: {  	_ =	shalt  }
0x58: {  	_ =	shalt  }
0x59: {  	_ =	shalt  }
0x5a: {  	_ =	shalt  }
0x5b: {  	_ =	shalt  }
0x5c: {  	_ =	shalt  }
0x5d: {  	_ =	shalt  }
0x5e: {  	_ =	shalt  }
0x5f: {  	_ =	shalt  }
0x60: {  	_ =	shalt  }
0x61: {  	_ =	shalt  }
0x62: {  	_ =	shalt  }
0x63: {  	_ =	shalt  }
0x64: {  	_ =	shalt  }
0x65: {  	_ =	shalt  }
0x66: {  	_ =	shalt  }
0x67: {  	_ =	shalt  }
0x68: {  	_ =	shalt  }
0x69: {  	_ =	shalt  }
0x6a: {  	_ =	shalt  }
0x6b: {  	_ =	shalt  }
0x6c: {  	_ =	shalt  }
0x6d: {  	_ =	shalt  }
0x6e: {  	_ =	shalt  }
0x6f: {  	_ =	shalt  }
0x70: {  	_ =	shalt  }
0x71: {  	_ =	shalt  }
0x72: {  	_ =	shalt  }
0x73: {  	_ =	shalt  }
0x74: {  	_ =	shalt  }
0x75: {  	_ =	shalt  }
0x76: {  	_ =	shalt  }
0x77: {  	_ =	shalt  }
0x78: {  	_ =	shalt  }
0x79: {  	_ =	shalt  }
0x7a: {  	_ =	shalt  }
0x7b: {  	_ =	shalt  }
0x7c: {  	_ =	shalt  }
0x7d: {  	_ =	shalt  }
0x7e: {  	_ =	shalt  }
0x7f: {  	_ =	shalt  }
0x80: {  	_ =	shalt  }
0x81: {  	_ =	shalt  }
0x82: {  	_ =	shalt  }
0x83: {  	_ =	shalt  }
0x84: {  	_ =	shalt  }
0x85: {  	_ =	shalt  }
0x86: {  	_ =	shalt  }
0x87: {  	_ =	shalt  }
.Lfunc_end0:
.L_simem_size_0:
called_computation.1_lowered:
.L_overlay_start_0:
0x88: {  	s2 =	sld [smem:$0x3FD9]  }
0x89: {  	s3 =	sld [smem:$0x3FFE];
	_ =	sdelay $0x1  }
0x8a: {  	s1 =	srdreg.scid  }
0x8b: {  	s0 =	sand.u32 $0x1, s1  }
0x8c: {  	s17 =	sshll.u32 s0, $0xA;
	s2 =	sadd.s32 s3, s2  }
0x8d: {  	s2 =	sadd.s32 s2, s17  }
0x8e: {  	[smem:$0x3FBF] =	sst s2  }
0x8f: {  	_ = 	snop  }
0x90: {  	s2 =	sld [smem:$0x3FD0];
	(tm) =	ssettm $0x1  }
0x91: {  	s18 =	sld [smem:$0x3FFB];
	_ =	sdelay $0x3  }
0x92: {  	_ =	strace s18  }
0x93: {  	s3 =	sld [smem:$0x3FFC];
	_ =	sdelay $0x3  }
0x94: {  	_ =	strace s3  }
0x95: {  	s3 =	sld [smem:$0x3FFD];
	_ =	sdelay $0x3  }
0x96: {  	_ =	strace s3  }
0x97: {  	_ =	strace $0x8FFFFFFF  }
0x98: {  	s19 =	sld [smem:$0x3FDB];
	_ =	sdelay $0x1  }
0x99: {  	s4 =	simm.s32 $_scs_section_size  }
0x9a: {  	s5 =	simm.s32 $_size__tile_overlayer_lowered;
	s6 =	simm.s32 $_tile_overlayer_lowered  }
0x9b: {  	s22 =	simm.s32 $0x1BFF;
	s21 =	sshll.u32 s6, $0x1;
	s3 =	sadd.s32 s4, s19  }
0x9c: {  	s7 =	simm.s32 $0x0;
	s20 =	sshll.u32 s5, $0x1;
	s5 =	sadd.s32 s21, s3  }
0x9d: {  	[timem:s7], [sflag:s22] =	dma.local [hbm:s5], s20  }
0x9e: {  	_ =	swait.ge [sflag:s22], s20  }
0x9f: {  	s4 =	ssub.s32 $0x0, s20;
	[sflag:s22] =	ssyncset.done $0x0  }
0xa0: {  	[sflag:s22] =	ssyncadd.s32 s4;
	_ =	sdelay $0x1  }
0xa1: {  	s23 =	simm.s32 $0x1B8B  }
0xa2: {  	_ =	swait.ge [sflag:s23], $0x1  }
0xa3: {  	[sflag:s23] =	ssyncset.done $0x0  }
0xa4: {  	s25 =	simm.s32 $0x1B8E;
	s24 =	sld [smem:$0x3FFE];
	[sflag:s23] =	ssyncadd.s32 $0xFFFFFFFF  }
0xa5: {  	s26 =	simm.s32 $execute0_lowered;
	[smem:$0x3FD2] =	sst s25  }
0xa6: {  	s5 =	sshll.u32 s26, $0x1;
	_ =	strace $0x80000049;
	[dreg:$0x1] =	wrdreg $0xFFFFFFFF  }
0xa7: {  	s28 =	simm.s32 $_size_execute0_lowered;
	s3 =	sadd.s32 s3, s5;
	[dreg:$0x0] =	wrdreg $0x0  }
0xa8: {  	s5 =	sshll.u32 s28, $0x1;
	[dreg:$0x2] =	wrdreg s3  }
0xa9: {  	[dreg:$0x3] =	wrdreg s5  }
0xaa: {  	[dreg:$0x4] =	wrdreg $0xC0  }
0xab: {  	_ =	task [dreg:s7], $0x5FFFF  }
0xac: {  	[dreg:$0x1] =	wrdreg $0xFFFFFFFF  }
0xad: {  	[dreg:$0x0] =	wrdreg $0x60  }
0xae: {  	[dreg:$0x2] =	wrdreg s24  }
0xaf: {  	[dreg:$0x3] =	wrdreg s2  }
0xb0: {  	[dreg:$0x4] =	wrdreg $0x78100  }
0xb1: {  	[dreg:$0x5] =	wrdreg $0x9  }
0xb2: {  	_ =	task.clear_ibuf [dreg:s7], $0x6FFFF;
	_ =	strace $0x90000049  }
0xb3: {  	s29 =	simm.s32 $0x9;
	_ =	strace $0x8000004B  }
0xb4: {  	_ =	swait.ge [sflag:s29], $0x1  }
0xb5: {  	[sflag:s29] =	ssyncadd.s32 $0xFFFFFFFF  }
0xb6: {  	_ =	strace $0x9000004B  }
0xb7: {  	_ =	sfence  }
0xb8: {  	s30 =	sld [smem:$0x0];
	_ =	sdelay $0x2  }
0xb9: {  	s31 =	sshll.u32 s1, $0xD;
	s1 =	sshrl.u32 s1, $0x2  }
0xba: {  	s3 =	sand.u32 $0x4000, s31;
	s1 =	sadd.s32 s1, s30  }
0xbb: {  	s0 =	sor.u32 s3, s0;
	s1 =	sshll.u32 s1, $0x11  }
0xbc: {  	s0 =	sor.u32 s1, s0  }
0xbd: {  	s0 =	sadd.s32 $0x8F2B, s0  }
0xbe: {  	[sflag:s0] =	ssyncadd.remote.s32 $0x1  }
0xbf: {  	_ =	sfence.sel $0xFFFF  }
0xc0: {  	[dreg:$0x0] =	wrdreg $0xFFFFFFFF;
	(pc) =	sbr.abs _section_cstart, $3  }
0xc1: {  	[dreg:$0x1] =	wrdreg $0xFFFFFFFF  }
0xc2: {  	_ =	task.clear_ibuf [dreg:s7], $0x2FFFF;
	_ =	strace $0x9FFFFFFF  }
0xc3: {  	(tm) =	ssettm $0x7FFFFFFF  }
tec
execute0_lowered:
.L_overlay_start_1:
0x0: {  	(tag) =	ssettag $0x1  }
0x1: {  	s0 =	rddreg [dreg:$0x0];
	s1 =	srdreg.scid  }
0x2: {  	s14 =	stileid.u32;
	s2 =	rddreg [dreg:$0x1]  }
0x3: {  	s3 =	rddreg [dreg:$0x2];
	s13 =	simm.s32 $0x3;
	s16 =	simm.s32 $0x2710  }
0x4: {  	s17 =	simm.s32 $0x1;
	s18 =	simm.s32 $0x3B10;
	s19 =	simm.s32 $0x50  }
0x5: {  	s20 =	simm.s32 $0x4F10;
	s21 =	simm.s32 $0x2;
	s22 =	simm.s32 $0x26C0  }
0x6: {  	s25 =	simm.s32 $0x0;
	s1 =	sand.u32 $0x1, s1;
	s11 =	smul.u32 $0x7D000, s14  }
0x7: {  	s4 =	sshll.u32 s14, $0x1;
	s6 =	sadd.s32 $0x2A5000, s0;
	s31 =	smul.u32 $0x1F400, s14  }
0x8: {  	p0 =	sgt.u32 s14, $0x9;
	s8 =	sor.u32 s1, s4;
	s10 =	smul.u32 $0x27100, s1  }
0x9: {  	s4 =	simm.s32 $0x0;
	s1 =	ssub.s32 $0x2, s1;
	s5 =	smul.u32 $0x2710, s8  }
0xa: {  	[smem:$0x7FF] =	sst s4;
	s29 =	sshrl.u32 s1, $0x1;
	s12 =	smul.u32 $0x13880, s8  }
0xb: {  	s30 =	sshrl.u32 s11, $0x2;
	s23 =	sshrl.u32 s31, $0x3;
	s24 =	sadd.s32 s31, s3  }
0xc: {  	_ =	strace $0x8000004A;
	s1 =	ssub.s32 s1, s29;
	s15 =	sadd.s32 s30, s3  }
0xd: {  	s24 =	sshrl.u32 @!p0 s24, $0x3;
	s7 =	sshrl.u32 s5, $0x3;
	s11 =	smax.u32 s1, $0x1  }
0xe: {  	s1 =	sshll.u32 @!p0 s14, $0x6;
	s15 =	sshrl.u32 @!p0 s15, $0x3;
	s9 =	sadd.s32 s7, s0  }
0xf: {  	s7 =	sadd.s32 $0x29AE00, s0;
	s0 =	sadd.s32 s10, s0;
	s10 =	sadd.s32 $0xA0, s5  }
0x10: {  	s14 =	sor.u32 @!p0 $0x1C03, s1;
	s8 =	sadd.s32 $0x291000, s9;
	s0 =	sadd.s32 $0x2800, s0  }
0x11: {  	v0 =	vimm.bf16 $0.0e+00;
	s9 =	sadd.s32 s6, s12;
	s12 =	simm.s32 $0x7710;
	s23 =	sadd.s32 @!p0 s23, s0  }
.LBB2_1:
0x12: {  	[tilespmem:s12], [sflag:$0x3] =	stream.linear.gather [hbm4b:s7+s4], $0x100, $0x38;
	[tilespmem:$0x1B090] =	vst v63  }
0x13: {  	_ =	swait.ge [sflag:s13], $0x100  }
0x14: {  	[sflag:s13] =	ssyncset.done $0x0  }
0x15: {  	[sflag:s13] =	ssyncadd.s32 $0xFFFFFF00  }
0x16: {  	[tilespmem:s4], [sflag:$0x3] =	stream.linear.gather [hbm4b:s8+s4], $0x2710, $0x38;
	[tilespmem:$0x1B090] =	vst v63  }
0x17: {  	_ =	swait.ge [sflag:s13], $0x2710  }
0x18: {  	[sflag:s13] =	ssyncset.done $0x0  }
0x19: {  	s0 =	simm.s32 @!p0 $0x3;
	[sflag:s13] =	ssyncadd.s32 $0xFFFFD8F0  }
0x1a: {  	[spmem:s15], [sflag:s14] =	dma.local @!p0 [hbm:s2], $0x3E80  }
0x1b: {  	_ =	swait.ge @!p0 [sflag:s0], $0x3E80  }
0x1c: {  	[sflag:s0] =	ssyncset.done @!p0 $0x0  }
0x1d: {  	[sflag:s0] =	ssyncadd.s32 @!p0 $0xFFFFC180  }
0x1e: {  	v1 =	vld [tilespmem:$0x7710]  }
0x1f: {  	v2 =	vld [tilespmem:$0x7720]  }
0x20: {  	v3 =	vld [tilespmem:$0x7730]  }
0x21: {  	v4 =	vld [tilespmem:$0x7740]  }
0x22: {  	v5 =	vld [tilespmem:$0x7750]  }
0x23: {  	v6 =	vld [tilespmem:$0x7760]  }
0x24: {  	v7 =	vld [tilespmem:$0x7770]  }
0x25: {  	v8 =	vld [tilespmem:$0x7780]  }
0x26: {  	v9 =	vld [tilespmem:$0x7790]  }
0x27: {  	v10 =	vld [tilespmem:$0x77A0]  }
0x28: {  	v11 =	vld [tilespmem:$0x77B0]  }
0x29: {  	v12 =	vld [tilespmem:$0x77C0]  }
0x2a: {  	v13 =	vld [tilespmem:$0x77D0]  }
0x2b: {  	v14 =	vld [tilespmem:$0x77E0]  }
0x2c: {  	v15 =	vld [tilespmem:$0x77F0]  }
0x2d: {  	v16 =	vld [tilespmem:$0x7800];
	_ =	sdelay $0x2  }
0x2e: {  	v1 =	vpack.i.f32.bf16 v2, v1;
	v2 =	vpack.i.f32.bf16 v4, v3  }
0x2f: {  	[tilespmem:s16], [sflag:$0x1] =	stream.linear.gather [hbm4b:s9+s4], $0x1400, $0x38;
	v3 =	vpack.i.f32.bf16 v6, v5;
	v4 =	vpack.i.f32.bf16 v8, v7;
	v5 =	vpack.i.f32.bf16 v10, v9;
	[tilespmem:$0x1B090] =	vst v63  }
0x30: {  	s26 =	simm.s32 $0x0;
	[bflag:$0x0] =	sbarrier.arrive $0xFFFF;
	v6 =	vpack.i.f32.bf16 v12, v11;
	v7 =	vpack.i.f32.bf16 v14, v13;
	v8 =	vpack.i.f32.bf16 v16, v15  }
.LBB2_2:
0x31: {  	s29 =	smul.u32 $0xA0, s26;
	_ =	sdelay $0x1  }
0x32: {  	s28 =	sadd.s32 $0x50, s29  }
0x33: {  	s0 =	sadd.s32 s5, s28  }
0x34: {  	_ =	swait.ge [sflag:s17], $0x1400;
	s0 =	sshll.u32 s0, $0x3  }
0x35: {  	[sflag:s17] =	ssyncset.done $0x0;
	s0 =	sand.u32 $0x1FFFFF80, s0  }
0x36: {  	s1 =	simm.s32 $0x0;
	[sflag:s17] =	ssyncadd.s32 $0xFFFFEC00;
	s0 =	sadd.s32 s6, s0  }
0x37: {  	[tilespmem:s18], [sflag:$0x2] =	stream.linear.gather [hbm4b:s0+s1], $0x1400, $0x38;
	[tilespmem:$0x1B090] =	vst v63  }
0x38: {  	s1 =	simm.s32 $0x0  }
0x39: {  	v9 =	vld [tilespmem:s1+$0x2710];
	_ =	sdelay $0x4  }
0x3a: {  	v9 =	vmul.bf16 v9, v1;
	_ =	sdelay $0x1  }
0x3b: {  	v9 =	vadd.bf16 v9, v5;
	_ =	sdelay $0x1  }
0x3c: {  	v9 =	vmax.bf16 v9, v0  }
0x3d: {  	s30 =	simm.s32 $0x4F50;
	v10 =	vunpack.i.l.bf16.f32 v9  }
0x3e: {  	v9 =	vunpack.i.u.bf16.f32 v9;
	[tilespmem:s30+$0xFFFFFFC0] =	vst v10  }
0x3f: {  	[tilespmem:s30+$0xFFFFFFD0] =	vst v9  }
0x40: {  	v9 =	vld [tilespmem:s1+$0x2720];
	_ =	sdelay $0x4  }
0x41: {  	v9 =	vmul.bf16 v9, v2;
	_ =	sdelay $0x1  }
0x42: {  	v9 =	vadd.bf16 v9, v6;
	_ =	sdelay $0x1  }
0x43: {  	v9 =	vmax.bf16 v9, v0  }
0x44: {  	v10 =	vunpack.i.l.bf16.f32 v9  }
0x45: {  	v9 =	vunpack.i.u.bf16.f32 v9;
	[tilespmem:s30+$0xFFFFFFE0] =	vst v10  }
0x46: {  	[tilespmem:s30+$0xFFFFFFF0] =	vst v9  }
0x47: {  	v9 =	vld [tilespmem:s1+$0x2730];
	_ =	sdelay $0x4  }
0x48: {  	v9 =	vmul.bf16 v9, v3;
	_ =	sdelay $0x1  }
0x49: {  	v9 =	vadd.bf16 v9, v7;
	_ =	sdelay $0x1  }
0x4a: {  	v9 =	vmax.bf16 v9, v0  }
0x4b: {  	v10 =	vunpack.i.l.bf16.f32 v9  }
0x4c: {  	v9 =	vunpack.i.u.bf16.f32 v9;
	[tilespmem:s30+$0x0] =	vst v10  }
0x4d: {  	[tilespmem:s30+$0x10] =	vst v9  }
0x4e: {  	v9 =	vld [tilespmem:s1+$0x2740];
	_ =	sdelay $0x4  }
0x4f: {  	v9 =	vmul.bf16 v9, v4;
	_ =	sdelay $0x1  }
0x50: {  	s31 =	simm.s32 $0x4F50;
	s1 =	simm.s32 $0x100;
	v9 =	vadd.bf16 v9, v8  }
.LBB2_3:
0x51: {  	p1 =	sne.s32 s1, $0x4F00  }
0x52: {  	s30 =	sadd.s32 $0x80, s30;
	s0 =	smov.u32 s1;
	s1 =	sadd.s32 $0x100, s1  }
0x53: {  	v9 =	vmax.bf16 v9, v0  }
0x54: {  	v10 =	vunpack.i.u.bf16.f32 v9;
	v9 =	vunpack.i.l.bf16.f32 v9  }
0x55: {  	[tilespmem:s31+$0x20] =	vst v9  }
0x56: {  	s0 =	sshra.s32 s0, $0x2;
	[tilespmem:s31+$0x30] =	vst v10;
	s31 =	smov.u32 s30  }
0x57: {  	v9 =	vld [tilespmem:s0+$0x2710];
	_ =	sdelay $0x4  }
0x58: {  	v9 =	vmul.bf16 v9, v1;
	_ =	sdelay $0x1  }
0x59: {  	v9 =	vadd.bf16 v9, v5;
	_ =	sdelay $0x1  }
0x5a: {  	v9 =	vmax.bf16 v9, v0  }
0x5b: {  	v10 =	vunpack.i.u.bf16.f32 v9;
	v9 =	vunpack.i.l.bf16.f32 v9  }
0x5c: {  	[tilespmem:s30+$0xFFFFFFC0] =	vst v9  }
0x5d: {  	[tilespmem:s30+$0xFFFFFFD0] =	vst v10  }
0x5e: {  	v9 =	vld [tilespmem:s0+$0x2720];
	_ =	sdelay $0x4  }
0x5f: {  	v9 =	vmul.bf16 v9, v2;
	_ =	sdelay $0x1  }
0x60: {  	v9 =	vadd.bf16 v9, v6;
	_ =	sdelay $0x1  }
0x61: {  	v9 =	vmax.bf16 v9, v0  }
0x62: {  	v10 =	vunpack.i.u.bf16.f32 v9;
	v9 =	vunpack.i.l.bf16.f32 v9  }
0x63: {  	[tilespmem:s30+$0xFFFFFFE0] =	vst v9  }
0x64: {  	[tilespmem:s30+$0xFFFFFFF0] =	vst v10  }
0x65: {  	v9 =	vld [tilespmem:s0+$0x2730];
	_ =	sdelay $0x4  }
0x66: {  	v9 =	vmul.bf16 v9, v3;
	_ =	sdelay $0x1  }
0x67: {  	v9 =	vadd.bf16 v9, v7;
	_ =	sdelay $0x1  }
0x68: {  	v9 =	vmax.bf16 v9, v0  }
0x69: {  	v10 =	vunpack.i.u.bf16.f32 v9;
	v9 =	vunpack.i.l.bf16.f32 v9  }
0x6a: {  	[tilespmem:s30+$0x0] =	vst v9  }
0x6b: {  	[tilespmem:s30+$0x10] =	vst v10  }
0x6c: {  	v9 =	vld [tilespmem:s0+$0x2740];
	_ =	sdelay $0x2  }
.Ltmp0:
0x6d: {  	(pc) =	sbr.rel @p1 .LBB2_3-.Ltmp0, $3  }
0x6e: {  	_ = 	snop  }
0x6f: {  	v9 =	vmul.bf16 v9, v4;
	_ =	sdelay $0x1  }
0x70: {  	v9 =	vadd.bf16 v9, v8  }
0x71: {  	_ = 	snop  }
0x72: {  	v9 =	vmax.bf16 v9, v0  }
0x73: {  	s0 =	smul.u32 $0x280, s26;
	v10 =	vunpack.i.l.bf16.f32 v9  }
0x74: {  	v9 =	vunpack.i.u.bf16.f32 v9;
	[tilespmem:s31+$0x20] =	vst v10  }
0x75: {  	s0 =	sshra.s32 s0, $0x2;
	[tilespmem:s31+$0x30] =	vst v9  }
0x76: {  	[spmem:s3] =	stream.indirect.scatter.add.f32 [tilespmem:s20], [sflag:$0x3], $0x80, s0, s19, $0xb8;
	[tilespmem:$0x1B090] =	vst v63  }
0x77: {  	_ =	swait.ge [sflag:s13], $0x2800  }
0x78: {  	[sflag:s13] =	ssyncset.done $0x0  }
0x79: {  	s1 =	sadd.s32 s29, s10;
	[sflag:s13] =	ssyncadd.s32 $0xFFFFD800  }
0x7a: {  	s0 =	sshll.u32 s1, $0x3;
	_ =	swait.ge [sflag:s21], $0x1400  }
0x7b: {  	s31 =	simm.s32 $0x0;
	s0 =	sand.u32 $0x1FFFFF80, s0;
	[sflag:s21] =	ssyncset.done $0x0  }
0x7c: {  	s1 =	simm.s32 $0x0;
	s0 =	sadd.s32 s6, s0;
	[sflag:s21] =	ssyncadd.s32 $0xFFFFEC00  }
0x7d: {  	[tilespmem:s16], [sflag:$0x1] =	stream.linear.gather [hbm4b:s0+s1], $0x1400, $0x38;
	[tilespmem:$0x1B090] =	vst v63  }
0x7e: {  	v9 =	vld [tilespmem:s31+$0x3B10];
	_ =	sdelay $0x4  }
0x7f: {  	v9 =	vmul.bf16 v9, v1;
	_ =	sdelay $0x1  }
0x80: {  	v9 =	vadd.bf16 v9, v5;
	_ =	sdelay $0x1  }
0x81: {  	v9 =	vmax.bf16 v9, v0  }
0x82: {  	s29 =	simm.s32 $0x4F50;
	v10 =	vunpack.i.l.bf16.f32 v9  }
0x83: {  	v9 =	vunpack.i.u.bf16.f32 v9;
	[tilespmem:s29+$0xFFFFFFC0] =	vst v10  }
0x84: {  	[tilespmem:s29+$0xFFFFFFD0] =	vst v9  }
0x85: {  	v9 =	vld [tilespmem:s31+$0x3B20];
	_ =	sdelay $0x4  }
0x86: {  	v9 =	vmul.bf16 v9, v2;
	_ =	sdelay $0x1  }
0x87: {  	v9 =	vadd.bf16 v9, v6;
	_ =	sdelay $0x1  }
0x88: {  	v9 =	vmax.bf16 v9, v0  }
0x89: {  	v10 =	vunpack.i.l.bf16.f32 v9  }
0x8a: {  	v9 =	vunpack.i.u.bf16.f32 v9;
	[tilespmem:s29+$0xFFFFFFE0] =	vst v10  }
0x8b: {  	[tilespmem:s29+$0xFFFFFFF0] =	vst v9  }
0x8c: {  	v9 =	vld [tilespmem:s31+$0x3B30];
	_ =	sdelay $0x4  }
0x8d: {  	v9 =	vmul.bf16 v9, v3;
	_ =	sdelay $0x1  }
0x8e: {  	v9 =	vadd.bf16 v9, v7;
	_ =	sdelay $0x1  }
0x8f: {  	v9 =	vmax.bf16 v9, v0  }
0x90: {  	v10 =	vunpack.i.l.bf16.f32 v9  }
0x91: {  	v9 =	vunpack.i.u.bf16.f32 v9;
	[tilespmem:s29+$0x0] =	vst v10  }
0x92: {  	[tilespmem:s29+$0x10] =	vst v9  }
0x93: {  	v9 =	vld [tilespmem:s31+$0x3B40];
	_ =	sdelay $0x4  }
0x94: {  	v9 =	vmul.bf16 v9, v4;
	_ =	sdelay $0x1  }
0x95: {  	s30 =	simm.s32 $0x4F50;
	s1 =	simm.s32 $0x100;
	v9 =	vadd.bf16 v9, v8  }
.LBB2_5:
0x96: {  	p1 =	sne.s32 s1, $0x4F00  }
0x97: {  	s29 =	sadd.s32 $0x80, s29;
	s0 =	smov.u32 s1;
	s1 =	sadd.s32 $0x100, s1  }
0x98: {  	v9 =	vmax.bf16 v9, v0  }
0x99: {  	v10 =	vunpack.i.u.bf16.f32 v9;
	v9 =	vunpack.i.l.bf16.f32 v9  }
0x9a: {  	[tilespmem:s30+$0x20] =	vst v9  }
0x9b: {  	s0 =	sshra.s32 s0, $0x2;
	[tilespmem:s30+$0x30] =	vst v10;
	s30 =	smov.u32 s29  }
0x9c: {  	v9 =	vld [tilespmem:s0+$0x3B10];
	_ =	sdelay $0x4  }
0x9d: {  	v9 =	vmul.bf16 v9, v1;
	_ =	sdelay $0x1  }
0x9e: {  	v9 =	vadd.bf16 v9, v5;
	_ =	sdelay $0x1  }
0x9f: {  	v9 =	vmax.bf16 v9, v0  }
0xa0: {  	v10 =	vunpack.i.u.bf16.f32 v9;
	v9 =	vunpack.i.l.bf16.f32 v9  }
0xa1: {  	[tilespmem:s29+$0xFFFFFFC0] =	vst v9  }
0xa2: {  	[tilespmem:s29+$0xFFFFFFD0] =	vst v10  }
0xa3: {  	v9 =	vld [tilespmem:s0+$0x3B20];
	_ =	sdelay $0x4  }
0xa4: {  	v9 =	vmul.bf16 v9, v2;
	_ =	sdelay $0x1  }
0xa5: {  	v9 =	vadd.bf16 v9, v6;
	_ =	sdelay $0x1  }
0xa6: {  	v9 =	vmax.bf16 v9, v0  }
0xa7: {  	v10 =	vunpack.i.u.bf16.f32 v9;
	v9 =	vunpack.i.l.bf16.f32 v9  }
0xa8: {  	[tilespmem:s29+$0xFFFFFFE0] =	vst v9  }
0xa9: {  	[tilespmem:s29+$0xFFFFFFF0] =	vst v10  }
0xaa: {  	v9 =	vld [tilespmem:s0+$0x3B30];
	_ =	sdelay $0x4  }
0xab: {  	v9 =	vmul.bf16 v9, v3;
	_ =	sdelay $0x1  }
0xac: {  	v9 =	vadd.bf16 v9, v7;
	_ =	sdelay $0x1  }
0xad: {  	v9 =	vmax.bf16 v9, v0  }
0xae: {  	v10 =	vunpack.i.u.bf16.f32 v9;
	v9 =	vunpack.i.l.bf16.f32 v9  }
0xaf: {  	[tilespmem:s29+$0x0] =	vst v9  }
0xb0: {  	[tilespmem:s29+$0x10] =	vst v10  }
0xb1: {  	v9 =	vld [tilespmem:s0+$0x3B40];
	_ =	sdelay $0x2  }
.Ltmp1:
0xb2: {  	(pc) =	sbr.rel @p1 .LBB2_5-.Ltmp1, $3  }
0xb3: {  	_ = 	snop  }
0xb4: {  	v9 =	vmul.bf16 v9, v4;
	_ =	sdelay $0x1  }
0xb5: {  	v9 =	vadd.bf16 v9, v8  }
0xb6: {  	_ = 	snop  }
0xb7: {  	v9 =	vmax.bf16 v9, v0  }
0xb8: {  	s26 =	sadd.s32 $0x1, s26;
	v10 =	vunpack.i.l.bf16.f32 v9  }
0xb9: {  	p1 =	sne.s32 s26, $0x3E;
	v9 =	vunpack.i.u.bf16.f32 v9;
	[tilespmem:s30+$0x20] =	vst v10  }
.Ltmp2:
0xba: {  	[tilespmem:s30+$0x30] =	vst v9;
	(pc) =	sbr.rel @p1 .LBB2_2-.Ltmp2, $4  }
0xbb: {  	[spmem:s3] =	stream.indirect.scatter.add.f32 [tilespmem:s20], [sflag:$0x3], $0x80, s28, s19, $0xb8;
	[tilespmem:$0x1B090] =	vst v63  }
0xbc: {  	_ =	swait.ge [sflag:s13], $0x2800  }
0xbd: {  	[sflag:s13] =	ssyncset.done $0x0  }
0xbe: {  	[sflag:s13] =	ssyncadd.s32 $0xFFFFD800  }
0xbf: {  	_ =	swait.ge [sflag:s17], $0x1400  }
0xc0: {  	[sflag:s17] =	ssyncset.done $0x0  }
0xc1: {  	s0 =	simm.s32 $0x0;
	[sflag:s17] =	ssyncadd.s32 $0xFFFFEC00  }
0xc2: {  	v9 =	vld [tilespmem:s0+$0x2710];
	_ =	sdelay $0x4  }
0xc3: {  	v9 =	vmul.bf16 v9, v1;
	_ =	sdelay $0x1  }
0xc4: {  	v9 =	vadd.bf16 v9, v5;
	_ =	sdelay $0x1  }
0xc5: {  	v9 =	vmax.bf16 v9, v0  }
0xc6: {  	s26 =	simm.s32 $0x4F50;
	v10 =	vunpack.i.l.bf16.f32 v9  }
0xc7: {  	v9 =	vunpack.i.u.bf16.f32 v9;
	[tilespmem:s26+$0xFFFFFFC0] =	vst v10  }
0xc8: {  	[tilespmem:s26+$0xFFFFFFD0] =	vst v9  }
0xc9: {  	v9 =	vld [tilespmem:s0+$0x2720];
	_ =	sdelay $0x4  }
0xca: {  	v9 =	vmul.bf16 v9, v2;
	_ =	sdelay $0x1  }
0xcb: {  	v9 =	vadd.bf16 v9, v6;
	_ =	sdelay $0x1  }
0xcc: {  	v9 =	vmax.bf16 v9, v0  }
0xcd: {  	v10 =	vunpack.i.l.bf16.f32 v9  }
0xce: {  	v9 =	vunpack.i.u.bf16.f32 v9;
	[tilespmem:s26+$0xFFFFFFE0] =	vst v10  }
0xcf: {  	[tilespmem:s26+$0xFFFFFFF0] =	vst v9  }
0xd0: {  	v9 =	vld [tilespmem:s0+$0x2730];
	_ =	sdelay $0x4  }
0xd1: {  	v9 =	vmul.bf16 v9, v3;
	_ =	sdelay $0x1  }
0xd2: {  	v9 =	vadd.bf16 v9, v7;
	_ =	sdelay $0x1  }
0xd3: {  	v9 =	vmax.bf16 v9, v0  }
0xd4: {  	v10 =	vunpack.i.l.bf16.f32 v9  }
0xd5: {  	v9 =	vunpack.i.u.bf16.f32 v9;
	[tilespmem:s26+$0x0] =	vst v10  }
0xd6: {  	[tilespmem:s26+$0x10] =	vst v9  }
0xd7: {  	v9 =	vld [tilespmem:s0+$0x2740];
	_ =	sdelay $0x4  }
0xd8: {  	v9 =	vmul.bf16 v9, v4;
	_ =	sdelay $0x1  }
0xd9: {  	s1 =	simm.s32 $0x100;
	s28 =	simm.s32 $0x4F50;
	v9 =	vadd.bf16 v9, v8  }
.LBB2_8:
0xda: {  	p1 =	sne.s32 s1, $0x4F00  }
0xdb: {  	s26 =	sadd.s32 $0x80, s26;
	s0 =	smov.u32 s1;
	s1 =	sadd.s32 $0x100, s1  }
0xdc: {  	v9 =	vmax.bf16 v9, v0  }
0xdd: {  	v10 =	vunpack.i.u.bf16.f32 v9;
	v9 =	vunpack.i.l.bf16.f32 v9  }
0xde: {  	[tilespmem:s28+$0x20] =	vst v9  }
0xdf: {  	s0 =	sshra.s32 s0, $0x2;
	[tilespmem:s28+$0x30] =	vst v10;
	s28 =	smov.u32 s26  }
0xe0: {  	v9 =	vld [tilespmem:s0+$0x2710];
	_ =	sdelay $0x4  }
0xe1: {  	v9 =	vmul.bf16 v9, v1;
	_ =	sdelay $0x1  }
0xe2: {  	v9 =	vadd.bf16 v9, v5;
	_ =	sdelay $0x1  }
0xe3: {  	v9 =	vmax.bf16 v9, v0  }
0xe4: {  	v10 =	vunpack.i.u.bf16.f32 v9;
	v9 =	vunpack.i.l.bf16.f32 v9  }
0xe5: {  	[tilespmem:s26+$0xFFFFFFC0] =	vst v9  }
0xe6: {  	[tilespmem:s26+$0xFFFFFFD0] =	vst v10  }
0xe7: {  	v9 =	vld [tilespmem:s0+$0x2720];
	_ =	sdelay $0x4  }
0xe8: {  	v9 =	vmul.bf16 v9, v2;
	_ =	sdelay $0x1  }
0xe9: {  	v9 =	vadd.bf16 v9, v6;
	_ =	sdelay $0x1  }
0xea: {  	v9 =	vmax.bf16 v9, v0  }
0xeb: {  	v10 =	vunpack.i.u.bf16.f32 v9;
	v9 =	vunpack.i.l.bf16.f32 v9  }
0xec: {  	[tilespmem:s26+$0xFFFFFFE0] =	vst v9  }
0xed: {  	[tilespmem:s26+$0xFFFFFFF0] =	vst v10  }
0xee: {  	v9 =	vld [tilespmem:s0+$0x2730];
	_ =	sdelay $0x4  }
0xef: {  	v9 =	vmul.bf16 v9, v3;
	_ =	sdelay $0x1  }
0xf0: {  	v9 =	vadd.bf16 v9, v7;
	_ =	sdelay $0x1  }
0xf1: {  	v9 =	vmax.bf16 v9, v0  }
0xf2: {  	v10 =	vunpack.i.u.bf16.f32 v9;
	v9 =	vunpack.i.l.bf16.f32 v9  }
0xf3: {  	[tilespmem:s26+$0x0] =	vst v9  }
0xf4: {  	[tilespmem:s26+$0x10] =	vst v10  }
0xf5: {  	v9 =	vld [tilespmem:s0+$0x2740];
	_ =	sdelay $0x2  }
.Ltmp3:
0xf6: {  	(pc) =	sbr.rel @p1 .LBB2_8-.Ltmp3, $3  }
0xf7: {  	_ = 	snop  }
0xf8: {  	v9 =	vmul.bf16 v9, v4;
	_ =	sdelay $0x1  }
0xf9: {  	v9 =	vadd.bf16 v9, v8  }
0xfa: {  	_ = 	snop  }
0xfb: {  	v1 =	vmax.bf16 v9, v0  }
0xfc: {  	v2 =	vunpack.i.l.bf16.f32 v1  }
0xfd: {  	v1 =	vunpack.i.u.bf16.f32 v1;
	[tilespmem:s28+$0x20] =	vst v2  }
0xfe: {  	[tilespmem:s28+$0x30] =	vst v1  }
0xff: {  	[spmem:s3] =	stream.indirect.scatter.add.f32 [tilespmem:s20], [sflag:$0x3], $0x80, s22, s19, $0xb8;
	[tilespmem:$0x1B090] =	vst v63  }
0x100: {  	_ =	swait.ge [sflag:s13], $0x2800  }
0x101: {  	s25 =	sadd.s32 $0x1, s25;
	[sflag:s13] =	ssyncset.done $0x0  }
0x102: {  	p1 =	sne.s32 s25, s11;
	[sflag:s13] =	ssyncadd.s32 $0xFFFFD800  }
.Ltmp4:
0x103: {  	s0 =	simm.s32 @!p0 $0x3;
	[bflag:$0x0] =	sbarrier.arrive $0xFFFF;
	(pc) =	sbr.rel @p1 .LBB2_1-.Ltmp4, $4  }
0x104: {  	[hbm:s23], [sflag:s14] =	dma.local @!p0 [spmem:s24], $0x3E80  }
0x105: {  	_ =	swait.ge @!p0 [sflag:s0], $0x3E80  }
0x106: {  	[sflag:s0] =	ssyncset.done @!p0 $0x0  }
0x107: {  	[sflag:s0] =	ssyncadd.s32 @!p0 $0xFFFFC180  }
0x108: {  	_ =	sfence.sel $0x180000  }
0x109: {  	[bflag:$0x0] =	sbarrier.arrive $0xFFFF  }
0x10a: {  	_ =	strace $0x9000004A  }
0x10b: {  	s0 =	stileid.u32;
	[bflag:$0x2] =	sbarrier.arrive $0xFFFF  }
0x10c: {  	p0 =	sne.s32 s0, $0x0;
	s0 =	rddreg [dreg:$0x3]  }
0x10d: {  	s0 =	sadd.s32 @!p0 $0x100000, s0  }
0x10e: {  	[sflag:s0] =	ssyncadd.tile.s32 @!p0 $0x1;
	_ =	shalt  }
.Lfunc_end2:
_tile_overlayer_lowered:
.L_overlay_start_2:
0x10f: {  	(tag) =	ssettag $0x2  }
0x110: {  	s0 =	rddreg [dreg:$0x0];
	s2 =	stileid.u32  }
0x111: {  	s1 =	rddreg [dreg:$0x1];
	p0 =	sne.s32 s2, $0x0  }
0x112: {  	s3 =	rddreg [dreg:$0x2];
	[bflag:$0x3] =	sbarrier.arrive $0xFFFF;
	s2 =	simm.s32 @!p0 $0x1C03  }
0x113: {  	[timem:s3], [sflag:s2] =	dma.local @!p0 [hbm:s0], s1  }
0x114: {  	s0 =	simm.s32 @!p0 $0x3  }
0x115: {  	_ =	swait.ge @!p0 [sflag:s0], s1  }
0x116: {  	s1 =	ssub.s32 @!p0 $0x0, s1;
	[sflag:s0] =	ssyncset.done @!p0 $0x0  }
0x117: {  	[sflag:s0] =	ssyncadd.s32 @!p0 s1  }
0x118: {  	[bflag:$0x3] =	sbarrier.arrive $0xFFFF  }
0x119: {  	_ =	shalt  }

// kernel: kernel.8.cloned.1.call-start
scs
__scs_entry_jumppad:
0x0: {  	(pc) =	sbr.rel $0x88, $3  }
0x1: {  	(tag) =	ssettag $0x0;
	lr =	simm.s32 $0x1  }
0x2: {  	[smem:$0x3F98] =	sst lr;
	_ =	strace $0xD0000000  }
0x3: {  	_ = 	snop  }
0x4: {  	_ = 	snop  }
0x5: {  	_ = 	snop  }
0x6: {  	_ = 	snop  }
0x7: {  	_ = 	snop  }
__scs_overlays_trampoline_lowered:
0x8: {  	[smem:$0x3FA7] =	sst s0  }
0x9: {  	[smem:$0x3FA8] =	sst s1  }
0xa: {  	[smem:$0x3FA9] =	sst s2  }
0xb: {  	[smem:$0x3FAA] =	sst s3  }
0xc: {  	[smem:$0x3FAB] =	sst s4  }
0xd: {  	[smem:$0x3FAC] =	sst s5  }
0xe: {  	[smem:$0x3FAD] =	sst s6  }
0xf: {  	[smem:$0x3FAE] =	sst s7  }
0x10: {  	[smem:$0x3FAF] =	sst s8  }
0x11: {  	[smem:$0x3FB0] =	sst s9;
	s0 =	simm.s32 @!p0 $0x0  }
0x12: {  	s1 =	sld [smem:$0x3F96];
	s0 =	simm.s32 @p0 $0x1  }
0x13: {  	[smem:$0x3FB1] =	sst s0;
	s0 =	simm.s32 @!p1 $0x0  }
0x14: {  	s2 =	sld [smem:$0x3F95];
	s0 =	simm.s32 @p1 $0x1  }
0x15: {  	[smem:$0x3FB2] =	sst s0;
	s0 =	simm.s32 @!p2 $0x0  }
0x16: {  	s3 =	sld [smem:$0x3FDB];
	s0 =	simm.s32 @p2 $0x1  }
0x17: {  	s4 =	simm.s32 $0x1BF5;
	[smem:$0x3FB4] =	sst s0  }
0x18: {  	s0 =	sld [smem:$0x3F97];
	_ =	swait.ge [sflag:s4], $0x0  }
0x19: {  	s7 =	sld [smem:$0x3F98]  }
0x1a: {  	s8 =	sadd.s32 $0xFFFFE003, lr  }
0x1b: {  	s9 =	sadd.s32 $0xFFFFFEF7, lr;
	s5 =	simm.s32 $0xFFFFFFFF;
	p2 =	slt.u32 s8, $0xFFFFF086  }
0x1c: {  	p1 =	slt.u32 s9, $0xF7A;
	s5 =	simm.s32 @!p2 $0x0  }
0x1d: {  	s5 =	simm.s32 @p1 $0x1;
	p0 =	seq.s32 s7, s2  }
0x1e: {  	s7 =	smul.u32 @!p0 $0xF7A, s2;
	p2 =	seq.s32 @!p0 s5, $0x0  }
0x1f: {  	s9 =	smul.u32 $0xF7A, s1;
	s8 =	simm.s32 @!p0 $0x1BF5;
	p2 =	por !p2, p0  }
0x20: {  	[sflag:s8] =	ssyncset.s32 @!p0 $0xFFFFF086;
	s6 =	sadd.s32 @!p0 s3, s7;
	s7 =	simm.s32 @!p0 $0x108  }
0x21: {  	s3 =	sadd.s32 s3, s9;
	s6 =	sadd.s32 @!p0 $0x88, s6;
	s7 =	simm.s32 @p2 $0x1082  }
0x22: {  	[simem:s7], [sflag:s8] =	dma.local @!p0 [hbm:s6], $0xF7A  }
0x23: {  	s9 =	sor.u32 $0xD0000000, s2;
	s6 =	simm.s32 $0x108;
	_ =	swait.ge @!p0 [sflag:s8], $0x0  }
0x24: {  	s3 =	sadd.s32 $0x88, s3;
	s6 =	simm.s32 @!p1 $0x1082;
	[sflag:s4] =	ssyncset.s32 $0xFFFFF086  }
0x25: {  	[simem:s6], [sflag:s4] =	dma.local [hbm:s3], $0xF7A  }
0x26: {  	[smem:$0x3F98] =	sst s1;
	(tag) =	ssettag s2;
	_ =	strace s9  }
0x27: {  	s1 =	sld [smem:$0x3FA8]  }
0x28: {  	s2 =	sld [smem:$0x3FA9]  }
0x29: {  	s4 =	sld [smem:$0x3FAB]  }
0x2a: {  	p0 =	seq.s32 s5, $0x0;
	s5 =	sld [smem:$0x3FAC]  }
0x2b: {  	s6 =	sld [smem:$0x3FAD]  }
0x2c: {  	s7 =	sld [smem:$0x3FAE]  }
0x2d: {  	s3 =	simm.s32 $0x108;
	s8 =	sld [smem:$0x3FAF]  }
0x2e: {  	s3 =	simm.s32 @!p0 $0x1082;
	s9 =	sld [smem:$0x3FB0]  }
0x2f: {  	lr =	sadd.s32 s0, s3;
	s0 =	sld [smem:$0x3FA7]  }
0x30: {  	s3 =	sld [smem:$0x3FAA]  }
0x31: {  	[smem:$0x3FB3] =	sst s10  }
0x32: {  	s10 =	sld [smem:$0x3FB1];
	_ =	sdelay $0x3  }
0x33: {  	p0 =	seq.s32 s10, $0x1;
	s10 =	sld [smem:$0x3FB3];
	_ =	sdelay $0x3  }
0x34: {  	[smem:$0x3FB3] =	sst s10  }
0x35: {  	s10 =	sld [smem:$0x3FB2];
	_ =	sdelay $0x3  }
0x36: {  	p1 =	seq.s32 s10, $0x1;
	s10 =	sld [smem:$0x3FB3];
	_ =	sdelay $0x3  }
0x37: {  	[smem:$0x3FB3] =	sst s10  }
0x38: {  	s10 =	sld [smem:$0x3FB4]  }
0x39: {  	_ = 	snop;
	(pc) =	sbr.ind lr, $3  }
0x3a: {  	_ = 	snop  }
0x3b: {  	_ = 	snop  }
0x3c: {  	p2 =	seq.s32 s10, $0x1;
	s10 =	sld [smem:$0x3FB3]  }
0x3d: {  	_ =	shalt  }
0x3e: {  	_ =	shalt  }
0x3f: {  	_ =	shalt  }
0x40: {  	_ =	shalt  }
0x41: {  	_ =	shalt  }
0x42: {  	_ =	shalt  }
0x43: {  	_ =	shalt  }
0x44: {  	_ =	shalt  }
0x45: {  	_ =	shalt  }
0x46: {  	_ =	shalt  }
0x47: {  	_ =	shalt  }
0x48: {  	_ =	shalt  }
0x49: {  	_ =	shalt  }
0x4a: {  	_ =	shalt  }
0x4b: {  	_ =	shalt  }
0x4c: {  	_ =	shalt  }
0x4d: {  	_ =	shalt  }
0x4e: {  	_ =	shalt  }
0x4f: {  	_ =	shalt  }
0x50: {  	_ =	shalt  }
0x51: {  	_ =	shalt  }
0x52: {  	_ =	shalt  }
0x53: {  	_ =	shalt  }
0x54: {  	_ =	shalt  }
0x55: {  	_ =	shalt  }
0x56: {  	_ =	shalt  }
0x57: {  	_ =	shalt  }
0x58: {  	_ =	shalt  }
0x59: {  	_ =	shalt  }
0x5a: {  	_ =	shalt  }
0x5b: {  	_ =	shalt  }
0x5c: {  	_ =	shalt  }
0x5d: {  	_ =	shalt  }
0x5e: {  	_ =	shalt  }
0x5f: {  	_ =	shalt  }
0x60: {  	_ =	shalt  }
0x61: {  	_ =	shalt  }
0x62: {  	_ =	shalt  }
0x63: {  	_ =	shalt  }
0x64: {  	_ =	shalt  }
0x65: {  	_ =	shalt  }
0x66: {  	_ =	shalt  }
0x67: {  	_ =	shalt  }
0x68: {  	_ =	shalt  }
0x69: {  	_ =	shalt  }
0x6a: {  	_ =	shalt  }
0x6b: {  	_ =	shalt  }
0x6c: {  	_ =	shalt  }
0x6d: {  	_ =	shalt  }
0x6e: {  	_ =	shalt  }
0x6f: {  	_ =	shalt  }
0x70: {  	_ =	shalt  }
0x71: {  	_ =	shalt  }
0x72: {  	_ =	shalt  }
0x73: {  	_ =	shalt  }
0x74: {  	_ =	shalt  }
0x75: {  	_ =	shalt  }
0x76: {  	_ =	shalt  }
0x77: {  	_ =	shalt  }
0x78: {  	_ =	shalt  }
0x79: {  	_ =	shalt  }
0x7a: {  	_ =	shalt  }
0x7b: {  	_ =	shalt  }
0x7c: {  	_ =	shalt  }
0x7d: {  	_ =	shalt  }
0x7e: {  	_ =	shalt  }
0x7f: {  	_ =	shalt  }
0x80: {  	_ =	shalt  }
0x81: {  	_ =	shalt  }
0x82: {  	_ =	shalt  }
0x83: {  	_ =	shalt  }
0x84: {  	_ =	shalt  }
0x85: {  	_ =	shalt  }
0x86: {  	_ =	shalt  }
0x87: {  	_ =	shalt  }
.Lfunc_end0:
.L_simem_size_0:
called_computation_lowered:
.L_overlay_start_0:
0x88: {  	s2 =	sld [smem:$0x3FD9]  }
0x89: {  	s3 =	sld [smem:$0x3FFE];
	_ =	sdelay $0x1  }
0x8a: {  	s1 =	srdreg.scid  }
0x8b: {  	s0 =	sand.u32 $0x1, s1  }
0x8c: {  	s17 =	sshll.u32 s0, $0xA;
	s2 =	sadd.s32 s3, s2  }
0x8d: {  	s2 =	sadd.s32 s2, s17  }
0x8e: {  	[smem:$0x3FBF] =	sst s2  }
0x8f: {  	_ = 	snop  }
0x90: {  	s2 =	sld [smem:$0x3FD0];
	(tm) =	ssettm $0x1  }
0x91: {  	s18 =	sld [smem:$0x3FFB];
	_ =	sdelay $0x3  }
0x92: {  	_ =	strace s18  }
0x93: {  	s3 =	sld [smem:$0x3FFC];
	_ =	sdelay $0x3  }
0x94: {  	_ =	strace s3  }
0x95: {  	s3 =	sld [smem:$0x3FFD];
	_ =	sdelay $0x3  }
0x96: {  	_ =	strace s3  }
0x97: {  	_ =	strace $0x8FFFFFFF  }
0x98: {  	s19 =	sld [smem:$0x3FDB];
	_ =	sdelay $0x1  }
0x99: {  	s4 =	simm.s32 $_scs_section_size  }
0x9a: {  	s5 =	simm.s32 $_size__tile_overlayer_lowered;
	s6 =	simm.s32 $_tile_overlayer_lowered  }
0x9b: {  	s22 =	simm.s32 $0x1BFF;
	s21 =	sshll.u32 s6, $0x1;
	s3 =	sadd.s32 s4, s19  }
0x9c: {  	s7 =	simm.s32 $0x0;
	s20 =	sshll.u32 s5, $0x1;
	s5 =	sadd.s32 s21, s3  }
0x9d: {  	[timem:s7], [sflag:s22] =	dma.local [hbm:s5], s20  }
0x9e: {  	_ =	swait.ge [sflag:s22], s20  }
0x9f: {  	s4 =	ssub.s32 $0x0, s20;
	[sflag:s22] =	ssyncset.done $0x0  }
0xa0: {  	[sflag:s22] =	ssyncadd.s32 s4;
	_ =	sdelay $0x1  }
0xa1: {  	s23 =	simm.s32 $0x1B8B  }
0xa2: {  	_ =	swait.ge [sflag:s23], $0x1  }
0xa3: {  	[sflag:s23] =	ssyncset.done $0x0  }
0xa4: {  	s25 =	simm.s32 $0x1B8E;
	s24 =	sld [smem:$0x3FFE];
	[sflag:s23] =	ssyncadd.s32 $0xFFFFFFFF  }
0xa5: {  	s26 =	simm.s32 $execute0_lowered;
	[smem:$0x3FD2] =	sst s25  }
0xa6: {  	s5 =	sshll.u32 s26, $0x1;
	_ =	strace $0x80000046;
	[dreg:$0x1] =	wrdreg $0xFFFFFFFF  }
0xa7: {  	s28 =	simm.s32 $_size_execute0_lowered;
	s3 =	sadd.s32 s3, s5;
	[dreg:$0x0] =	wrdreg $0x0  }
0xa8: {  	s5 =	sshll.u32 s28, $0x1;
	[dreg:$0x2] =	wrdreg s3  }
0xa9: {  	[dreg:$0x3] =	wrdreg s5  }
0xaa: {  	[dreg:$0x4] =	wrdreg $0xC0  }
0xab: {  	_ =	task [dreg:s7], $0x5FFFF  }
0xac: {  	[dreg:$0x1] =	wrdreg $0xFFFFFFFF  }
0xad: {  	[dreg:$0x0] =	wrdreg $0x60  }
0xae: {  	[dreg:$0x2] =	wrdreg s2  }
0xaf: {  	[dreg:$0x3] =	wrdreg s24  }
0xb0: {  	[dreg:$0x4] =	wrdreg $0x9  }
0xb1: {  	_ =	task.clear_ibuf [dreg:s7], $0x5FFFF;
	_ =	strace $0x90000046  }
0xb2: {  	s29 =	simm.s32 $0x9;
	_ =	strace $0x80000048  }
0xb3: {  	_ =	swait.ge [sflag:s29], $0x1  }
0xb4: {  	[sflag:s29] =	ssyncadd.s32 $0xFFFFFFFF  }
0xb5: {  	_ =	strace $0x90000048  }
0xb6: {  	_ =	sfence  }
0xb7: {  	s30 =	sld [smem:$0x0];
	_ =	sdelay $0x2  }
0xb8: {  	s31 =	sshll.u32 s1, $0xD;
	s1 =	sshrl.u32 s1, $0x2  }
0xb9: {  	s3 =	sand.u32 $0x4000, s31;
	s1 =	sadd.s32 s1, s30  }
0xba: {  	s0 =	sor.u32 s3, s0;
	s1 =	sshll.u32 s1, $0x11  }
0xbb: {  	s0 =	sor.u32 s1, s0  }
0xbc: {  	s0 =	sadd.s32 $0x8F2B, s0  }
0xbd: {  	[sflag:s0] =	ssyncadd.remote.s32 $0x1  }
0xbe: {  	_ =	sfence.sel $0xFFFF  }
0xbf: {  	[dreg:$0x0] =	wrdreg $0xFFFFFFFF;
	(pc) =	sbr.abs _section_cstart, $3  }
0xc0: {  	[dreg:$0x1] =	wrdreg $0xFFFFFFFF  }
0xc1: {  	_ =	task.clear_ibuf [dreg:s7], $0x2FFFF;
	_ =	strace $0x9FFFFFFF  }
0xc2: {  	(tm) =	ssettm $0x7FFFFFFF  }
0xc3: {  	_ =	shalt  }
tec
execute0_lowered:
.L_overlay_start_1:
0x0: {  	(tag) =	ssettag $0x1  }
0x1: {  	s0 =	rddreg [dreg:$0x1];
	s1 =	srdreg.scid  }
0x2: {  	s2 =	stileid.u32;
	s3 =	simm.s32 $0x0;
	s8 =	simm.s32 $0x0  }
0x3: {  	s15 =	simm.s32 $0x7;
	s17 =	simm.s32 $0x50;
	s21 =	simm.s32 $0x1  }
0x4: {  	s28 =	simm.s32 $0xC720;
	s29 =	simm.s32 $0xC620;
	s11 =	simm.s32 $0xC6E0  }
0x5: {  	s12 =	simm.s32 $0xC670;
	s13 =	simm.s32 $0xC6F0;
	s14 =	simm.s32 $0xC680  }
0x6: {  	s18 =	simm.s32 $0xC710;
	s19 =	simm.s32 $0x2;
	s1 =	sand.u32 $0x1, s1  }
0x7: {  	s2 =	sshll.u32 s2, $0x1;
	[smem:$0x7FF] =	sst s3;
	s5 =	sadd.s32 $0x2800, s0  }
0x8: {  	s6 =	sadd.s32 $0x16200, s0;
	s7 =	sadd.s32 $0x2A5000, s0;
	s2 =	sor.u32 s1, s2  }
0x9: {  	_ =	strace $0x80000047;
	s1 =	ssub.s32 $0x2, s1;
	s4 =	smul.u32 $0x2710, s2  }
0xa: {  	s22 =	sshll.u32 s2, $0x5;
	s9 =	smul.u32 $0x9C400, s2;
	s23 =	sshrl.u32 s1, $0x1  }
0xb: {  	s2 =	smul.u32 $0x13880, s2;
	s3 =	sadd.s32 s22, s0;
	s1 =	ssub.s32 s1, s23  }
0xc: {  	s22 =	simm.s32 $0x3;
	s23 =	simm.s32 $0x5;
	s10 =	sshrl.u32 s4, $0x3  }
0xd: {  	s9 =	sshrl.u32 s9, $0x3;
	s2 =	sadd.s32 s6, s2;
	s30 =	sadd.s32 $0x29AE00, s3  }
0xe: {  	s31 =	smax.u32 s1, $0x1;
	s3 =	simm.s32 $0x4;
	[dreg:$0x5] =	wrdreg s2  }
0xf: {  	s1 =	simm.s32 $0x0;
	s0 =	sadd.s32 s10, s0;
	[dreg:$0x7] =	wrdreg s30  }
0x10: {  	s9 =	sadd.s32 s7, s9;
	[dreg:$0x9] =	wrdreg s31;
	s24 =	sadd.s32 $0x291000, s0  }
0x11: {  	s10 =	simm.s32 $0xB220;
	s25 =	sadd.s32 $0x287200, s0;
	[dreg:$0x3] =	wrdreg s24  }
0x12: {  	s2 =	simm.s32 $0x6;
	s26 =	sadd.s32 $0x13600, s9;
	[dreg:$0x4] =	wrdreg s25  }
0x13: {  	s0 =	sadd.s32 $0x29B200, s0;
	s9 =	simm.s32 $0x9E20;
	[dreg:$0x6] =	wrdreg s26  }
0x14: {  	v0 =	vimm.f32 $0.0e+00;
	v1 =	vimm.f32 $1.000000000e+00;
	[dreg:$0x8] =	wrdreg s0;
	s24 =	simm.s32 $0xC700;
	s25 =	simm.s32 $0xC690  }
.LBB2_1:
0x15: {  	[dreg:$0xa] =	wrdreg s1;
	s0 =	simm.s32 $0x40;
	s1 =	simm.s32 $0x0  }
.LBB2_2:
0x16: {  	p0 =	sne.s32 s0, $0x9C00;
	[tilespmem:s1+$0xC720] =	vst v0;
	s1 =	smov.u32 s0;
	s0 =	sadd.s32 $0x40, s0  }
.Ltmp0:
0x17: {  	(pc) =	sbr.rel @p0 .LBB2_2-.Ltmp0, $2  }
0x18: {  	_ =	sdelay $0x2  }
0x19: {  	s1 =	sshra.s32 s1, $0x2  }
0x1a: {  	[tilespmem:s1+$0xC720] =	vst v0;
	s20 =	simm.s32 $0x0;
	s0 =	rddreg [dreg:$0x3]  }
0x1b: {  	[tilespmem:s20], [sflag:$0x7] =	stream.linear.gather [hbm4b:s0+s20], $0x2710, $0x38;
	[tilespmem:$0xEE30] =	vst v63  }
0x1c: {  	_ =	swait.ge [sflag:s15], $0x2710  }
0x1d: {  	[sflag:s15] =	ssyncset.done $0x0  }
0x1e: {  	s31 =	simm.s32 $0x2710;
	s30 =	rddreg [dreg:$0x4];
	[sflag:s15] =	ssyncadd.s32 $0xFFFFD8F0  }
0x1f: {  	[tilespmem:s31], [sflag:$0x7] =	stream.linear.gather [hbm4b:s30+s20], $0x2710, $0x38;
	[tilespmem:$0xEE30] =	vst v63  }
0x20: {  	_ =	swait.ge [sflag:s15], $0x2710  }
0x21: {  	[sflag:s15] =	ssyncset.done $0x0  }
0x22: {  	[sflag:s15] =	ssyncadd.s32 $0xFFFFD8F0  }
0x23: {  	[tilespmem:$0xC620] =	vst v0  }
0x24: {  	[tilespmem:$0xC6A0] =	vst v0  }
0x25: {  	[tilespmem:$0xC630] =	vst v0  }
0x26: {  	[tilespmem:$0xC6B0] =	vst v0  }
0x27: {  	[tilespmem:$0xC640] =	vst v0  }
0x28: {  	[tilespmem:$0xC6C0] =	vst v0  }
0x29: {  	[tilespmem:$0xC650] =	vst v0  }
0x2a: {  	[tilespmem:$0xC6D0] =	vst v0  }
0x2b: {  	[tilespmem:$0xC660] =	vst v0  }
0x2c: {  	[tilespmem:$0xC6E0] =	vst v0  }
0x2d: {  	[tilespmem:$0xC670] =	vst v0  }
0x2e: {  	[tilespmem:$0xC6F0] =	vst v0  }
0x2f: {  	[tilespmem:$0xC680] =	vst v0  }
0x30: {  	[tilespmem:$0xC700] =	vst v0  }
0x31: {  	[tilespmem:$0xC690] =	vst v0  }
0x32: {  	s16 =	simm.s32 $0x4E20;
	[tilespmem:$0xC710] =	vst v0;
	s26 =	rddreg [dreg:$0x0]  }
0x33: {  	[tilespmem:s16], [sflag:$0x1] =	stream.indirect.gather [hbm4b:s26+s17], $0x40, s20, s17, $0xb8;
	[tilespmem:$0xEE30] =	vst v63  }
0x34: {  	s30 =	simm.s32 $0x7620  }
0x35: {  	[tilespmem:s30], [sflag:$0x3] =	stream.indirect.gather [hbm4b:s5+s17], $0x40, s31, s17, $0xb8;
	[tilespmem:$0xEE30] =	vst v63  }
0x36: {  	s26 =	simm.s32 $0x0;
	s31 =	rddreg [dreg:$0x5]  }
0x37: {  	[tilespmem:s9], [sflag:$0x5] =	stream.linear.gather [hbm4b:s31+s20], $0x1400, $0x38;
	[tilespmem:$0xEE30] =	vst v63  }
.LBB2_4:
0x38: {  	_ =	swait.ge [sflag:s21], $0x1400  }
0x39: {  	[sflag:s21] =	ssyncset.done $0x0  }
0x3a: {  	[sflag:s21] =	ssyncadd.s32 $0xFFFFEC00  }
0x3b: {  	_ =	swait.ge [sflag:s22], $0x1400  }
0x3c: {  	[sflag:s22] =	ssyncset.done $0x0  }
0x3d: {  	[sflag:s22] =	ssyncadd.s32 $0xFFFFEC00  }
0x3e: {  	_ =	swait.ge [sflag:s23], $0x1400  }
0x3f: {  	s0 =	smul.u32 $0xA0, s26;
	[sflag:s23] =	ssyncset.done $0x0  }
0x40: {  	[sflag:s23] =	ssyncadd.s32 $0xFFFFEC00  }
0x41: {  	s9 =	simm.s32 $0x6220;
	s31 =	sadd.s32 $0x50, s0;
	s1 =	rddreg [dreg:$0x0]  }
0x42: {  	[tilespmem:s9], [sflag:$0x2] =	stream.indirect.gather [hbm4b:s1+s17], $0x40, s31, s17, $0xb8;
	[tilespmem:$0xEE30] =	vst v63  }
0x43: {  	s20 =	simm.s32 $0x8A20;
	s16 =	sadd.s32 $0x2760, s0  }
0x44: {  	[tilespmem:s20], [sflag:$0x4] =	stream.indirect.gather [hbm4b:s5+s17], $0x40, s16, s17, $0xb8;
	[tilespmem:$0xEE30] =	vst v63  }
0x45: {  	s16 =	sadd.s32 s4, s31  }
0x46: {  	s1 =	sshll.u32 s16, $0x3;
	s16 =	smul.u32 $0x280, s26  }
0x47: {  	s30 =	sand.u32 $0x1FFFFF80, s1  }
0x48: {  	s20 =	simm.s32 $0x0;
	s1 =	sadd.s32 s6, s30;
	s16 =	sshra.s32 s16, $0x2  }
0x49: {  	[tilespmem:s10], [sflag:$0x6] =	stream.linear.gather [hbm4b:s1+s20], $0x1400, $0x38;
	[tilespmem:$0xEE30] =	vst v63  }
0x4a: {  	v2 =	vld [tilespmem:s16+$0x0];
	_ =	sdelay $0x7  }
0x4b: {  	[tilespmem:v2+s28+$0x0] =	vst.idx.add.f32.msk $0xffff, v1  }
0x4c: {  	v2 =	vld [tilespmem:s16+$0x10];
	_ =	sdelay $0x7  }
0x4d: {  	[tilespmem:v2+s28+$0x0] =	vst.idx.add.f32.msk $0xffff, v1  }
0x4e: {  	v2 =	vld [tilespmem:s16+$0x20];
	_ =	sdelay $0x7  }
0x4f: {  	[tilespmem:v2+s28+$0x0] =	vst.idx.add.f32.msk $0xffff, v1  }
0x50: {  	v2 =	vld [tilespmem:s16+$0x30];
	_ =	sdelay $0x7  }
0x51: {  	[tilespmem:v2+s28+$0x0] =	vst.idx.add.f32.msk $0xffff, v1  }
0x52: {  	v2 =	vld [tilespmem:s16+$0x40];
	_ =	sdelay $0x7  }
0x53: {  	s20 =	simm.s32 $0x0;
	[tilespmem:v2+s28+$0x0] =	vst.idx.add.f32.msk $0xffff, v1  }
0x54: {  	v2 =	vld [tilespmem:s20+$0x7640]  }
0x55: {  	v3 =	vld [tilespmem:s20+$0x7620]  }
0x56: {  	v4 =	vld [tilespmem:s20+$0x7650]  }
0x57: {  	v5 =	vld [tilespmem:s20+$0x9E30]  }
0x58: {  	v6 =	vld [tilespmem:s20+$0x4E30]  }
0x59: {  	v7 =	vld [tilespmem:s20+$0x7630]  }
0x5a: {  	v8 =	vld [tilespmem:s20+$0x4E40]  }
0x5b: {  	v9 =	vld [tilespmem:s20+$0x9E40]  }
0x5c: {  	v10 =	vld [tilespmem:s20+$0x4E50]  }
0x5d: {  	v11 =	vld [tilespmem:s20+$0x9E50]  }
0x5e: {  	v12 =	vld [tilespmem:s20+$0x4E20];
	v6 =	vadd.bf16 v7, v6  }
0x5f: {  	v2 =	vadd.bf16 v2, v8  }
0x60: {  	s1 =	simm.s32 $0x40;
	v7 =	vld [tilespmem:s20+$0x9E20];
	v6 =	vadd.bf16 v5, v6  }
0x61: {  	v14 =	vld [tilespmem:s1+$0x7640];
	v5 =	vadd.bf16 v9, v2;
	v2 =	vadd.bf16 v4, v10  }
0x62: {  	v19 =	vld [tilespmem:s1+$0x7620]  }
0x63: {  	v16 =	vld [tilespmem:s1+$0x7650];
	v3 =	vadd.bf16 v3, v12;
	[tilespmem:s20+$0x9E30] =	vst v6;
	v2 =	vadd.bf16 v11, v2  }
0x64: {  	v26 =	vimm.f32 $0.0e+00;
	v8 =	vimm.f32 $0.0e+00;
	v20 =	vld [tilespmem:s1+$0x9E30];
	[tilespmem:s20+$0x9E40] =	vst v5  }
0x65: {  	v10 =	vunpack.i.u.bf16.f32 v6;
	v6 =	vunpack.i.l.bf16.f32 v6;
	v17 =	vadd.bf16 v7, v3;
	v9 =	vld [tilespmem:s1+$0x4E40];
	[tilespmem:s20+$0x9E50] =	vst v2  }
0x66: {  	v21 =	vmul.f32 v6, v6;
	v7 =	vadd.f32 v10, v8;
	v4 =	vunpack.i.l.bf16.f32 v2;
	v11 =	vld [tilespmem:s1+$0x4E30]  }
0x67: {  	v12 =	vunpack.i.u.bf16.f32 v2;
	v2 =	vmul.f32 v4, v4;
	v24 =	vld [tilespmem:s1+$0x7630];
	v3 =	vadd.f32 v4, v8  }
0x68: {  	v23 =	vld [tilespmem:s1+$0x9E40];
	v15 =	vunpack.i.u.bf16.f32 v17;
	v13 =	vmul.f32 v12, v12;
	v22 =	vunpack.i.l.bf16.f32 v17  }
0x69: {  	[tilespmem:s20+$0x9E20] =	vst v17;
	v17 =	vimm.f32 $0.0e+00;
	v18 =	vmul.f32 v15, v15;
	v15 =	vadd.f32 v15, v8  }
0x6a: {  	v28 =	vld [tilespmem:s1+$0x4E50];
	v30 =	vmul.f32 v22, v22;
	v4 =	vadd.f32 v2, v8;
	v2 =	vadd.f32 v12, v8  }
0x6b: {  	v12 =	vadd.f32 v6, v8;
	v6 =	vmul.f32 v10, v10;
	v9 =	vadd.bf16 v14, v9  }
0x6c: {  	v29 =	vld [tilespmem:s1+$0x9E50];
	v10 =	vimm.f32 $0.0e+00;
	v14 =	vimm.f32 $0.0e+00;
	v32 =	vadd.bf16 v24, v11  }
0x6d: {  	v27 =	vld [tilespmem:s1+$0x9E20];
	v24 =	vimm.f32 $0.0e+00;
	v11 =	vimm.f32 $0.0e+00;
	v25 =	vadd.bf16 v23, v9  }
0x6e: {  	s16 =	simm.s32 $0x200;
	v31 =	vld [tilespmem:s1+$0x4E20];
	v9 =	vadd.f32 v6, v8;
	v23 =	vimm.f32 $0.0e+00;
	v6 =	vimm.f32 $0.0e+00  }
.LBB2_5:
0x6f: {  	s20 =	sshra.s32 s16, $0x2;
	p0 =	sne.s32 s16, $0x4F00;
	s16 =	sadd.s32 $0x100, s16;
	v16 =	vadd.bf16 v16, v28;
	v8 =	vadd.f32 v21, v8  }
0x70: {  	v28 =	vunpack.i.u.bf16.f32 v5;
	v33 =	vld [tilespmem:s20+$0x7640];
	v20 =	vadd.bf16 v20, v32;
	v23 =	vadd.f32 v30, v23  }
0x71: {  	v6 =	vadd.f32 v13, v6;
	v32 =	vunpack.i.l.bf16.f32 v5;
	v5 =	vmovc v25;
	v30 =	vld [tilespmem:s20+$0x7620];
	v29 =	vadd.bf16 v29, v16  }
0x72: {  	v13 =	vmul.f32 v32, v32;
	v16 =	vld [tilespmem:s20+$0x7650];
	[tilespmem:s1+$0x9E30] =	vst v20;
	v25 =	vunpack.i.u.bf16.f32 v20;
	v34 =	vunpack.i.l.bf16.f32 v20  }
0x73: {  	v10 =	vadd.f32 v28, v10;
	v20 =	vld [tilespmem:s20+$0x9E30];
	v39 =	vadd.bf16 v19, v31;
	v21 =	vmul.f32 v34, v34;
	[tilespmem:s1+$0x9E40] =	vst v5  }
0x74: {  	v17 =	vadd.f32 v32, v17;
	v35 =	vunpack.i.u.bf16.f32 v29;
	v31 =	vld [tilespmem:s20+$0x4E40];
	[tilespmem:s1+$0x9E50] =	vst v29;
	v29 =	vunpack.i.l.bf16.f32 v29  }
0x75: {  	v37 =	vmul.f32 v28, v28;
	v32 =	vld [tilespmem:s20+$0x4E30];
	v36 =	vadd.bf16 v27, v39;
	v27 =	vmul.f32 v29, v29  }
0x76: {  	v14 =	vadd.f32 v13, v14;
	v3 =	vadd.f32 v29, v3;
	v38 =	vld [tilespmem:s20+$0x9E40];
	v19 =	vmov v30  }
0x77: {  	v7 =	vadd.f32 v25, v7;
	v30 =	vld [tilespmem:s20+$0x7630];
	[tilespmem:s1+$0x9E20] =	vst v36;
	v39 =	vunpack.i.u.bf16.f32 v36;
	v4 =	vadd.f32 v27, v4;
	s1 =	smov.u32 s20  }
.Ltmp1:
0x78: {  	v24 =	vadd.f32 v18, v24;
	v2 =	vadd.f32 v35, v2;
	v13 =	vmul.f32 v35, v35;
	v28 =	vld [tilespmem:s1+$0x4E50];
	(pc) =	sbr.rel @p0 .LBB2_5-.Ltmp1, $4  }
0x79: {  	v11 =	vadd.f32 v37, v11;
	v18 =	vmul.f32 v39, v39;
	v27 =	vld [tilespmem:s1+$0x9E20];
	v31 =	vadd.bf16 v33, v31  }
0x7a: {  	v12 =	vadd.f32 v34, v12;
	v15 =	vadd.f32 v39, v15;
	v33 =	vmul.f32 v25, v25;
	v29 =	vld [tilespmem:s1+$0x9E50]  }
0x7b: {  	v26 =	vadd.f32 v22, v26;
	v22 =	vunpack.i.l.bf16.f32 v36;
	v25 =	vadd.bf16 v38, v31  }
0x7c: {  	v9 =	vadd.f32 v33, v9;
	v31 =	vld [tilespmem:s1+$0x4E20];
	v32 =	vadd.bf16 v30, v32;
	v30 =	vmul.f32 v22, v22  }
0x7d: {  	_ =	sdelay $0x3  }
0x7e: {  	v19 =	vadd.bf16 v19, v31;
	_ =	sdelay $0x1  }
0x7f: {  	v16 =	vadd.bf16 v16, v28;
	v19 =	vadd.bf16 v27, v19  }
0x80: {  	v20 =	vadd.bf16 v20, v32  }
0x81: {  	v22 =	vadd.f32 v22, v26;
	[tilespmem:s1+$0x9E40] =	vst v25;
	v16 =	vadd.bf16 v29, v16;
	v27 =	vunpack.i.l.bf16.f32 v19  }
0x82: {  	v23 =	vadd.f32 v30, v23;
	[tilespmem:s1+$0x9E30] =	vst v20;
	v26 =	vmul.f32 v27, v27  }
0x83: {  	v8 =	vadd.f32 v21, v8;
	[tilespmem:s1+$0x9E50] =	vst v16;
	v21 =	vunpack.i.u.bf16.f32 v19;
	v22 =	vadd.f32 v27, v22  }
0x84: {  	v18 =	vadd.f32 v18, v24;
	[tilespmem:s1+$0x9E20] =	vst v19;
	v19 =	vmul.f32 v21, v21;
	v23 =	vadd.f32 v26, v23  }
0x85: {  	v24 =	vunpack.i.u.bf16.f32 v5;
	s20 =	simm.s32 $0xC6A0;
	v15 =	vadd.f32 v21, v15;
	v26 =	vunpack.i.l.bf16.f32 v20;
	[tilespmem:s29+$0x0] =	vst.add.f32.msk $0xffff, v22  }
0x86: {  	v5 =	vunpack.i.l.bf16.f32 v5;
	s9 =	simm.s32 $0xC630;
	v18 =	vadd.f32 v19, v18;
	v21 =	vmul.f32 v26, v26;
	[tilespmem:s20+$0x0] =	vst.add.f32.msk $0xffff, v23  }
0x87: {  	s10 =	simm.s32 $0xC6B0;
	v19 =	vunpack.i.u.bf16.f32 v20;
	v20 =	vmul.f32 v5, v5;
	v12 =	vadd.f32 v26, v12;
	[tilespmem:s9+$0x0] =	vst.add.f32.msk $0xffff, v15  }
0x88: {  	s16 =	simm.s32 $0xC640;
	v5 =	vadd.f32 v5, v17;
	v15 =	vmul.f32 v19, v19;
	v8 =	vadd.f32 v21, v8;
	[tilespmem:s10+$0x0] =	vst.add.f32.msk $0xffff, v18  }
0x89: {  	v17 =	vmul.f32 v24, v24;
	v7 =	vadd.f32 v19, v7;
	s20 =	simm.s32 $0xC6C0;
	v18 =	vunpack.i.l.bf16.f32 v25;
	[tilespmem:s16+$0x0] =	vst.add.f32.msk $0xffff, v12  }
0x8a: {  	s9 =	simm.s32 $0xC650;
	v12 =	vadd.f32 v20, v14;
	v9 =	vadd.f32 v15, v9;
	v14 =	vmul.f32 v18, v18;
	[tilespmem:s20+$0x0] =	vst.add.f32.msk $0xffff, v8  }
0x8b: {  	s10 =	simm.s32 $0xC6D0;
	v5 =	vadd.f32 v18, v5;
	v8 =	vadd.f32 v24, v10;
	v10 =	vunpack.i.u.bf16.f32 v25;
	[tilespmem:s9+$0x0] =	vst.add.f32.msk $0xffff, v7  }
0x8c: {  	s16 =	simm.s32 $0xC660;
	v7 =	vadd.f32 v17, v11;
	v11 =	vmul.f32 v10, v10;
	v12 =	vadd.f32 v14, v12;
	[tilespmem:s10+$0x0] =	vst.add.f32.msk $0xffff, v9  }
0x8d: {  	v9 =	vunpack.i.l.bf16.f32 v16;
	v8 =	vadd.f32 v10, v8;
	[tilespmem:s16+$0x0] =	vst.add.f32.msk $0xffff, v5  }
0x8e: {  	v5 =	vmul.f32 v9, v9;
	v7 =	vadd.f32 v11, v7;
	[tilespmem:s11+$0x0] =	vst.add.f32.msk $0xffff, v12  }
0x8f: {  	v10 =	vunpack.i.u.bf16.f32 v16;
	v3 =	vadd.f32 v9, v3;
	[tilespmem:s12+$0x0] =	vst.add.f32.msk $0xffff, v8  }
0x90: {  	v6 =	vadd.f32 v13, v6;
	v4 =	vadd.f32 v5, v4;
	v5 =	vmul.f32 v10, v10;
	[tilespmem:s13+$0x0] =	vst.add.f32.msk $0xffff, v7  }
0x91: {  	v2 =	vadd.f32 v10, v2;
	[tilespmem:s14+$0x0] =	vst.add.f32.msk $0xffff, v3  }
0x92: {  	s20 =	sadd.s32 s4, s0;
	v3 =	vadd.f32 v5, v6;
	[tilespmem:s24+$0x0] =	vst.add.f32.msk $0xffff, v4  }
0x93: {  	s1 =	sshll.u32 s20, $0x3;
	[tilespmem:s25+$0x0] =	vst.add.f32.msk $0xffff, v2  }
0x94: {  	s1 =	sadd.s32 s7, s1;
	s10 =	simm.s32 $0x9E20;
	s16 =	simm.s32 $0x0;
	[tilespmem:s18+$0x0] =	vst.add.f32.msk $0xffff, v3  }
0x95: {  	[hbm4b:s1+s16] =	stream.linear.scatter [tilespmem:s10], [sflag:$0x7], $0x1400, $0x38;
	[tilespmem:$0xEE30] =	vst v63  }
0x96: {  	_ =	swait.ge [sflag:s15], $0x1400  }
0x97: {  	[sflag:s15] =	ssyncset.done $0x0  }
0x98: {  	[sflag:s15] =	ssyncadd.s32 $0xFFFFEC00  }
0x99: {  	_ =	swait.ge [sflag:s19], $0x1400  }
0x9a: {  	[sflag:s19] =	ssyncset.done $0x0  }
0x9b: {  	[sflag:s19] =	ssyncadd.s32 $0xFFFFEC00  }
0x9c: {  	_ =	swait.ge [sflag:s3], $0x1400  }
0x9d: {  	[sflag:s3] =	ssyncset.done $0x0  }
0x9e: {  	[sflag:s3] =	ssyncadd.s32 $0xFFFFEC00  }
0x9f: {  	_ =	swait.ge [sflag:s2], $0x1400  }
0xa0: {  	[sflag:s2] =	ssyncset.done $0x0  }
0xa1: {  	[sflag:s2] =	ssyncadd.s32 $0xFFFFEC00  }
0xa2: {  	s9 =	simm.s32 $0x4E20;
	s1 =	sadd.s32 $0xA0, s0;
	s20 =	rddreg [dreg:$0x0]  }
0xa3: {  	[tilespmem:s9], [sflag:$0x1] =	stream.indirect.gather [hbm4b:s20+s17], $0x40, s1, s17, $0xb8;
	[tilespmem:$0xEE30] =	vst v63  }
0xa4: {  	s1 =	sadd.s32 s4, s1  }
0xa5: {  	s20 =	sadd.s32 $0x27B0, s0;
	s9 =	simm.s32 $0x7620;
	s1 =	sshll.u32 s1, $0x3  }
0xa6: {  	[tilespmem:s9], [sflag:$0x3] =	stream.indirect.gather [hbm4b:s5+s17], $0x40, s20, s17, $0xb8;
	[tilespmem:$0xEE30] =	vst v63  }
0xa7: {  	s1 =	sand.u32 $0x1FFFFF80, s1  }
0xa8: {  	s1 =	sadd.s32 s6, s1  }
0xa9: {  	[tilespmem:s10], [sflag:$0x5] =	stream.linear.gather [hbm4b:s1+s16], $0x1400, $0x38;
	[tilespmem:$0xEE30] =	vst v63  }
0xaa: {  	v2 =	vld [tilespmem:s0+$0x50];
	_ =	sdelay $0x7  }
0xab: {  	[tilespmem:v2+s28+$0x0] =	vst.idx.add.f32.msk $0xffff, v1  }
0xac: {  	v2 =	vld [tilespmem:s31+$0x10];
	_ =	sdelay $0x7  }
0xad: {  	[tilespmem:v2+s28+$0x0] =	vst.idx.add.f32.msk $0xffff, v1  }
0xae: {  	v2 =	vld [tilespmem:s31+$0x20];
	_ =	sdelay $0x7  }
0xaf: {  	[tilespmem:v2+s28+$0x0] =	vst.idx.add.f32.msk $0xffff, v1  }
0xb0: {  	v2 =	vld [tilespmem:s31+$0x30];
	_ =	sdelay $0x7  }
0xb1: {  	[tilespmem:v2+s28+$0x0] =	vst.idx.add.f32.msk $0xffff, v1  }
0xb2: {  	v2 =	vld [tilespmem:s31+$0x40];
	_ =	sdelay $0x7  }
0xb3: {  	s31 =	simm.s32 $0x0;
	[tilespmem:v2+s28+$0x0] =	vst.idx.add.f32.msk $0xffff, v1  }
0xb4: {  	v2 =	vld [tilespmem:s31+$0x8A40]  }
0xb5: {  	v3 =	vld [tilespmem:s31+$0x8A20]  }
0xb6: {  	v4 =	vld [tilespmem:s31+$0x8A50]  }
0xb7: {  	v5 =	vld [tilespmem:s31+$0xB230]  }
0xb8: {  	v6 =	vld [tilespmem:s31+$0x6230]  }
0xb9: {  	v7 =	vld [tilespmem:s31+$0x8A30]  }
0xba: {  	v8 =	vld [tilespmem:s31+$0x6240]  }
0xbb: {  	v9 =	vld [tilespmem:s31+$0xB240]  }
0xbc: {  	v10 =	vld [tilespmem:s31+$0x6250]  }
0xbd: {  	v11 =	vld [tilespmem:s31+$0xB250]  }
0xbe: {  	v12 =	vld [tilespmem:s31+$0x6220];
	v6 =	vadd.bf16 v7, v6  }
0xbf: {  	v2 =	vadd.bf16 v2, v8  }
0xc0: {  	s0 =	simm.s32 $0x40;
	v7 =	vld [tilespmem:s31+$0xB220];
	v6 =	vadd.bf16 v5, v6  }
0xc1: {  	v14 =	vld [tilespmem:s0+$0x8A40];
	v5 =	vadd.bf16 v9, v2;
	v2 =	vadd.bf16 v4, v10  }
0xc2: {  	v19 =	vld [tilespmem:s0+$0x8A20]  }
0xc3: {  	v16 =	vld [tilespmem:s0+$0x8A50];
	v3 =	vadd.bf16 v3, v12;
	[tilespmem:s31+$0xB230] =	vst v6;
	v2 =	vadd.bf16 v11, v2  }
0xc4: {  	v26 =	vimm.f32 $0.0e+00;
	v8 =	vimm.f32 $0.0e+00;
	v20 =	vld [tilespmem:s0+$0xB230];
	[tilespmem:s31+$0xB240] =	vst v5  }
0xc5: {  	v10 =	vunpack.i.u.bf16.f32 v6;
	v6 =	vunpack.i.l.bf16.f32 v6;
	v17 =	vadd.bf16 v7, v3;
	v9 =	vld [tilespmem:s0+$0x6240];
	[tilespmem:s31+$0xB250] =	vst v2  }
0xc6: {  	v21 =	vmul.f32 v6, v6;
	v7 =	vadd.f32 v10, v8;
	v4 =	vunpack.i.l.bf16.f32 v2;
	v11 =	vld [tilespmem:s0+$0x6230]  }
0xc7: {  	v12 =	vunpack.i.u.bf16.f32 v2;
	v2 =	vmul.f32 v4, v4;
	v24 =	vld [tilespmem:s0+$0x8A30];
	v3 =	vadd.f32 v4, v8  }
0xc8: {  	v23 =	vld [tilespmem:s0+$0xB240];
	v15 =	vunpack.i.u.bf16.f32 v17;
	v13 =	vmul.f32 v12, v12;
	v22 =	vunpack.i.l.bf16.f32 v17  }
0xc9: {  	[tilespmem:s31+$0xB220] =	vst v17;
	v17 =	vimm.f32 $0.0e+00;
	v18 =	vmul.f32 v15, v15;
	v15 =	vadd.f32 v15, v8  }
0xca: {  	v28 =	vld [tilespmem:s0+$0x6250];
	v30 =	vmul.f32 v22, v22;
	v4 =	vadd.f32 v2, v8;
	v2 =	vadd.f32 v12, v8  }
0xcb: {  	v12 =	vadd.f32 v6, v8;
	v6 =	vmul.f32 v10, v10;
	v9 =	vadd.bf16 v14, v9  }
0xcc: {  	v29 =	vld [tilespmem:s0+$0xB250];
	v10 =	vimm.f32 $0.0e+00;
	v14 =	vimm.f32 $0.0e+00;
	v32 =	vadd.bf16 v24, v11  }
0xcd: {  	v27 =	vld [tilespmem:s0+$0xB220];
	v24 =	vimm.f32 $0.0e+00;
	v11 =	vimm.f32 $0.0e+00;
	v25 =	vadd.bf16 v23, v9  }
0xce: {  	s9 =	simm.s32 $0x9E20;
	s1 =	simm.s32 $0x200;
	v31 =	vld [tilespmem:s0+$0x6220];
	v9 =	vadd.f32 v6, v8;
	v23 =	vimm.f32 $0.0e+00;
	v6 =	vimm.f32 $0.0e+00  }
.LBB2_7:
0xcf: {  	s16 =	sshra.s32 s1, $0x2;
	p0 =	sne.s32 s1, $0x4F00;
	s1 =	sadd.s32 $0x100, s1;
	v16 =	vadd.bf16 v16, v28;
	v8 =	vadd.f32 v21, v8  }
0xd0: {  	v28 =	vunpack.i.u.bf16.f32 v5;
	v33 =	vld [tilespmem:s16+$0x8A40];
	v20 =	vadd.bf16 v20, v32;
	v23 =	vadd.f32 v30, v23  }
0xd1: {  	v6 =	vadd.f32 v13, v6;
	v32 =	vunpack.i.l.bf16.f32 v5;
	v5 =	vmovc v25;
	v30 =	vld [tilespmem:s16+$0x8A20];
	v29 =	vadd.bf16 v29, v16  }
0xd2: {  	v13 =	vmul.f32 v32, v32;
	v16 =	vld [tilespmem:s16+$0x8A50];
	[tilespmem:s0+$0xB230] =	vst v20;
	v25 =	vunpack.i.u.bf16.f32 v20;
	v34 =	vunpack.i.l.bf16.f32 v20  }
0xd3: {  	v10 =	vadd.f32 v28, v10;
	v20 =	vld [tilespmem:s16+$0xB230];
	v39 =	vadd.bf16 v19, v31;
	v21 =	vmul.f32 v34, v34;
	[tilespmem:s0+$0xB240] =	vst v5  }
0xd4: {  	v17 =	vadd.f32 v32, v17;
	v35 =	vunpack.i.u.bf16.f32 v29;
	v31 =	vld [tilespmem:s16+$0x6240];
	[tilespmem:s0+$0xB250] =	vst v29;
	v29 =	vunpack.i.l.bf16.f32 v29  }
0xd5: {  	v37 =	vmul.f32 v28, v28;
	v32 =	vld [tilespmem:s16+$0x6230];
	v36 =	vadd.bf16 v27, v39;
	v27 =	vmul.f32 v29, v29  }
0xd6: {  	v14 =	vadd.f32 v13, v14;
	v3 =	vadd.f32 v29, v3;
	v38 =	vld [tilespmem:s16+$0xB240];
	v19 =	vmov v30  }
0xd7: {  	v7 =	vadd.f32 v25, v7;
	v30 =	vld [tilespmem:s16+$0x8A30];
	[tilespmem:s0+$0xB220] =	vst v36;
	v39 =	vunpack.i.u.bf16.f32 v36;
	v4 =	vadd.f32 v27, v4;
	s0 =	smov.u32 s16  }
.Ltmp2:
0xd8: {  	v24 =	vadd.f32 v18, v24;
	v2 =	vadd.f32 v35, v2;
	v13 =	vmul.f32 v35, v35;
	v28 =	vld [tilespmem:s0+$0x6250];
	(pc) =	sbr.rel @p0 .LBB2_7-.Ltmp2, $4  }
0xd9: {  	v11 =	vadd.f32 v37, v11;
	v18 =	vmul.f32 v39, v39;
	v27 =	vld [tilespmem:s0+$0xB220];
	v31 =	vadd.bf16 v33, v31  }
0xda: {  	v12 =	vadd.f32 v34, v12;
	v15 =	vadd.f32 v39, v15;
	v33 =	vmul.f32 v25, v25;
	v29 =	vld [tilespmem:s0+$0xB250]  }
0xdb: {  	v26 =	vadd.f32 v22, v26;
	v22 =	vunpack.i.l.bf16.f32 v36;
	v25 =	vadd.bf16 v38, v31  }
0xdc: {  	v9 =	vadd.f32 v33, v9;
	v31 =	vld [tilespmem:s0+$0x6220];
	v32 =	vadd.bf16 v30, v32;
	v30 =	vmul.f32 v22, v22  }
0xdd: {  	_ =	sdelay $0x3  }
0xde: {  	v19 =	vadd.bf16 v19, v31;
	_ =	sdelay $0x1  }
0xdf: {  	v16 =	vadd.bf16 v16, v28;
	v19 =	vadd.bf16 v27, v19  }
0xe0: {  	v20 =	vadd.bf16 v20, v32  }
0xe1: {  	v22 =	vadd.f32 v22, v26;
	[tilespmem:s0+$0xB240] =	vst v25;
	v16 =	vadd.bf16 v29, v16;
	v27 =	vunpack.i.l.bf16.f32 v19  }
0xe2: {  	v23 =	vadd.f32 v30, v23;
	[tilespmem:s0+$0xB230] =	vst v20;
	v42 =	vmul.f32 v27, v27  }
0xe3: {  	v8 =	vadd.f32 v21, v8;
	[tilespmem:s0+$0xB250] =	vst v16;
	v43 =	vunpack.i.u.bf16.f32 v19;
	v22 =	vadd.f32 v27, v22  }
0xe4: {  	v18 =	vadd.f32 v18, v24;
	[tilespmem:s0+$0xB220] =	vst v19;
	v44 =	vmul.f32 v43, v43;
	v23 =	vadd.f32 v42, v23  }
0xe5: {  	v45 =	vunpack.i.u.bf16.f32 v5;
	s10 =	simm.s32 $0xC6A0;
	v46 =	vunpack.i.l.bf16.f32 v20;
	v15 =	vadd.f32 v43, v15;
	[tilespmem:s29+$0x0] =	vst.add.f32.msk $0xffff, v22  }
0xe6: {  	v47 =	vunpack.i.l.bf16.f32 v5;
	s16 =	simm.s32 $0xC630;
	v48 =	vmul.f32 v46, v46;
	v18 =	vadd.f32 v44, v18;
	[tilespmem:s10+$0x0] =	vst.add.f32.msk $0xffff, v23  }
0xe7: {  	s20 =	simm.s32 $0xC6B0;
	v53 =	vunpack.i.l.bf16.f32 v25;
	v49 =	vunpack.i.u.bf16.f32 v20;
	v12 =	vadd.f32 v46, v12;
	[tilespmem:s16+$0x0] =	vst.add.f32.msk $0xffff, v15  }
0xe8: {  	s31 =	simm.s32 $0xC640;
	v50 =	vmul.f32 v47, v47;
	v51 =	vmul.f32 v49, v49;
	v8 =	vadd.f32 v48, v8;
	[tilespmem:s20+$0x0] =	vst.add.f32.msk $0xffff, v18  }
0xe9: {  	s1 =	simm.s32 $0xC6C0;
	v5 =	vadd.f32 v47, v17;
	v52 =	vmul.f32 v45, v45;
	v7 =	vadd.f32 v49, v7;
	[tilespmem:s31+$0x0] =	vst.add.f32.msk $0xffff, v12  }
0xea: {  	v55 =	vmul.f32 v53, v53;
	v54 =	vadd.f32 v50, v14;
	v9 =	vadd.f32 v51, v9;
	s10 =	simm.s32 $0xC650;
	[tilespmem:s1+$0x0] =	vst.add.f32.msk $0xffff, v8  }
0xeb: {  	v57 =	vunpack.i.u.bf16.f32 v25;
	v56 =	vadd.f32 v45, v10;
	v5 =	vadd.f32 v53, v5;
	s16 =	simm.s32 $0xC6D0;
	[tilespmem:s10+$0x0] =	vst.add.f32.msk $0xffff, v7  }
0xec: {  	v59 =	vmul.f32 v57, v57;
	v58 =	vadd.f32 v52, v11;
	s20 =	simm.s32 $0xC660;
	v12 =	vadd.f32 v55, v54;
	[tilespmem:s16+$0x0] =	vst.add.f32.msk $0xffff, v9  }
0xed: {  	v60 =	vunpack.i.l.bf16.f32 v16;
	v8 =	vadd.f32 v57, v56;
	[tilespmem:s20+$0x0] =	vst.add.f32.msk $0xffff, v5  }
0xee: {  	v61 =	vmul.f32 v60, v60;
	v7 =	vadd.f32 v59, v58;
	[tilespmem:s11+$0x0] =	vst.add.f32.msk $0xffff, v12  }
0xef: {  	v62 =	vunpack.i.u.bf16.f32 v16;
	v3 =	vadd.f32 v60, v3;
	[tilespmem:s12+$0x0] =	vst.add.f32.msk $0xffff, v8  }
0xf0: {  	v6 =	vadd.f32 v13, v6;
	v63 =	vmul.f32 v62, v62;
	v4 =	vadd.f32 v61, v4;
	[tilespmem:s13+$0x0] =	vst.add.f32.msk $0xffff, v7  }
0xf1: {  	v2 =	vadd.f32 v62, v2;
	[tilespmem:s14+$0x0] =	vst.add.f32.msk $0xffff, v3  }
0xf2: {  	s26 =	sadd.s32 $0x1, s26;
	v3 =	vadd.f32 v63, v6;
	[tilespmem:s24+$0x0] =	vst.add.f32.msk $0xffff, v4  }
0xf3: {  	p0 =	sne.s32 s26, $0x3E;
	[tilespmem:s25+$0x0] =	vst.add.f32.msk $0xffff, v2  }
.Ltmp3:
0xf4: {  	s31 =	sadd.s32 s7, s30;
	s10 =	simm.s32 $0xB220;
	[tilespmem:s18+$0x0] =	vst.add.f32.msk $0xffff, v3;
	(pc) =	sbr.rel @p0 .LBB2_4-.Ltmp3, $4  }
0xf5: {  	[hbm4b:s31+s8] =	stream.linear.scatter [tilespmem:s10], [sflag:$0x7], $0x1400, $0x38;
	[tilespmem:$0xEE30] =	vst v63  }
0xf6: {  	_ =	swait.ge [sflag:s15], $0x1400  }
0xf7: {  	[sflag:s15] =	ssyncset.done $0x0  }
0xf8: {  	[sflag:s15] =	ssyncadd.s32 $0xFFFFEC00  }
0xf9: {  	_ =	swait.ge [sflag:s21], $0x1400  }
0xfa: {  	[sflag:s21] =	ssyncset.done $0x0  }
0xfb: {  	[sflag:s21] =	ssyncadd.s32 $0xFFFFEC00  }
0xfc: {  	_ =	swait.ge [sflag:s22], $0x1400  }
0xfd: {  	[sflag:s22] =	ssyncset.done $0x0  }
0xfe: {  	[sflag:s22] =	ssyncadd.s32 $0xFFFFEC00  }
0xff: {  	_ =	swait.ge [sflag:s23], $0x1400  }
0x100: {  	[sflag:s23] =	ssyncset.done $0x0  }
0x101: {  	[sflag:s23] =	ssyncadd.s32 $0xFFFFEC00  }
0x102: {  	v2 =	vld [tilespmem:$0x26C0];
	_ =	sdelay $0x7  }
0x103: {  	[tilespmem:v2+s28+$0x0] =	vst.idx.add.f32.msk $0xffff, v1  }
0x104: {  	v2 =	vld [tilespmem:$0x26D0];
	_ =	sdelay $0x7  }
0x105: {  	[tilespmem:v2+s28+$0x0] =	vst.idx.add.f32.msk $0xffff, v1  }
0x106: {  	v2 =	vld [tilespmem:$0x26E0];
	_ =	sdelay $0x7  }
0x107: {  	[tilespmem:v2+s28+$0x0] =	vst.idx.add.f32.msk $0xffff, v1  }
0x108: {  	v2 =	vld [tilespmem:$0x26F0];
	_ =	sdelay $0x7  }
0x109: {  	[tilespmem:v2+s28+$0x0] =	vst.idx.add.f32.msk $0xffff, v1  }
0x10a: {  	v2 =	vld [tilespmem:$0x2700];
	_ =	sdelay $0x7  }
0x10b: {  	s1 =	simm.s32 $0x0;
	[tilespmem:v2+s28+$0x0] =	vst.idx.add.f32.msk $0xffff, v1  }
0x10c: {  	v2 =	vld [tilespmem:s1+$0x7640]  }
0x10d: {  	v3 =	vld [tilespmem:s1+$0x7620]  }
0x10e: {  	v4 =	vld [tilespmem:s1+$0x7650]  }
0x10f: {  	v5 =	vld [tilespmem:s1+$0x9E30]  }
0x110: {  	v6 =	vld [tilespmem:s1+$0x4E30]  }
0x111: {  	v7 =	vld [tilespmem:s1+$0x7630]  }
0x112: {  	v8 =	vld [tilespmem:s1+$0x4E40]  }
0x113: {  	v9 =	vld [tilespmem:s1+$0x9E40]  }
0x114: {  	v10 =	vld [tilespmem:s1+$0x4E50]  }
0x115: {  	v11 =	vld [tilespmem:s1+$0x9E50]  }
0x116: {  	v12 =	vld [tilespmem:s1+$0x4E20];
	v6 =	vadd.bf16 v7, v6  }
0x117: {  	v2 =	vadd.bf16 v2, v8  }
0x118: {  	s0 =	simm.s32 $0x40;
	v7 =	vld [tilespmem:s1+$0x9E20];
	v6 =	vadd.bf16 v5, v6  }
0x119: {  	v14 =	vld [tilespmem:s0+$0x7640];
	v5 =	vadd.bf16 v9, v2;
	v2 =	vadd.bf16 v4, v10  }
0x11a: {  	v19 =	vld [tilespmem:s0+$0x7620]  }
0x11b: {  	v16 =	vld [tilespmem:s0+$0x7650];
	v3 =	vadd.bf16 v3, v12;
	[tilespmem:s1+$0x9E30] =	vst v6;
	v2 =	vadd.bf16 v11, v2  }
0x11c: {  	v26 =	vimm.f32 $0.0e+00;
	v8 =	vimm.f32 $0.0e+00;
	v20 =	vld [tilespmem:s0+$0x9E30];
	[tilespmem:s1+$0x9E40] =	vst v5  }
0x11d: {  	v10 =	vunpack.i.u.bf16.f32 v6;
	v6 =	vunpack.i.l.bf16.f32 v6;
	v17 =	vadd.bf16 v7, v3;
	v9 =	vld [tilespmem:s0+$0x4E40];
	[tilespmem:s1+$0x9E50] =	vst v2  }
0x11e: {  	v21 =	vmul.f32 v6, v6;
	v7 =	vadd.f32 v10, v8;
	v4 =	vunpack.i.l.bf16.f32 v2;
	v11 =	vld [tilespmem:s0+$0x4E30]  }
0x11f: {  	v12 =	vunpack.i.u.bf16.f32 v2;
	v2 =	vmul.f32 v4, v4;
	v24 =	vld [tilespmem:s0+$0x7630];
	v3 =	vadd.f32 v4, v8  }
0x120: {  	v23 =	vld [tilespmem:s0+$0x9E40];
	v15 =	vunpack.i.u.bf16.f32 v17;
	v13 =	vmul.f32 v12, v12;
	v22 =	vunpack.i.l.bf16.f32 v17  }
0x121: {  	[tilespmem:s1+$0x9E20] =	vst v17;
	v17 =	vimm.f32 $0.0e+00;
	v18 =	vmul.f32 v15, v15;
	v15 =	vadd.f32 v15, v8  }
0x122: {  	v28 =	vld [tilespmem:s0+$0x4E50];
	v30 =	vmul.f32 v22, v22;
	v4 =	vadd.f32 v2, v8;
	v2 =	vadd.f32 v12, v8  }
0x123: {  	v12 =	vadd.f32 v6, v8;
	v6 =	vmul.f32 v10, v10;
	v9 =	vadd.bf16 v14, v9  }
0x124: {  	v29 =	vld [tilespmem:s0+$0x9E50];
	v10 =	vimm.f32 $0.0e+00;
	v14 =	vimm.f32 $0.0e+00;
	v32 =	vadd.bf16 v24, v11  }
0x125: {  	v27 =	vld [tilespmem:s0+$0x9E20];
	v24 =	vimm.f32 $0.0e+00;
	v11 =	vimm.f32 $0.0e+00;
	v25 =	vadd.bf16 v23, v9  }
0x126: {  	s1 =	simm.s32 $0x200;
	v31 =	vld [tilespmem:s0+$0x4E20];
	v9 =	vadd.f32 v6, v8;
	v23 =	vimm.f32 $0.0e+00;
	v6 =	vimm.f32 $0.0e+00  }
.LBB2_10:
0x127: {  	s16 =	sshra.s32 s1, $0x2;
	p0 =	sne.s32 s1, $0x4F00;
	s1 =	sadd.s32 $0x100, s1;
	v16 =	vadd.bf16 v16, v28;
	v8 =	vadd.f32 v21, v8  }
0x128: {  	v28 =	vunpack.i.u.bf16.f32 v5;
	v33 =	vld [tilespmem:s16+$0x7640];
	v20 =	vadd.bf16 v20, v32;
	v23 =	vadd.f32 v30, v23  }
0x129: {  	v6 =	vadd.f32 v13, v6;
	v32 =	vunpack.i.l.bf16.f32 v5;
	v5 =	vmovc v25;
	v30 =	vld [tilespmem:s16+$0x7620];
	v29 =	vadd.bf16 v29, v16  }
0x12a: {  	v13 =	vmul.f32 v32, v32;
	v16 =	vld [tilespmem:s16+$0x7650];
	[tilespmem:s0+$0x9E30] =	vst v20;
	v25 =	vunpack.i.u.bf16.f32 v20;
	v34 =	vunpack.i.l.bf16.f32 v20  }
0x12b: {  	v10 =	vadd.f32 v28, v10;
	v20 =	vld [tilespmem:s16+$0x9E30];
	v39 =	vadd.bf16 v19, v31;
	v21 =	vmul.f32 v34, v34;
	[tilespmem:s0+$0x9E40] =	vst v5  }
0x12c: {  	v17 =	vadd.f32 v32, v17;
	v35 =	vunpack.i.u.bf16.f32 v29;
	v31 =	vld [tilespmem:s16+$0x4E40];
	[tilespmem:s0+$0x9E50] =	vst v29;
	v29 =	vunpack.i.l.bf16.f32 v29  }
0x12d: {  	v37 =	vmul.f32 v28, v28;
	v32 =	vld [tilespmem:s16+$0x4E30];
	v36 =	vadd.bf16 v27, v39;
	v27 =	vmul.f32 v29, v29  }
0x12e: {  	v14 =	vadd.f32 v13, v14;
	v3 =	vadd.f32 v29, v3;
	v38 =	vld [tilespmem:s16+$0x9E40];
	v19 =	vmov v30  }
0x12f: {  	v7 =	vadd.f32 v25, v7;
	v30 =	vld [tilespmem:s16+$0x7630];
	[tilespmem:s0+$0x9E20] =	vst v36;
	v39 =	vunpack.i.u.bf16.f32 v36;
	v4 =	vadd.f32 v27, v4;
	s0 =	smov.u32 s16  }
.Ltmp4:
0x130: {  	v24 =	vadd.f32 v18, v24;
	v2 =	vadd.f32 v35, v2;
	v13 =	vmul.f32 v35, v35;
	v28 =	vld [tilespmem:s0+$0x4E50];
	(pc) =	sbr.rel @p0 .LBB2_10-.Ltmp4, $4  }
0x131: {  	v11 =	vadd.f32 v37, v11;
	v18 =	vmul.f32 v39, v39;
	v27 =	vld [tilespmem:s0+$0x9E20];
	v31 =	vadd.bf16 v33, v31  }
0x132: {  	v12 =	vadd.f32 v34, v12;
	v15 =	vadd.f32 v39, v15;
	v33 =	vmul.f32 v25, v25;
	v29 =	vld [tilespmem:s0+$0x9E50]  }
0x133: {  	v26 =	vadd.f32 v22, v26;
	v22 =	vunpack.i.l.bf16.f32 v36;
	v25 =	vadd.bf16 v38, v31  }
0x134: {  	v9 =	vadd.f32 v33, v9;
	v31 =	vld [tilespmem:s0+$0x4E20];
	v32 =	vadd.bf16 v30, v32;
	v30 =	vmul.f32 v22, v22  }
0x135: {  	_ =	sdelay $0x3  }
0x136: {  	v19 =	vadd.bf16 v19, v31;
	_ =	sdelay $0x1  }
0x137: {  	v16 =	vadd.bf16 v16, v28;
	v19 =	vadd.bf16 v27, v19  }
0x138: {  	v20 =	vadd.bf16 v20, v32  }
0x139: {  	v22 =	vadd.f32 v22, v26;
	[tilespmem:s0+$0x9E40] =	vst v25;
	v16 =	vadd.bf16 v29, v16;
	v27 =	vunpack.i.l.bf16.f32 v19  }
0x13a: {  	v23 =	vadd.f32 v30, v23;
	[tilespmem:s0+$0x9E30] =	vst v20;
	v42 =	vmul.f32 v27, v27  }
0x13b: {  	v8 =	vadd.f32 v21, v8;
	[tilespmem:s0+$0x9E50] =	vst v16;
	v43 =	vunpack.i.u.bf16.f32 v19;
	v22 =	vadd.f32 v27, v22  }
0x13c: {  	v18 =	vadd.f32 v18, v24;
	[tilespmem:s0+$0x9E20] =	vst v19;
	v44 =	vmul.f32 v43, v43;
	v23 =	vadd.f32 v42, v23  }
0x13d: {  	v45 =	vunpack.i.u.bf16.f32 v5;
	s8 =	simm.s32 $0xC6A0;
	v46 =	vunpack.i.l.bf16.f32 v20;
	v15 =	vadd.f32 v43, v15;
	[tilespmem:s29+$0x0] =	vst.add.f32.msk $0xffff, v22  }
0x13e: {  	v47 =	vunpack.i.l.bf16.f32 v5;
	s16 =	simm.s32 $0xC630;
	v48 =	vmul.f32 v46, v46;
	v18 =	vadd.f32 v44, v18;
	[tilespmem:s8+$0x0] =	vst.add.f32.msk $0xffff, v23  }
0x13f: {  	s20 =	simm.s32 $0xC6B0;
	v53 =	vunpack.i.l.bf16.f32 v25;
	v49 =	vunpack.i.u.bf16.f32 v20;
	v12 =	vadd.f32 v46, v12;
	[tilespmem:s16+$0x0] =	vst.add.f32.msk $0xffff, v15  }
0x140: {  	s26 =	simm.s32 $0xC640;
	v50 =	vmul.f32 v47, v47;
	v51 =	vmul.f32 v49, v49;
	v8 =	vadd.f32 v48, v8;
	[tilespmem:s20+$0x0] =	vst.add.f32.msk $0xffff, v18  }
0x141: {  	s30 =	simm.s32 $0xC6C0;
	v5 =	vadd.f32 v47, v17;
	v52 =	vmul.f32 v45, v45;
	v7 =	vadd.f32 v49, v7;
	[tilespmem:s26+$0x0] =	vst.add.f32.msk $0xffff, v12  }
0x142: {  	s31 =	simm.s32 $0xC650;
	v55 =	vmul.f32 v53, v53;
	v54 =	vadd.f32 v50, v14;
	v9 =	vadd.f32 v51, v9;
	[tilespmem:s30+$0x0] =	vst.add.f32.msk $0xffff, v8  }
0x143: {  	v57 =	vunpack.i.u.bf16.f32 v25;
	s1 =	simm.s32 $0xC6D0;
	v56 =	vadd.f32 v45, v10;
	v5 =	vadd.f32 v53, v5;
	[tilespmem:s31+$0x0] =	vst.add.f32.msk $0xffff, v7  }
0x144: {  	v59 =	vmul.f32 v57, v57;
	v58 =	vadd.f32 v52, v11;
	s8 =	simm.s32 $0xC660;
	v12 =	vadd.f32 v55, v54;
	[tilespmem:s1+$0x0] =	vst.add.f32.msk $0xffff, v9  }
0x145: {  	v60 =	vunpack.i.l.bf16.f32 v16;
	v8 =	vadd.f32 v57, v56;
	[tilespmem:s8+$0x0] =	vst.add.f32.msk $0xffff, v5  }
0x146: {  	v61 =	vmul.f32 v60, v60;
	v7 =	vadd.f32 v59, v58;
	[tilespmem:s11+$0x0] =	vst.add.f32.msk $0xffff, v12  }
0x147: {  	v62 =	vunpack.i.u.bf16.f32 v16;
	v3 =	vadd.f32 v60, v3;
	[tilespmem:s12+$0x0] =	vst.add.f32.msk $0xffff, v8  }
0x148: {  	v6 =	vadd.f32 v13, v6;
	v63 =	vmul.f32 v62, v62;
	v4 =	vadd.f32 v61, v4;
	[tilespmem:s13+$0x0] =	vst.add.f32.msk $0xffff, v7  }
0x149: {  	v2 =	vadd.f32 v62, v2;
	[tilespmem:s14+$0x0] =	vst.add.f32.msk $0xffff, v3  }
0x14a: {  	v3 =	vadd.f32 v63, v6;
	[tilespmem:s24+$0x0] =	vst.add.f32.msk $0xffff, v4  }
0x14b: {  	[tilespmem:s25+$0x0] =	vst.add.f32.msk $0xffff, v2  }
0x14c: {  	s16 =	simm.s32 $0x0;
	s1 =	rddreg [dreg:$0x6];
	[tilespmem:s18+$0x0] =	vst.add.f32.msk $0xffff, v3  }
0x14d: {  	[hbm4b:s1+s16] =	stream.linear.scatter [tilespmem:s9], [sflag:$0x7], $0x1400, $0x38;
	[tilespmem:$0xEE30] =	vst v63  }
0x14e: {  	_ =	swait.ge [sflag:s15], $0x1400  }
0x14f: {  	[sflag:s15] =	ssyncset.done $0x0  }
0x150: {  	s20 =	rddreg [dreg:$0x7];
	[sflag:s15] =	ssyncadd.s32 $0xFFFFEC00  }
0x151: {  	[hbm4b:s20+s16] =	stream.linear.scatter [tilespmem:s29], [sflag:$0x7], $0x100, $0x38;
	[tilespmem:$0xEE30] =	vst v63  }
0x152: {  	_ =	swait.ge [sflag:s15], $0x100  }
0x153: {  	[sflag:s15] =	ssyncset.done $0x0  }
0x154: {  	s26 =	rddreg [dreg:$0x8];
	[sflag:s15] =	ssyncadd.s32 $0xFFFFFF00  }
0x155: {  	[hbm4b:s26+s16] =	stream.linear.scatter [tilespmem:s28], [sflag:$0x7], $0x2710, $0x38;
	[tilespmem:$0xEE30] =	vst v63  }
0x156: {  	_ =	swait.ge [sflag:s15], $0x2710  }
0x157: {  	s30 =	rddreg [dreg:$0xa]  }
0x158: {  	s31 =	rddreg [dreg:$0x9];
	s1 =	sadd.s32 $0x1, s30  }
0x159: {  	p0 =	sne.s32 s1, s31  }
.Ltmp5:
0x15a: {  	_ = 	snop;
	(pc) =	sbr.rel @p0 .LBB2_1-.Ltmp5, $3  }
0x15b: {  	_ =	sdelay $0x1  }
0x15c: {  	[sflag:s15] =	ssyncset.done $0x0  }
0x15d: {  	s8 =	simm.s32 $0x0;
	[sflag:s15] =	ssyncadd.s32 $0xFFFFD8F0  }
0x15e: {  	_ =	sfence.sel $0x180000  }
0x15f: {  	[bflag:$0x0] =	sbarrier.arrive $0xFFFF  }
0x160: {  	_ =	strace $0x90000047  }
0x161: {  	s0 =	stileid.u32;
	[bflag:$0x2] =	sbarrier.arrive $0xFFFF  }
0x162: {  	p0 =	sne.s32 s0, $0x0;
	s0 =	rddreg [dreg:$0x2]  }
0x163: {  	s0 =	sadd.s32 @!p0 $0x100000, s0  }
0x164: {  	[sflag:s0] =	ssyncadd.tile.s32 @!p0 $0x1;
	_ =	shalt  }
.Lfunc_end2:
_tile_overlayer_lowered:
.L_overlay_start_2:
0x165: {  	(tag) =	ssettag $0x2  }
0x166: {  	s0 =	rddreg [dreg:$0x0];
	s2 =	stileid.u32  }
0x167: {  	s1 =	rddreg [dreg:$0x1];
	p0 =	sne.s32 s2, $0x0  }
0x168: {  	s3 =	rddreg [dreg:$0x2];
	[bflag:$0x3] =	sbarrier.arrive $0xFFFF;
	s2 =	simm.s32 @!p0 $0x1C07  }
0x169: {  	[timem:s3], [sflag:s2] =	dma.local @!p0 [hbm:s0], s1  }
0x16a: {  	s0 =	simm.s32 @!p0 $0x7  }
0x16b: {  	_ =	swait.ge @!p0 [sflag:s0], s1  }
0x16c: {  	s1 =	ssub.s32 @!p0 $0x0, s1;
	[sflag:s0] =	ssyncset.done @!p0 $0x0  }
0x16d: {  	[sflag:s0] =	ssyncadd.s32 @!p0 s1  }
0x16e: {  	[bflag:$0x3] =	sbarrier.arrive $0xFFFF  }
0x16f: {  	_ =	shalt  }

</sc_bundles>
